<compile_context>
chip_gen: v7x
topology: tpu7x:2x2x1
jax: 0.10.2.dev20260603
libtpu: 0.0.44.dev20260713+nightly
codegen_flags: <defaults>
</compile_context>

<pallas_src>
import functools
import jax
import jax.numpy as jnp
from jax import lax
from jax.experimental import pallas as pl
from jax.experimental.pallas import tpu as pltpu
from jax.experimental.pallas import tpu_sc as plsc

E = 64
K = 2
D = 768
H = 256
O = 768
T = 512
A = T * K
CHUNK = 128


def _meta_body(idx_row_ref, offs_ref, pos_ref):
    f32 = jnp.float32
    i32 = jnp.int32
    idxr = idx_row_ref[...]
    iota_e = jax.lax.broadcasted_iota(i32, (E, A), 0)
    ohR = (jnp.broadcast_to(idxr, (E, A)) == iota_e).astype(i32)

    c = ohR
    k = 1
    while k < A:
        z = jnp.zeros((E, k), i32)
        c = c + jnp.concatenate([z, c[:, : A - k]], axis=1)
        k *= 2
    rank_a = jnp.sum(ohR * c, axis=0, keepdims=True)
    cnt_col = c[:, A - 1 : A].astype(f32)

    r64 = jax.lax.broadcasted_iota(i32, (E, E), 0)
    c64 = jax.lax.broadcasted_iota(i32, (E, E), 1)
    U = (r64 < c64).astype(f32)
    eye = (r64 == c64).astype(f32)
    offs_row = jax.lax.dot_general(cnt_col, U, (((0,), (0,)), ((), ())),
                                   preferred_element_type=f32,
                                   precision=jax.lax.Precision.HIGHEST)
    cnt_row = jax.lax.dot_general(cnt_col, eye, (((0,), (0,)), ((), ())),
                                  preferred_element_type=f32,
                                  precision=jax.lax.Precision.HIGHEST)
    offs_col_b = jax.lax.dot_general(eye, offs_row, (((1,), (1,)), ((), ())),
                                     preferred_element_type=f32,
                                     precision=jax.lax.Precision.HIGHEST)
    offs_a = jnp.sum(ohR * jnp.broadcast_to(offs_col_b.astype(i32), (E, A)),
                     axis=0, keepdims=True)

    offs_ref[0:1, :] = offs_row.astype(i32)
    offs_ref[1:2, :] = cnt_row.astype(i32)
    pos_ref[...] = offs_a + rank_a - 1


_NC = 2
_NS = 16
_NW = _NC * _NS
_GB = A // _NW
_CB = T // _NW

_SC_MESH = plsc.VectorSubcoreMesh(core_axis_name="c", subcore_axis_name="s")


@functools.partial(
    pl.kernel,
    mesh=_SC_MESH,
    out_type=jax.ShapeDtypeStruct((A, D), jnp.float32),
    scratch_types=[
        pltpu.VMEM((_GB,), jnp.int32),
        pltpu.VMEM((_GB,), jnp.int32),
        pltpu.VMEM((_GB, D), jnp.float32),
        pltpu.SemaphoreType.DMA,
    ],
)
def _sc_scatter(hid_hbm, tok_hbm, pos_hbm, out_hbm, tok_v, pos_v, rows_v, sem):
    wid = lax.axis_index("s") * _NC + lax.axis_index("c")
    base = wid * _GB
    pltpu.sync_copy(tok_hbm.at[pl.ds(base, _GB)], tok_v)
    pltpu.sync_copy(pos_hbm.at[pl.ds(base, _GB)], pos_v)
    pltpu.async_copy(hid_hbm.at[tok_v], rows_v, sem).wait()
    pltpu.async_copy(rows_v, out_hbm.at[pos_v], sem).wait()


@functools.partial(
    pl.kernel,
    mesh=_SC_MESH,
    out_type=jax.ShapeDtypeStruct((T, O), jnp.float32),
    scratch_types=[
        pltpu.VMEM((_CB,), jnp.int32),
        pltpu.VMEM((_CB,), jnp.int32),
        pltpu.VMEM((_CB, 16), jnp.float32),
        pltpu.VMEM((_CB, 16), jnp.float32),
        pltpu.VMEM((_CB, O), jnp.float32),
        pltpu.VMEM((_CB, O), jnp.float32),
        pltpu.SemaphoreType.DMA,
    ],
)
def _sc_combine(ys_hbm, pe_hbm, po_hbm, w0_hbm, w1_hbm, out_hbm,
                ia_v, ib_v, w0_v, w1_v, r0_v, r1_v, sem):
    wid = lax.axis_index("s") * _NC + lax.axis_index("c")
    base = wid * _CB
    pltpu.sync_copy(pe_hbm.at[pl.ds(base, _CB)], ia_v)
    pltpu.sync_copy(po_hbm.at[pl.ds(base, _CB)], ib_v)
    pltpu.sync_copy(w0_hbm.at[pl.ds(base, _CB)], w0_v)
    pltpu.sync_copy(w1_hbm.at[pl.ds(base, _CB)], w1_v)
    pltpu.async_copy(ys_hbm.at[ia_v], r0_v, sem).wait()
    pltpu.async_copy(ys_hbm.at[ib_v], r1_v, sem).wait()

    def row(t, carry):
        s0 = w0_v[t, :]
        s1 = w1_v[t, :]
        for col in range(0, O, 16):
            r0_v[t, pl.ds(col, 16)] = (r0_v[t, pl.ds(col, 16)] * s0
                                       + r1_v[t, pl.ds(col, 16)] * s1)
        return carry
    lax.fori_loop(0, _CB, row, 0)
    pltpu.sync_copy(r0_v, out_hbm.at[pl.ds(base, _CB)])


_NBUF = 6


def _moe_body(offs_ref, xs_ref, gu_hbm, dw_hbm, ys_ref,
              gu_buf, dw_buf, gu_sem, dw_sem):
    def fetch(e, slot):
        pltpu.make_async_copy(gu_hbm.at[pl.ds(e, 1)], gu_buf.at[pl.ds(slot, 1)],
                              gu_sem.at[slot]).start()
        pltpu.make_async_copy(dw_hbm.at[pl.ds(e, 1)], dw_buf.at[pl.ds(slot, 1)],
                              dw_sem.at[slot]).start()

    for b in range(_NBUF):
        fetch(b, b)

    ys_ref[...] = jnp.zeros_like(ys_ref)

    def expert(e, carry):
        slot = lax.rem(e, _NBUF)
        pltpu.make_async_copy(gu_hbm.at[pl.ds(e, 1)], gu_buf.at[pl.ds(slot, 1)],
                              gu_sem.at[slot]).wait()
        pltpu.make_async_copy(dw_hbm.at[pl.ds(e, 1)], dw_buf.at[pl.ds(slot, 1)],
                              dw_sem.at[slot]).wait()

        start = offs_ref[0, e]
        cnt = offs_ref[1, e]
        end = start + cnt
        a0 = (start // CHUNK) * CHUNK
        nchunks = jnp.where(cnt > 0, (end - a0 + CHUNK - 1) // CHUNK, 0)

        def chunk(cc, carry2):
            cs = pl.multiple_of(a0 + cc * CHUNK, CHUNK)
            x = xs_ref[pl.ds(cs, CHUNK), :]
            gu = jax.lax.dot_general(
                x, gu_buf[slot], (((1,), (1,)), ((), ())),
                preferred_element_type=jnp.float32)
            g = gu[:, :H]
            u = gu[:, H:]
            h = g * jax.nn.sigmoid(g) * u
            y = jax.lax.dot_general(
                h, dw_buf[slot], (((1,), (1,)), ((), ())),
                preferred_element_type=jnp.float32)
            rows = cs + jax.lax.broadcasted_iota(jnp.int32, (CHUNK, 1), 0)
            mask = ((rows >= start) & (rows < end)).astype(jnp.float32)
            ys_ref[pl.ds(cs, CHUNK), :] += y * mask
            return carry2

        jax.lax.fori_loop(0, nchunks, chunk, 0)

        @pl.when(e + _NBUF < E)
        def _():
            fetch(e + _NBUF, slot)

        return carry

    jax.lax.fori_loop(0, E, expert, 0)


@jax.jit
def kernel(hidden_states, top_k_indices, top_k_weights, gate_up_proj, down_proj):
    idx_row = top_k_indices.reshape(1, A).astype(jnp.int32)
    wK = top_k_weights.reshape(T, K)

    offs_cnt, pos_row = pl.pallas_call(
        _meta_body,
        grid=(1,),
        in_specs=[
            pl.BlockSpec((1, A), lambda i: (0, 0)),
        ],
        out_specs=[
            pl.BlockSpec((2, E), lambda i: (0, 0)),
            pl.BlockSpec((1, A), lambda i: (0, 0)),
        ],
        out_shape=[
            jax.ShapeDtypeStruct((2, E), jnp.int32),
            jax.ShapeDtypeStruct((1, A), jnp.int32),
        ],
    )(idx_row)

    pos_flat = pos_row.reshape(A)
    pos2 = pos_row.reshape(T, K)
    pos_even = pos2[:, 0]
    pos_odd = pos2[:, 1]
    w0 = jnp.broadcast_to(wK[:, 0:1], (T, 16))
    w1 = jnp.broadcast_to(wK[:, 1:2], (T, 16))

    tok_ids = jax.lax.iota(jnp.int32, A) // K
    x_sorted = _sc_scatter(hidden_states, tok_ids, pos_flat)

    y_sorted = pl.pallas_call(
        _moe_body,
        in_specs=[
            pl.BlockSpec(memory_space=pltpu.MemorySpace.SMEM),
            pl.BlockSpec(memory_space=pltpu.MemorySpace.VMEM),
            pl.BlockSpec(memory_space=pltpu.MemorySpace.HBM),
            pl.BlockSpec(memory_space=pltpu.MemorySpace.HBM),
        ],
        out_specs=pl.BlockSpec(memory_space=pltpu.MemorySpace.VMEM),
        out_shape=jax.ShapeDtypeStruct((A, O), jnp.float32),
        scratch_shapes=[
            pltpu.VMEM((_NBUF, 2 * H, D), jnp.float32),
            pltpu.VMEM((_NBUF, O, H), jnp.float32),
            pltpu.SemaphoreType.DMA((_NBUF,)),
            pltpu.SemaphoreType.DMA((_NBUF,)),
        ],
    )(offs_cnt, x_sorted, gate_up_proj, down_proj)

    output = _sc_combine(y_sorted, pos_even, pos_odd, w0, w1)

    return output

# --- scband reference (transcript-rebuilt; emitter-appended) ---
"""Pipeline reference for scband-routed-experts-86311662780953 (READ-ONLY COPY).

The authoritative reference and input builder live on the scoring server;
editing this copy changes nothing except your own understanding.
"""

import jax, jax.numpy as jnp
import numpy as np

NUM_EXPERTS = 64
TOP_K = 2
INPUT_DIM = 768
HIDDEN_DIM = 256
OUTPUT_DIM = 768
NUM_TOKENS = 512


def setup_inputs(seed: int = 0) -> dict:
    key = jax.random.key(seed)
    k1, k2, k3, k4, k5 = jax.random.split(key, 5)
    hidden_states = jax.random.normal(k1, (NUM_TOKENS, INPUT_DIM), dtype=jnp.float32)
    top_k_indices = jax.random.randint(k2, (NUM_TOKENS, TOP_K), 0, NUM_EXPERTS)
    top_k_weights = jax.random.uniform(k3, (NUM_TOKENS, TOP_K), dtype=jnp.float32)
    top_k_weights = top_k_weights / jnp.sum(top_k_weights, axis=-1, keepdims=True)
    gate_up_proj = 0.02 * jax.random.normal(k4, (NUM_EXPERTS, 2 * HIDDEN_DIM, INPUT_DIM), dtype=jnp.float32)
    down_proj = 0.02 * jax.random.normal(k5, (NUM_EXPERTS, OUTPUT_DIM, HIDDEN_DIM), dtype=jnp.float32)
    return {
        "hidden_states": hidden_states,
        "top_k_indices": top_k_indices,
        "top_k_weights": top_k_weights,
        "gate_up_proj": gate_up_proj,
        "down_proj": down_proj,
    }


def reference(hidden_states, top_k_indices, top_k_weights, gate_up_proj, down_proj):
    num_tokens = hidden_states.shape[0]
    output = jnp.zeros((num_tokens, OUTPUT_DIM), dtype=hidden_states.dtype)
    for k in range(TOP_K):
        expert_indices = top_k_indices[:, k]
        expert_weights = top_k_weights[:, k]
        gate_up_w = jnp.take(gate_up_proj, expert_indices, axis=0)  # [T, 2H, D]
        down_w = jnp.take(down_proj, expert_indices, axis=0)        # [T, O, H]
        gate_up_out = jnp.einsum("thd,td->th", gate_up_w, hidden_states)  # bmm(W, x)
        gate, up = jnp.split(gate_up_out, 2, axis=-1)
        h = jax.nn.silu(gate) * up
        down_out = jnp.einsum("toh,th->to", down_w, h)
        down_out = down_out * expert_weights[:, None]
        output = output + down_out
    return output

if __name__ == "__main__":
    import jax
    _d = setup_inputs()
    print(jax.jit(kernel)(*tuple(_d.values())))

</pallas_src>

<mosaic_0001>
#map = affine_map<(d0, d1) -> (0, 0)>
#map1 = affine_map<(d0, d1) -> (0)>
module attributes {stable_mosaic.version = 14 : i64} {
  func.func @_sc_combine(%arg0: i32, %arg1: i32, %arg2: memref<1024x768xf32, #tpu.memory_space<hbm>>, %arg3: memref<512xi32, #tpu.memory_space<hbm>>, %arg4: memref<512xi32, #tpu.memory_space<hbm>>, %arg5: memref<512x16xf32, #tpu.memory_space<hbm>>, %arg6: memref<512x16xf32, #tpu.memory_space<hbm>>, %arg7: memref<512x768xf32, #tpu.memory_space<hbm>>, %arg8: memref<16xi32, #tpu.memory_space<vmem>>, %arg9: memref<16xi32, #tpu.memory_space<vmem>>, %arg10: memref<16x16xf32, #tpu.memory_space<vmem>>, %arg11: memref<16x16xf32, #tpu.memory_space<vmem>>, %arg12: memref<16x768xf32, #tpu.memory_space<vmem>>, %arg13: memref<16x768xf32, #tpu.memory_space<vmem>>, %arg14: memref<!tpu.dma_semaphore, #tpu.memory_space<semaphore_mem>>) attributes {dimension_semantics = [#tpu.dimension_semantics<core_parallel>, #tpu.dimension_semantics<subcore_parallel>], iteration_bounds = array<i64: 2, 16>, scalar_prefetch = 0 : i64, scratch_operands = 7 : i64, tpu.core_type = #tpu.core_type<sc_vector_subcore>, window_params = [{transform_indices = #map}, {transform_indices = #map1}, {transform_indices = #map1}, {transform_indices = #map}, {transform_indices = #map}, {transform_indices = #map}]} {
    %mul3A = arith.constant 2 : i32
    %mul3A_0 = arith.muli %arg1, %mul3A : i32
    %add3A = arith.addi %mul3A_0, %arg0 : i32
    %mul3A_1 = arith.constant 16 : i32
    %mul3A_2 = arith.muli %add3A, %mul3A_1 : i32
    "tpu.region"() ({
      %run_scoped3A = tpu.sem_alloc : memref<!tpu.dma_semaphore, #tpu.memory_space<semaphore_mem>>
      %dma_start3A_18 = tpu.memref_slice %arg3[%mul3A_2] : memref<512xi32, #tpu.memory_space<hbm>> -> memref<16xi32, #tpu.memory_space<hbm>>
      %dma_start3A_19 = tpu.memref_slice %arg3[%mul3A_2] : memref<512xi32, #tpu.memory_space<hbm>> -> memref<16xi32, #tpu.memory_space<hbm>>
      tpu.enqueue_dma source(%dma_start3A_19 : memref<16xi32, #tpu.memory_space<hbm>>) target(%arg8 : memref<16xi32, #tpu.memory_space<vmem>>) target_semaphore(%run_scoped3A : memref<!tpu.dma_semaphore, #tpu.memory_space<semaphore_mem>>)
      %dma_wait3A_20 = tpu.memref_slice %arg3[%mul3A_2] : memref<512xi32, #tpu.memory_space<hbm>> -> memref<16xi32, #tpu.memory_space<hbm>>
      %dma_wait3A_21 = tpu.memref_slice %arg3[%mul3A_2] : memref<512xi32, #tpu.memory_space<hbm>> -> memref<16xi32, #tpu.memory_space<hbm>>
      tpu.wait_dma2 semaphore(%run_scoped3A : memref<!tpu.dma_semaphore, #tpu.memory_space<semaphore_mem>>) src(%dma_wait3A_21 : memref<16xi32, #tpu.memory_space<hbm>>) dst(%arg8 : memref<16xi32, #tpu.memory_space<vmem>>)
      tpu.yield
    }) : () -> ()
    "tpu.region"() ({
      %run_scoped3A = tpu.sem_alloc : memref<!tpu.dma_semaphore, #tpu.memory_space<semaphore_mem>>
      %dma_start3A_18 = tpu.memref_slice %arg4[%mul3A_2] : memref<512xi32, #tpu.memory_space<hbm>> -> memref<16xi32, #tpu.memory_space<hbm>>
      %dma_start3A_19 = tpu.memref_slice %arg4[%mul3A_2] : memref<512xi32, #tpu.memory_space<hbm>> -> memref<16xi32, #tpu.memory_space<hbm>>
      tpu.enqueue_dma source(%dma_start3A_19 : memref<16xi32, #tpu.memory_space<hbm>>) target(%arg9 : memref<16xi32, #tpu.memory_space<vmem>>) target_semaphore(%run_scoped3A : memref<!tpu.dma_semaphore, #tpu.memory_space<semaphore_mem>>)
      %dma_wait3A_20 = tpu.memref_slice %arg4[%mul3A_2] : memref<512xi32, #tpu.memory_space<hbm>> -> memref<16xi32, #tpu.memory_space<hbm>>
      %dma_wait3A_21 = tpu.memref_slice %arg4[%mul3A_2] : memref<512xi32, #tpu.memory_space<hbm>> -> memref<16xi32, #tpu.memory_space<hbm>>
      tpu.wait_dma2 semaphore(%run_scoped3A : memref<!tpu.dma_semaphore, #tpu.memory_space<semaphore_mem>>) src(%dma_wait3A_21 : memref<16xi32, #tpu.memory_space<hbm>>) dst(%arg9 : memref<16xi32, #tpu.memory_space<vmem>>)
      tpu.yield
    }) : () -> ()
    "tpu.region"() ({
      %run_scoped3A = tpu.sem_alloc : memref<!tpu.dma_semaphore, #tpu.memory_space<semaphore_mem>>
      %dma_start3A_18 = arith.constant 0 : i32
      %dma_start3A_19 = tpu.memref_slice %arg5[%mul3A_2, %dma_start3A_18] : memref<512x16xf32, #tpu.memory_space<hbm>> -> memref<16x16xf32, #tpu.memory_space<hbm>>
      %dma_start3A_20 = arith.constant 0 : i32
      %dma_start3A_21 = tpu.memref_slice %arg5[%mul3A_2, %dma_start3A_20] : memref<512x16xf32, #tpu.memory_space<hbm>> -> memref<16x16xf32, #tpu.memory_space<hbm>>
      tpu.enqueue_dma source(%dma_start3A_21 : memref<16x16xf32, #tpu.memory_space<hbm>>) target(%arg10 : memref<16x16xf32, #tpu.memory_space<vmem>>) target_semaphore(%run_scoped3A : memref<!tpu.dma_semaphore, #tpu.memory_space<semaphore_mem>>)
      %dma_wait3A_22 = arith.constant 0 : i32
      %dma_wait3A_23 = tpu.memref_slice %arg5[%mul3A_2, %dma_wait3A_22] : memref<512x16xf32, #tpu.memory_space<hbm>> -> memref<16x16xf32, #tpu.memory_space<hbm>>
      %dma_wait3A_24 = arith.constant 0 : i32
      %dma_wait3A_25 = tpu.memref_slice %arg5[%mul3A_2, %dma_wait3A_24] : memref<512x16xf32, #tpu.memory_space<hbm>> -> memref<16x16xf32, #tpu.memory_space<hbm>>
      tpu.wait_dma2 semaphore(%run_scoped3A : memref<!tpu.dma_semaphore, #tpu.memory_space<semaphore_mem>>) src(%dma_wait3A_25 : memref<16x16xf32, #tpu.memory_space<hbm>>) dst(%arg10 : memref<16x16xf32, #tpu.memory_space<vmem>>)
      tpu.yield
    }) : () -> ()
    "tpu.region"() ({
      %run_scoped3A = tpu.sem_alloc : memref<!tpu.dma_semaphore, #tpu.memory_space<semaphore_mem>>
      %dma_start3A_18 = arith.constant 0 : i32
      %dma_start3A_19 = tpu.memref_slice %arg6[%mul3A_2, %dma_start3A_18] : memref<512x16xf32, #tpu.memory_space<hbm>> -> memref<16x16xf32, #tpu.memory_space<hbm>>
      %dma_start3A_20 = arith.constant 0 : i32
      %dma_start3A_21 = tpu.memref_slice %arg6[%mul3A_2, %dma_start3A_20] : memref<512x16xf32, #tpu.memory_space<hbm>> -> memref<16x16xf32, #tpu.memory_space<hbm>>
      tpu.enqueue_dma source(%dma_start3A_21 : memref<16x16xf32, #tpu.memory_space<hbm>>) target(%arg11 : memref<16x16xf32, #tpu.memory_space<vmem>>) target_semaphore(%run_scoped3A : memref<!tpu.dma_semaphore, #tpu.memory_space<semaphore_mem>>)
      %dma_wait3A_22 = arith.constant 0 : i32
      %dma_wait3A_23 = tpu.memref_slice %arg6[%mul3A_2, %dma_wait3A_22] : memref<512x16xf32, #tpu.memory_space<hbm>> -> memref<16x16xf32, #tpu.memory_space<hbm>>
      %dma_wait3A_24 = arith.constant 0 : i32
      %dma_wait3A_25 = tpu.memref_slice %arg6[%mul3A_2, %dma_wait3A_24] : memref<512x16xf32, #tpu.memory_space<hbm>> -> memref<16x16xf32, #tpu.memory_space<hbm>>
      tpu.wait_dma2 semaphore(%run_scoped3A : memref<!tpu.dma_semaphore, #tpu.memory_space<semaphore_mem>>) src(%dma_wait3A_25 : memref<16x16xf32, #tpu.memory_space<hbm>>) dst(%arg11 : memref<16x16xf32, #tpu.memory_space<vmem>>)
      tpu.yield
    }) : () -> ()
    %dma_start3A = arith.constant 0 : i32
    %dma_start3A_3 = arith.constant 0 : i32
    %dma_start3A_4 = tpu.memref_slice %arg2[%dma_start3A, %dma_start3A_3] : memref<1024x768xf32, #tpu.memory_space<hbm>> -> memref<1024x768xf32, #tpu.memory_space<hbm>>
    tpu.enqueue_indirect_dma source(%dma_start3A_4 : memref<1024x768xf32, #tpu.memory_space<hbm>>) target(%arg12 : memref<16x768xf32, #tpu.memory_space<vmem>>) offsets(%arg8 : memref<16xi32, #tpu.memory_space<vmem>>) semaphore(%arg14 : memref<!tpu.dma_semaphore, #tpu.memory_space<semaphore_mem>>)
    %dma_wait3A = arith.constant 0 : i32
    %dma_wait3A_5 = arith.constant 0 : i32
    %dma_wait3A_6 = tpu.memref_slice %arg2[%dma_wait3A, %dma_wait3A_5] : memref<1024x768xf32, #tpu.memory_space<hbm>> -> memref<1024x768xf32, #tpu.memory_space<hbm>>
    tpu.wait_indirect_dma semaphore(%arg14 : memref<!tpu.dma_semaphore, #tpu.memory_space<semaphore_mem>>) src(%dma_wait3A_6 : memref<1024x768xf32, #tpu.memory_space<hbm>>) dst(%arg12 : memref<16x768xf32, #tpu.memory_space<vmem>>)
    %dma_start3A_7 = arith.constant 0 : i32
    %dma_start3A_8 = arith.constant 0 : i32
    %dma_start3A_9 = tpu.memref_slice %arg2[%dma_start3A_7, %dma_start3A_8] : memref<1024x768xf32, #tpu.memory_space<hbm>> -> memref<1024x768xf32, #tpu.memory_space<hbm>>
    tpu.enqueue_indirect_dma source(%dma_start3A_9 : memref<1024x768xf32, #tpu.memory_space<hbm>>) target(%arg13 : memref<16x768xf32, #tpu.memory_space<vmem>>) offsets(%arg9 : memref<16xi32, #tpu.memory_space<vmem>>) semaphore(%arg14 : memref<!tpu.dma_semaphore, #tpu.memory_space<semaphore_mem>>)
    %dma_wait3A_10 = arith.constant 0 : i32
    %dma_wait3A_11 = arith.constant 0 : i32
    %dma_wait3A_12 = tpu.memref_slice %arg2[%dma_wait3A_10, %dma_wait3A_11] : memref<1024x768xf32, #tpu.memory_space<hbm>> -> memref<1024x768xf32, #tpu.memory_space<hbm>>
    tpu.wait_indirect_dma semaphore(%arg14 : memref<!tpu.dma_semaphore, #tpu.memory_space<semaphore_mem>>) src(%dma_wait3A_12 : memref<1024x768xf32, #tpu.memory_space<hbm>>) dst(%arg13 : memref<16x768xf32, #tpu.memory_space<vmem>>)
    %scan3A = arith.constant 0 : i32
    %scan3A_13 = arith.constant 0 : i32
    %scan3A_14 = arith.constant 16 : i32
    %scan3A_15 = arith.addi %scan3A_13, %scan3A_14 : i32
    %scan3A_16 = arith.constant 1 : i32
    scf.for %scan3A_18 = %scan3A_13 to %scan3A_15 step %scan3A_16  : i32 {
      %get3A = arith.index_cast %scan3A_18 : i32 to index
      %get3A_19 = arith.constant 0 : index
      %get3A_20 = tpu.vector_load %arg10[%get3A, %get3A_19] {strides = array<i32>} : memref<16x16xf32, #tpu.memory_space<vmem>>, vector<1x16xf32>,
      %get3A_21 = vector.shape_cast %get3A_20 : vector<1x16xf32> to vector<16xf32>
      %get3A_22 = arith.index_cast %scan3A_18 : i32 to index
      %get3A_23 = arith.constant 0 : index
      %get3A_24 = tpu.vector_load %arg11[%get3A_22, %get3A_23] {strides = array<i32>} : memref<16x16xf32, #tpu.memory_space<vmem>>, vector<1x16xf32>,
      %get3A_25 = vector.shape_cast %get3A_24 : vector<1x16xf32> to vector<16xf32>
      %get3A_26 = arith.index_cast %scan3A_18 : i32 to index
      %get3A_27 = arith.constant 0 : index
      %get3A_28 = tpu.vector_load %arg12[%get3A_26, %get3A_27] {strides = array<i32>} : memref<16x768xf32, #tpu.memory_space<vmem>>, vector<1x16xf32>,
      %get3A_29 = vector.shape_cast %get3A_28 : vector<1x16xf32> to vector<16xf32>
      %mul3A_30 = arith.mulf %get3A_29, %get3A_21 : vector<16xf32>
      %get3A_31 = arith.index_cast %scan3A_18 : i32 to index
      %get3A_32 = arith.constant 0 : index
      %get3A_33 = tpu.vector_load %arg13[%get3A_31, %get3A_32] {strides = array<i32>} : memref<16x768xf32, #tpu.memory_space<vmem>>, vector<1x16xf32>,
      %get3A_34 = vector.shape_cast %get3A_33 : vector<1x16xf32> to vector<16xf32>
      %mul3A_35 = arith.mulf %get3A_34, %get3A_25 : vector<16xf32>
      %add3A_36 = arith.addf %mul3A_30, %mul3A_35 : vector<16xf32>
      %swap3A = arith.index_cast %scan3A_18 : i32 to index
      %swap3A_37 = arith.constant 0 : index
      %swap3A_38 = tpu.vector_load %arg12[%swap3A, %swap3A_37] {strides = array<i32>} : memref<16x768xf32, #tpu.memory_space<vmem>>, vector<1x16xf32>,
      %swap3A_39 = vector.shape_cast %swap3A_38 : vector<1x16xf32> to vector<16xf32>
      %swap3A_40 = vector.shape_cast %add3A_36 : vector<16xf32> to vector<1x16xf32>
      tpu.vector_store %arg12[%swap3A, %swap3A_37], %swap3A_40 {strides = array<i32>} : memref<16x768xf32, #tpu.memory_space<vmem>>, vector<1x16xf32>,
      %get3A_41 = arith.index_cast %scan3A_18 : i32 to index
      %get3A_42 = arith.constant 16 : index
      %get3A_43 = tpu.vector_load %arg12[%get3A_41, %get3A_42] {strides = array<i32>} : memref<16x768xf32, #tpu.memory_space<vmem>>, vector<1x16xf32>,
      %get3A_44 = vector.shape_cast %get3A_43 : vector<1x16xf32> to vector<16xf32>
      %mul3A_45 = arith.mulf %get3A_44, %get3A_21 : vector<16xf32>
      %get3A_46 = arith.index_cast %scan3A_18 : i32 to index
      %get3A_47 = arith.constant 16 : index
      %get3A_48 = tpu.vector_load %arg13[%get3A_46, %get3A_47] {strides = array<i32>} : memref<16x768xf32, #tpu.memory_space<vmem>>, vector<1x16xf32>,
      %get3A_49 = vector.shape_cast %get3A_48 : vector<1x16xf32> to vector<16xf32>
      %mul3A_50 = arith.mulf %get3A_49, %get3A_25 : vector<16xf32>
      %add3A_51 = arith.addf %mul3A_45, %mul3A_50 : vector<16xf32>
      %swap3A_52 = arith.index_cast %scan3A_18 : i32 to index
      %swap3A_53 = arith.constant 16 : index
      %swap3A_54 = tpu.vector_load %arg12[%swap3A_52, %swap3A_53] {strides = array<i32>} : memref<16x768xf32, #tpu.memory_space<vmem>>, vector<1x16xf32>,
      %swap3A_55 = vector.shape_cast %swap3A_54 : vector<1x16xf32> to vector<16xf32>
      %swap3A_56 = vector.shape_cast %add3A_51 : vector<16xf32> to vector<1x16xf32>
      tpu.vector_store %arg12[%swap3A_52, %swap3A_53], %swap3A_56 {strides = array<i32>} : memref<16x768xf32, #tpu.memory_space<vmem>>, vector<1x16xf32>,
      %get3A_57 = arith.index_cast %scan3A_18 : i32 to index
      %get3A_58 = arith.constant 32 : index
      %get3A_59 = tpu.vector_load %arg12[%get3A_57, %get3A_58] {strides = array<i32>} : memref<16x768xf32, #tpu.memory_space<vmem>>, vector<1x16xf32>,
      %get3A_60 = vector.shape_cast %get3A_59 : vector<1x16xf32> to vector<16xf32>
      %mul3A_61 = arith.mulf %get3A_60, %get3A_21 : vector<16xf32>
      %get3A_62 = arith.index_cast %scan3A_18 : i32 to index
      %get3A_63 = arith.constant 32 : index
      %get3A_64 = tpu.vector_load %arg13[%get3A_62, %get3A_63] {strides = array<i32>} : memref<16x768xf32, #tpu.memory_space<vmem>>, vector<1x16xf32>,
      %get3A_65 = vector.shape_cast %get3A_64 : vector<1x16xf32> to vector<16xf32>
      %mul3A_66 = arith.mulf %get3A_65, %get3A_25 : vector<16xf32>
      %add3A_67 = arith.addf %mul3A_61, %mul3A_66 : vector<16xf32>
      %swap3A_68 = arith.index_cast %scan3A_18 : i32 to index
      %swap3A_69 = arith.constant 32 : index
      %swap3A_70 = tpu.vector_load %arg12[%swap3A_68, %swap3A_69] {strides = array<i32>} : memref<16x768xf32, #tpu.memory_space<vmem>>, vector<1x16xf32>,
      %swap3A_71 = vector.shape_cast %swap3A_70 : vector<1x16xf32> to vector<16xf32>
      %swap3A_72 = vector.shape_cast %add3A_67 : vector<16xf32> to vector<1x16xf32>
      tpu.vector_store %arg12[%swap3A_68, %swap3A_69], %swap3A_72 {strides = array<i32>} : memref<16x768xf32, #tpu.memory_space<vmem>>, vector<1x16xf32>,
      %get3A_73 = arith.index_cast %scan3A_18 : i32 to index
      %get3A_74 = arith.constant 48 : index
      %get3A_75 = tpu.vector_load %arg12[%get3A_73, %get3A_74] {strides = array<i32>} : memref<16x768xf32, #tpu.memory_space<vmem>>, vector<1x16xf32>,
      %get3A_76 = vector.shape_cast %get3A_75 : vector<1x16xf32> to vector<16xf32>
      %mul3A_77 = arith.mulf %get3A_76, %get3A_21 : vector<16xf32>
      %get3A_78 = arith.index_cast %scan3A_18 : i32 to index
      %get3A_79 = arith.constant 48 : index
      %get3A_80 = tpu.vector_load %arg13[%get3A_78, %get3A_79] {strides = array<i32>} : memref<16x768xf32, #tpu.memory_space<vmem>>, vector<1x16xf32>,
      %get3A_81 = vector.shape_cast %get3A_80 : vector<1x16xf32> to vector<16xf32>
      %mul3A_82 = arith.mulf %get3A_81, %get3A_25 : vector<16xf32>
      %add3A_83 = arith.addf %mul3A_77, %mul3A_82 : vector<16xf32>
      %swap3A_84 = arith.index_cast %scan3A_18 : i32 to index
      %swap3A_85 = arith.constant 48 : index
      %swap3A_86 = tpu.vector_load %arg12[%swap3A_84, %swap3A_85] {strides = array<i32>} : memref<16x768xf32, #tpu.memory_space<vmem>>, vector<1x16xf32>,
      %swap3A_87 = vector.shape_cast %swap3A_86 : vector<1x16xf32> to vector<16xf32>
      %swap3A_88 = vector.shape_cast %add3A_83 : vector<16xf32> to vector<1x16xf32>
      tpu.vector_store %arg12[%swap3A_84, %swap3A_85], %swap3A_88 {strides = array<i32>} : memref<16x768xf32, #tpu.memory_space<vmem>>, vector<1x16xf32>,
      %get3A_89 = arith.index_cast %scan3A_18 : i32 to index
      %get3A_90 = arith.constant 64 : index
      %get3A_91 = tpu.vector_load %arg12[%get3A_89, %get3A_90] {strides = array<i32>} : memref<16x768xf32, #tpu.memory_space<vmem>>, vector<1x16xf32>,
      %get3A_92 = vector.shape_cast %get3A_91 : vector<1x16xf32> to vector<16xf32>
      %mul3A_93 = arith.mulf %get3A_92, %get3A_21 : vector<16xf32>
      %get3A_94 = arith.index_cast %scan3A_18 : i32 to index
      %get3A_95 = arith.constant 64 : index
      %get3A_96 = tpu.vector_load %arg13[%get3A_94, %get3A_95] {strides = array<i32>} : memref<16x768xf32, #tpu.memory_space<vmem>>, vector<1x16xf32>,
      %get3A_97 = vector.shape_cast %get3A_96 : vector<1x16xf32> to vector<16xf32>
      %mul3A_98 = arith.mulf %get3A_97, %get3A_25 : vector<16xf32>
      %add3A_99 = arith.addf %mul3A_93, %mul3A_98 : vector<16xf32>
      %swap3A_100 = arith.index_cast %scan3A_18 : i32 to index
      %swap3A_101 = arith.constant 64 : index
      %swap3A_102 = tpu.vector_load %arg12[%swap3A_100, %swap3A_101] {strides = array<i32>} : memref<16x768xf32, #tpu.memory_space<vmem>>, vector<1x16xf32>,
      %swap3A_103 = vector.shape_cast %swap3A_102 : vector<1x16xf32> to vector<16xf32>
      %swap3A_104 = vector.shape_cast %add3A_99 : vector<16xf32> to vector<1x16xf32>
      tpu.vector_store %arg12[%swap3A_100, %swap3A_101], %swap3A_104 {strides = array<i32>} : memref<16x768xf32, #tpu.memory_space<vmem>>, vector<1x16xf32>,
      %get3A_105 = arith.index_cast %scan3A_18 : i32 to index
      %get3A_106 = arith.constant 80 : index
      %get3A_107 = tpu.vector_load %arg12[%get3A_105, %get3A_106] {strides = array<i32>} : memref<16x768xf32, #tpu.memory_space<vmem>>, vector<1x16xf32>,
      %get3A_108 = vector.shape_cast %get3A_107 : vector<1x16xf32> to vector<16xf32>
      %mul3A_109 = arith.mulf %get3A_108, %get3A_21 : vector<16xf32>
      %get3A_110 = arith.index_cast %scan3A_18 : i32 to index
      %get3A_111 = arith.constant 80 : index
      %get3A_112 = tpu.vector_load %arg13[%get3A_110, %get3A_111] {strides = array<i32>} : memref<16x768xf32, #tpu.memory_space<vmem>>, vector<1x16xf32>,
      %get3A_113 = vector.shape_cast %get3A_112 : vector<1x16xf32> to vector<16xf32>
      %mul3A_114 = arith.mulf %get3A_113, %get3A_25 : vector<16xf32>
      %add3A_115 = arith.addf %mul3A_109, %mul3A_114 : vector<16xf32>
      %swap3A_116 = arith.index_cast %scan3A_18 : i32 to index
      %swap3A_117 = arith.constant 80 : index
      %swap3A_118 = tpu.vector_load %arg12[%swap3A_116, %swap3A_117] {strides = array<i32>} : memref<16x768xf32, #tpu.memory_space<vmem>>, vector<1x16xf32>,
      %swap3A_119 = vector.shape_cast %swap3A_118 : vector<1x16xf32> to vector<16xf32>
      %swap3A_120 = vector.shape_cast %add3A_115 : vector<16xf32> to vector<1x16xf32>
      tpu.vector_store %arg12[%swap3A_116, %swap3A_117], %swap3A_120 {strides = array<i32>} : memref<16x768xf32, #tpu.memory_space<vmem>>, vector<1x16xf32>,
      %get3A_121 = arith.index_cast %scan3A_18 : i32 to index
      %get3A_122 = arith.constant 96 : index
      %get3A_123 = tpu.vector_load %arg12[%get3A_121, %get3A_122] {strides = array<i32>} : memref<16x768xf32, #tpu.memory_space<vmem>>, vector<1x16xf32>,
      %get3A_124 = vector.shape_cast %get3A_123 : vector<1x16xf32> to vector<16xf32>
      %mul3A_125 = arith.mulf %get3A_124, %get3A_21 : vector<16xf32>
      %get3A_126 = arith.index_cast %scan3A_18 : i32 to index
      %get3A_127 = arith.constant 96 : index
      %get3A_128 = tpu.vector_load %arg13[%get3A_126, %get3A_127] {strides = array<i32>} : memref<16x768xf32, #tpu.memory_space<vmem>>, vector<1x16xf32>,
      %get3A_129 = vector.shape_cast %get3A_128 : vector<1x16xf32> to vector<16xf32>
      %mul3A_130 = arith.mulf %get3A_129, %get3A_25 : vector<16xf32>
      %add3A_131 = arith.addf %mul3A_125, %mul3A_130 : vector<16xf32>
      %swap3A_132 = arith.index_cast %scan3A_18 : i32 to index
      %swap3A_133 = arith.constant 96 : index
      %swap3A_134 = tpu.vector_load %arg12[%swap3A_132, %swap3A_133] {strides = array<i32>} : memref<16x768xf32, #tpu.memory_space<vmem>>, vector<1x16xf32>,
      %swap3A_135 = vector.shape_cast %swap3A_134 : vector<1x16xf32> to vector<16xf32>
      %swap3A_136 = vector.shape_cast %add3A_131 : vector<16xf32> to vector<1x16xf32>
      tpu.vector_store %arg12[%swap3A_132, %swap3A_133], %swap3A_136 {strides = array<i32>} : memref<16x768xf32, #tpu.memory_space<vmem>>, vector<1x16xf32>,
      %get3A_137 = arith.index_cast %scan3A_18 : i32 to index
      %get3A_138 = arith.constant 112 : index
      %get3A_139 = tpu.vector_load %arg12[%get3A_137, %get3A_138] {strides = array<i32>} : memref<16x768xf32, #tpu.memory_space<vmem>>, vector<1x16xf32>,
      %get3A_140 = vector.shape_cast %get3A_139 : vector<1x16xf32> to vector<16xf32>
      %mul3A_141 = arith.mulf %get3A_140, %get3A_21 : vector<16xf32>
      %get3A_142 = arith.index_cast %scan3A_18 : i32 to index
      %get3A_143 = arith.constant 112 : index
      %get3A_144 = tpu.vector_load %arg13[%get3A_142, %get3A_143] {strides = array<i32>} : memref<16x768xf32, #tpu.memory_space<vmem>>, vector<1x16xf32>,
      %get3A_145 = vector.shape_cast %get3A_144 : vector<1x16xf32> to vector<16xf32>
      %mul3A_146 = arith.mulf %get3A_145, %get3A_25 : vector<16xf32>
      %add3A_147 = arith.addf %mul3A_141, %mul3A_146 : vector<16xf32>
      %swap3A_148 = arith.index_cast %scan3A_18 : i32 to index
      %swap3A_149 = arith.constant 112 : index
      %swap3A_150 = tpu.vector_load %arg12[%swap3A_148, %swap3A_149] {strides = array<i32>} : memref<16x768xf32, #tpu.memory_space<vmem>>, vector<1x16xf32>,
      %swap3A_151 = vector.shape_cast %swap3A_150 : vector<1x16xf32> to vector<16xf32>
      %swap3A_152 = vector.shape_cast %add3A_147 : vector<16xf32> to vector<1x16xf32>
      tpu.vector_store %arg12[%swap3A_148, %swap3A_149], %swap3A_152 {strides = array<i32>} : memref<16x768xf32, #tpu.memory_space<vmem>>, vector<1x16xf32>,
      %get3A_153 = arith.index_cast %scan3A_18 : i32 to index
      %get3A_154 = arith.constant 128 : index
      %get3A_155 = tpu.vector_load %arg12[%get3A_153, %get3A_154] {strides = array<i32>} : memref<16x768xf32, #tpu.memory_space<vmem>>, vector<1x16xf32>,
      %get3A_156 = vector.shape_cast %get3A_155 : vector<1x16xf32> to vector<16xf32>
      %mul3A_157 = arith.mulf %get3A_156, %get3A_21 : vector<16xf32>
      %get3A_158 = arith.index_cast %scan3A_18 : i32 to index
      %get3A_159 = arith.constant 128 : index
      %get3A_160 = tpu.vector_load %arg13[%get3A_158, %get3A_159] {strides = array<i32>} : memref<16x768xf32, #tpu.memory_space<vmem>>, vector<1x16xf32>,
      %get3A_161 = vector.shape_cast %get3A_160 : vector<1x16xf32> to vector<16xf32>
      %mul3A_162 = arith.mulf %get3A_161, %get3A_25 : vector<16xf32>
      %add3A_163 = arith.addf %mul3A_157, %mul3A_162 : vector<16xf32>
      %swap3A_164 = arith.index_cast %scan3A_18 : i32 to index
      %swap3A_165 = arith.constant 128 : index
      %swap3A_166 = tpu.vector_load %arg12[%swap3A_164, %swap3A_165] {strides = array<i32>} : memref<16x768xf32, #tpu.memory_space<vmem>>, vector<1x16xf32>,
      %swap3A_167 = vector.shape_cast %swap3A_166 : vector<1x16xf32> to vector<16xf32>
      %swap3A_168 = vector.shape_cast %add3A_163 : vector<16xf32> to vector<1x16xf32>
      tpu.vector_store %arg12[%swap3A_164, %swap3A_165], %swap3A_168 {strides = array<i32>} : memref<16x768xf32, #tpu.memory_space<vmem>>, vector<1x16xf32>,
      %get3A_169 = arith.index_cast %scan3A_18 : i32 to index
      %get3A_170 = arith.constant 144 : index
      %get3A_171 = tpu.vector_load %arg12[%get3A_169, %get3A_170] {strides = array<i32>} : memref<16x768xf32, #tpu.memory_space<vmem>>, vector<1x16xf32>,
      %get3A_172 = vector.shape_cast %get3A_171 : vector<1x16xf32> to vector<16xf32>
      %mul3A_173 = arith.mulf %get3A_172, %get3A_21 : vector<16xf32>
      %get3A_174 = arith.index_cast %scan3A_18 : i32 to index
      %get3A_175 = arith.constant 144 : index
      %get3A_176 = tpu.vector_load %arg13[%get3A_174, %get3A_175] {strides = array<i32>} : memref<16x768xf32, #tpu.memory_space<vmem>>, vector<1x16xf32>,
      %get3A_177 = vector.shape_cast %get3A_176 : vector<1x16xf32> to vector<16xf32>
      %mul3A_178 = arith.mulf %get3A_177, %get3A_25 : vector<16xf32>
      %add3A_179 = arith.addf %mul3A_173, %mul3A_178 : vector<16xf32>
      %swap3A_180 = arith.index_cast %scan3A_18 : i32 to index
      %swap3A_181 = arith.constant 144 : index
      %swap3A_182 = tpu.vector_load %arg12[%swap3A_180, %swap3A_181] {strides = array<i32>} : memref<16x768xf32, #tpu.memory_space<vmem>>, vector<1x16xf32>,
      %swap3A_183 = vector.shape_cast %swap3A_182 : vector<1x16xf32> to vector<16xf32>
      %swap3A_184 = vector.shape_cast %add3A_179 : vector<16xf32> to vector<1x16xf32>
      tpu.vector_store %arg12[%swap3A_180, %swap3A_181], %swap3A_184 {strides = array<i32>} : memref<16x768xf32, #tpu.memory_space<vmem>>, vector<1x16xf32>,
      %get3A_185 = arith.index_cast %scan3A_18 : i32 to index
      %get3A_186 = arith.constant 160 : index
      %get3A_187 = tpu.vector_load %arg12[%get3A_185, %get3A_186] {strides = array<i32>} : memref<16x768xf32, #tpu.memory_space<vmem>>, vector<1x16xf32>,
      %get3A_188 = vector.shape_cast %get3A_187 : vector<1x16xf32> to vector<16xf32>
      %mul3A_189 = arith.mulf %get3A_188, %get3A_21 : vector<16xf32>
      %get3A_190 = arith.index_cast %scan3A_18 : i32 to index
      %get3A_191 = arith.constant 160 : index
      %get3A_192 = tpu.vector_load %arg13[%get3A_190, %get3A_191] {strides = array<i32>} : memref<16x768xf32, #tpu.memory_space<vmem>>, vector<1x16xf32>,
      %get3A_193 = vector.shape_cast %get3A_192 : vector<1x16xf32> to vector<16xf32>
      %mul3A_194 = arith.mulf %get3A_193, %get3A_25 : vector<16xf32>
      %add3A_195 = arith.addf %mul3A_189, %mul3A_194 : vector<16xf32>
      %swap3A_196 = arith.index_cast %scan3A_18 : i32 to index
      %swap3A_197 = arith.constant 160 : index
      %swap3A_198 = tpu.vector_load %arg12[%swap3A_196, %swap3A_197] {strides = array<i32>} : memref<16x768xf32, #tpu.memory_space<vmem>>, vector<1x16xf32>,
      %swap3A_199 = vector.shape_cast %swap3A_198 : vector<1x16xf32> to vector<16xf32>
      %swap3A_200 = vector.shape_cast %add3A_195 : vector<16xf32> to vector<1x16xf32>
      tpu.vector_store %arg12[%swap3A_196, %swap3A_197], %swap3A_200 {strides = array<i32>} : memref<16x768xf32, #tpu.memory_space<vmem>>, vector<1x16xf32>,
      %get3A_201 = arith.index_cast %scan3A_18 : i32 to index
      %get3A_202 = arith.constant 176 : index
      %get3A_203 = tpu.vector_load %arg12[%get3A_201, %get3A_202] {strides = array<i32>} : memref<16x768xf32, #tpu.memory_space<vmem>>, vector<1x16xf32>,
      %get3A_204 = vector.shape_cast %get3A_203 : vector<1x16xf32> to vector<16xf32>
      %mul3A_205 = arith.mulf %get3A_204, %get3A_21 : vector<16xf32>
      %get3A_206 = arith.index_cast %scan3A_18 : i32 to index
      %get3A_207 = arith.constant 176 : index
      %get3A_208 = tpu.vector_load %arg13[%get3A_206, %get3A_207] {strides = array<i32>} : memref<16x768xf32, #tpu.memory_space<vmem>>, vector<1x16xf32>,
      %get3A_209 = vector.shape_cast %get3A_208 : vector<1x16xf32> to vector<16xf32>
      %mul3A_210 = arith.mulf %get3A_209, %get3A_25 : vector<16xf32>
      %add3A_211 = arith.addf %mul3A_205, %mul3A_210 : vector<16xf32>
      %swap3A_212 = arith.index_cast %scan3A_18 : i32 to index
      %swap3A_213 = arith.constant 176 : index
      %swap3A_214 = tpu.vector_load %arg12[%swap3A_212, %swap3A_213] {strides = array<i32>} : memref<16x768xf32, #tpu.memory_space<vmem>>, vector<1x16xf32>,
      %swap3A_215 = vector.shape_cast %swap3A_214 : vector<1x16xf32> to vector<16xf32>
      %swap3A_216 = vector.shape_cast %add3A_211 : vector<16xf32> to vector<1x16xf32>
      tpu.vector_store %arg12[%swap3A_212, %swap3A_213], %swap3A_216 {strides = array<i32>} : memref<16x768xf32, #tpu.memory_space<vmem>>, vector<1x16xf32>,
      %get3A_217 = arith.index_cast %scan3A_18 : i32 to index
      %get3A_218 = arith.constant 192 : index
      %get3A_219 = tpu.vector_load %arg12[%get3A_217, %get3A_218] {strides = array<i32>} : memref<16x768xf32, #tpu.memory_space<vmem>>, vector<1x16xf32>,
      %get3A_220 = vector.shape_cast %get3A_219 : vector<1x16xf32> to vector<16xf32>
      %mul3A_221 = arith.mulf %get3A_220, %get3A_21 : vector<16xf32>
      %get3A_222 = arith.index_cast %scan3A_18 : i32 to index
      %get3A_223 = arith.constant 192 : index
      %get3A_224 = tpu.vector_load %arg13[%get3A_222, %get3A_223] {strides = array<i32>} : memref<16x768xf32, #tpu.memory_space<vmem>>, vector<1x16xf32>,
      %get3A_225 = vector.shape_cast %get3A_224 : vector<1x16xf32> to vector<16xf32>
      %mul3A_226 = arith.mulf %get3A_225, %get3A_25 : vector<16xf32>
      %add3A_227 = arith.addf %mul3A_221, %mul3A_226 : vector<16xf32>
      %swap3A_228 = arith.index_cast %scan3A_18 : i32 to index
      %swap3A_229 = arith.constant 192 : index
      %swap3A_230 = tpu.vector_load %arg12[%swap3A_228, %swap3A_229] {strides = array<i32>} : memref<16x768xf32, #tpu.memory_space<vmem>>, vector<1x16xf32>,
      %swap3A_231 = vector.shape_cast %swap3A_230 : vector<1x16xf32> to vector<16xf32>
      %swap3A_232 = vector.shape_cast %add3A_227 : vector<16xf32> to vector<1x16xf32>
      tpu.vector_store %arg12[%swap3A_228, %swap3A_229], %swap3A_232 {strides = array<i32>} : memref<16x768xf32, #tpu.memory_space<vmem>>, vector<1x16xf32>,
      %get3A_233 = arith.index_cast %scan3A_18 : i32 to index
      %get3A_234 = arith.constant 208 : index
      %get3A_235 = tpu.vector_load %arg12[%get3A_233, %get3A_234] {strides = array<i32>} : memref<16x768xf32, #tpu.memory_space<vmem>>, vector<1x16xf32>,
      %get3A_236 = vector.shape_cast %get3A_235 : vector<1x16xf32> to vector<16xf32>
      %mul3A_237 = arith.mulf %get3A_236, %get3A_21 : vector<16xf32>
      %get3A_238 = arith.index_cast %scan3A_18 : i32 to index
      %get3A_239 = arith.constant 208 : index
      %get3A_240 = tpu.vector_load %arg13[%get3A_238, %get3A_239] {strides = array<i32>} : memref<16x768xf32, #tpu.memory_space<vmem>>, vector<1x16xf32>,
      %get3A_241 = vector.shape_cast %get3A_240 : vector<1x16xf32> to vector<16xf32>
      %mul3A_242 = arith.mulf %get3A_241, %get3A_25 : vector<16xf32>
      %add3A_243 = arith.addf %mul3A_237, %mul3A_242 : vector<16xf32>
      %swap3A_244 = arith.index_cast %scan3A_18 : i32 to index
      %swap3A_245 = arith.constant 208 : index
      %swap3A_246 = tpu.vector_load %arg12[%swap3A_244, %swap3A_245] {strides = array<i32>} : memref<16x768xf32, #tpu.memory_space<vmem>>, vector<1x16xf32>,
      %swap3A_247 = vector.shape_cast %swap3A_246 : vector<1x16xf32> to vector<16xf32>
      %swap3A_248 = vector.shape_cast %add3A_243 : vector<16xf32> to vector<1x16xf32>
      tpu.vector_store %arg12[%swap3A_244, %swap3A_245], %swap3A_248 {strides = array<i32>} : memref<16x768xf32, #tpu.memory_space<vmem>>, vector<1x16xf32>,
      %get3A_249 = arith.index_cast %scan3A_18 : i32 to index
      %get3A_250 = arith.constant 224 : index
      %get3A_251 = tpu.vector_load %arg12[%get3A_249, %get3A_250] {strides = array<i32>} : memref<16x768xf32, #tpu.memory_space<vmem>>, vector<1x16xf32>,
      %get3A_252 = vector.shape_cast %get3A_251 : vector<1x16xf32> to vector<16xf32>
      %mul3A_253 = arith.mulf %get3A_252, %get3A_21 : vector<16xf32>
      %get3A_254 = arith.index_cast %scan3A_18 : i32 to index
      %get3A_255 = arith.constant 224 : index
      %get3A_256 = tpu.vector_load %arg13[%get3A_254, %get3A_255] {strides = array<i32>} : memref<16x768xf32, #tpu.memory_space<vmem>>, vector<1x16xf32>,
      %get3A_257 = vector.shape_cast %get3A_256 : vector<1x16xf32> to vector<16xf32>
      %mul3A_258 = arith.mulf %get3A_257, %get3A_25 : vector<16xf32>
      %add3A_259 = arith.addf %mul3A_253, %mul3A_258 : vector<16xf32>
      %swap3A_260 = arith.index_cast %scan3A_18 : i32 to index
      %swap3A_261 = arith.constant 224 : index
      %swap3A_262 = tpu.vector_load %arg12[%swap3A_260, %swap3A_261] {strides = array<i32>} : memref<16x768xf32, #tpu.memory_space<vmem>>, vector<1x16xf32>,
      %swap3A_263 = vector.shape_cast %swap3A_262 : vector<1x16xf32> to vector<16xf32>
      %swap3A_264 = vector.shape_cast %add3A_259 : vector<16xf32> to vector<1x16xf32>
      tpu.vector_store %arg12[%swap3A_260, %swap3A_261], %swap3A_264 {strides = array<i32>} : memref<16x768xf32, #tpu.memory_space<vmem>>, vector<1x16xf32>,
      %get3A_265 = arith.index_cast %scan3A_18 : i32 to index
      %get3A_266 = arith.constant 240 : index
      %get3A_267 = tpu.vector_load %arg12[%get3A_265, %get3A_266] {strides = array<i32>} : memref<16x768xf32, #tpu.memory_space<vmem>>, vector<1x16xf32>,
      %get3A_268 = vector.shape_cast %get3A_267 : vector<1x16xf32> to vector<16xf32>
      %mul3A_269 = arith.mulf %get3A_268, %get3A_21 : vector<16xf32>
      %get3A_270 = arith.index_cast %scan3A_18 : i32 to index
      %get3A_271 = arith.constant 240 : index
      %get3A_272 = tpu.vector_load %arg13[%get3A_270, %get3A_271] {strides = array<i32>} : memref<16x768xf32, #tpu.memory_space<vmem>>, vector<1x16xf32>,
      %get3A_273 = vector.shape_cast %get3A_272 : vector<1x16xf32> to vector<16xf32>
      %mul3A_274 = arith.mulf %get3A_273, %get3A_25 : vector<16xf32>
      %add3A_275 = arith.addf %mul3A_269, %mul3A_274 : vector<16xf32>
      %swap3A_276 = arith.index_cast %scan3A_18 : i32 to index
      %swap3A_277 = arith.constant 240 : index
      %swap3A_278 = tpu.vector_load %arg12[%swap3A_276, %swap3A_277] {strides = array<i32>} : memref<16x768xf32, #tpu.memory_space<vmem>>, vector<1x16xf32>,
      %swap3A_279 = vector.shape_cast %swap3A_278 : vector<1x16xf32> to vector<16xf32>
      %swap3A_280 = vector.shape_cast %add3A_275 : vector<16xf32> to vector<1x16xf32>
      tpu.vector_store %arg12[%swap3A_276, %swap3A_277], %swap3A_280 {strides = array<i32>} : memref<16x768xf32, #tpu.memory_space<vmem>>, vector<1x16xf32>,
      %get3A_281 = arith.index_cast %scan3A_18 : i32 to index
      %get3A_282 = arith.constant 256 : index
      %get3A_283 = tpu.vector_load %arg12[%get3A_281, %get3A_282] {strides = array<i32>} : memref<16x768xf32, #tpu.memory_space<vmem>>, vector<1x16xf32>,
      %get3A_284 = vector.shape_cast %get3A_283 : vector<1x16xf32> to vector<16xf32>
      %mul3A_285 = arith.mulf %get3A_284, %get3A_21 : vector<16xf32>
      %get3A_286 = arith.index_cast %scan3A_18 : i32 to index
      %get3A_287 = arith.constant 256 : index
      %get3A_288 = tpu.vector_load %arg13[%get3A_286, %get3A_287] {strides = array<i32>} : memref<16x768xf32, #tpu.memory_space<vmem>>, vector<1x16xf32>,
      %get3A_289 = vector.shape_cast %get3A_288 : vector<1x16xf32> to vector<16xf32>
      %mul3A_290 = arith.mulf %get3A_289, %get3A_25 : vector<16xf32>
      %add3A_291 = arith.addf %mul3A_285, %mul3A_290 : vector<16xf32>
      %swap3A_292 = arith.index_cast %scan3A_18 : i32 to index
      %swap3A_293 = arith.constant 256 : index
      %swap3A_294 = tpu.vector_load %arg12[%swap3A_292, %swap3A_293] {strides = array<i32>} : memref<16x768xf32, #tpu.memory_space<vmem>>, vector<1x16xf32>,
      %swap3A_295 = vector.shape_cast %swap3A_294 : vector<1x16xf32> to vector<16xf32>
      %swap3A_296 = vector.shape_cast %add3A_291 : vector<16xf32> to vector<1x16xf32>
      tpu.vector_store %arg12[%swap3A_292, %swap3A_293], %swap3A_296 {strides = array<i32>} : memref<16x768xf32, #tpu.memory_space<vmem>>, vector<1x16xf32>,
      %get3A_297 = arith.index_cast %scan3A_18 : i32 to index
      %get3A_298 = arith.constant 272 : index
      %get3A_299 = tpu.vector_load %arg12[%get3A_297, %get3A_298] {strides = array<i32>} : memref<16x768xf32, #tpu.memory_space<vmem>>, vector<1x16xf32>,
      %get3A_300 = vector.shape_cast %get3A_299 : vector<1x16xf32> to vector<16xf32>
      %mul3A_301 = arith.mulf %get3A_300, %get3A_21 : vector<16xf32>
      %get3A_302 = arith.index_cast %scan3A_18 : i32 to index
      %get3A_303 = arith.constant 272 : index
      %get3A_304 = tpu.vector_load %arg13[%get3A_302, %get3A_303] {strides = array<i32>} : memref<16x768xf32, #tpu.memory_space<vmem>>, vector<1x16xf32>,
      %get3A_305 = vector.shape_cast %get3A_304 : vector<1x16xf32> to vector<16xf32>
      %mul3A_306 = arith.mulf %get3A_305, %get3A_25 : vector<16xf32>
      %add3A_307 = arith.addf %mul3A_301, %mul3A_306 : vector<16xf32>
      %swap3A_308 = arith.index_cast %scan3A_18 : i32 to index
      %swap3A_309 = arith.constant 272 : index
      %swap3A_310 = tpu.vector_load %arg12[%swap3A_308, %swap3A_309] {strides = array<i32>} : memref<16x768xf32, #tpu.memory_space<vmem>>, vector<1x16xf32>,
      %swap3A_311 = vector.shape_cast %swap3A_310 : vector<1x16xf32> to vector<16xf32>
      %swap3A_312 = vector.shape_cast %add3A_307 : vector<16xf32> to vector<1x16xf32>
      tpu.vector_store %arg12[%swap3A_308, %swap3A_309], %swap3A_312 {strides = array<i32>} : memref<16x768xf32, #tpu.memory_space<vmem>>, vector<1x16xf32>,
      %get3A_313 = arith.index_cast %scan3A_18 : i32 to index
      %get3A_314 = arith.constant 288 : index
      %get3A_315 = tpu.vector_load %arg12[%get3A_313, %get3A_314] {strides = array<i32>} : memref<16x768xf32, #tpu.memory_space<vmem>>, vector<1x16xf32>,
      %get3A_316 = vector.shape_cast %get3A_315 : vector<1x16xf32> to vector<16xf32>
      %mul3A_317 = arith.mulf %get3A_316, %get3A_21 : vector<16xf32>
      %get3A_318 = arith.index_cast %scan3A_18 : i32 to index
      %get3A_319 = arith.constant 288 : index
      %get3A_320 = tpu.vector_load %arg13[%get3A_318, %get3A_319] {strides = array<i32>} : memref<16x768xf32, #tpu.memory_space<vmem>>, vector<1x16xf32>,
      %get3A_321 = vector.shape_cast %get3A_320 : vector<1x16xf32> to vector<16xf32>
      %mul3A_322 = arith.mulf %get3A_321, %get3A_25 : vector<16xf32>
      %add3A_323 = arith.addf %mul3A_317, %mul3A_322 : vector<16xf32>
      %swap3A_324 = arith.index_cast %scan3A_18 : i32 to index
      %swap3A_325 = arith.constant 288 : index
      %swap3A_326 = tpu.vector_load %arg12[%swap3A_324, %swap3A_325] {strides = array<i32>} : memref<16x768xf32, #tpu.memory_space<vmem>>, vector<1x16xf32>,
      %swap3A_327 = vector.shape_cast %swap3A_326 : vector<1x16xf32> to vector<16xf32>
      %swap3A_328 = vector.shape_cast %add3A_323 : vector<16xf32> to vector<1x16xf32>
      tpu.vector_store %arg12[%swap3A_324, %swap3A_325], %swap3A_328 {strides = array<i32>} : memref<16x768xf32, #tpu.memory_space<vmem>>, vector<1x16xf32>,
      %get3A_329 = arith.index_cast %scan3A_18 : i32 to index
      %get3A_330 = arith.constant 304 : index
      %get3A_331 = tpu.vector_load %arg12[%get3A_329, %get3A_330] {strides = array<i32>} : memref<16x768xf32, #tpu.memory_space<vmem>>, vector<1x16xf32>,
      %get3A_332 = vector.shape_cast %get3A_331 : vector<1x16xf32> to vector<16xf32>
      %mul3A_333 = arith.mulf %get3A_332, %get3A_21 : vector<16xf32>
      %get3A_334 = arith.index_cast %scan3A_18 : i32 to index
      %get3A_335 = arith.constant 304 : index
      %get3A_336 = tpu.vector_load %arg13[%get3A_334, %get3A_335] {strides = array<i32>} : memref<16x768xf32, #tpu.memory_space<vmem>>, vector<1x16xf32>,
      %get3A_337 = vector.shape_cast %get3A_336 : vector<1x16xf32> to vector<16xf32>
      %mul3A_338 = arith.mulf %get3A_337, %get3A_25 : vector<16xf32>
      %add3A_339 = arith.addf %mul3A_333, %mul3A_338 : vector<16xf32>
      %swap3A_340 = arith.index_cast %scan3A_18 : i32 to index
      %swap3A_341 = arith.constant 304 : index
      %swap3A_342 = tpu.vector_load %arg12[%swap3A_340, %swap3A_341] {strides = array<i32>} : memref<16x768xf32, #tpu.memory_space<vmem>>, vector<1x16xf32>,
      %swap3A_343 = vector.shape_cast %swap3A_342 : vector<1x16xf32> to vector<16xf32>
      %swap3A_344 = vector.shape_cast %add3A_339 : vector<16xf32> to vector<1x16xf32>
      tpu.vector_store %arg12[%swap3A_340, %swap3A_341], %swap3A_344 {strides = array<i32>} : memref<16x768xf32, #tpu.memory_space<vmem>>, vector<1x16xf32>,
      %get3A_345 = arith.index_cast %scan3A_18 : i32 to index
      %get3A_346 = arith.constant 320 : index
      %get3A_347 = tpu.vector_load %arg12[%get3A_345, %get3A_346] {strides = array<i32>} : memref<16x768xf32, #tpu.memory_space<vmem>>, vector<1x16xf32>,
      %get3A_348 = vector.shape_cast %get3A_347 : vector<1x16xf32> to vector<16xf32>
      %mul3A_349 = arith.mulf %get3A_348, %get3A_21 : vector<16xf32>
      %get3A_350 = arith.index_cast %scan3A_18 : i32 to index
      %get3A_351 = arith.constant 320 : index
      %get3A_352 = tpu.vector_load %arg13[%get3A_350, %get3A_351] {strides = array<i32>} : memref<16x768xf32, #tpu.memory_space<vmem>>, vector<1x16xf32>,
      %get3A_353 = vector.shape_cast %get3A_352 : vector<1x16xf32> to vector<16xf32>
      %mul3A_354 = arith.mulf %get3A_353, %get3A_25 : vector<16xf32>
      %add3A_355 = arith.addf %mul3A_349, %mul3A_354 : vector<16xf32>
      %swap3A_356 = arith.index_cast %scan3A_18 : i32 to index
      %swap3A_357 = arith.constant 320 : index
      %swap3A_358 = tpu.vector_load %arg12[%swap3A_356, %swap3A_357] {strides = array<i32>} : memref<16x768xf32, #tpu.memory_space<vmem>>, vector<1x16xf32>,
      %swap3A_359 = vector.shape_cast %swap3A_358 : vector<1x16xf32> to vector<16xf32>
      %swap3A_360 = vector.shape_cast %add3A_355 : vector<16xf32> to vector<1x16xf32>
      tpu.vector_store %arg12[%swap3A_356, %swap3A_357], %swap3A_360 {strides = array<i32>} : memref<16x768xf32, #tpu.memory_space<vmem>>, vector<1x16xf32>,
      %get3A_361 = arith.index_cast %scan3A_18 : i32 to index
      %get3A_362 = arith.constant 336 : index
      %get3A_363 = tpu.vector_load %arg12[%get3A_361, %get3A_362] {strides = array<i32>} : memref<16x768xf32, #tpu.memory_space<vmem>>, vector<1x16xf32>,
      %get3A_364 = vector.shape_cast %get3A_363 : vector<1x16xf32> to vector<16xf32>
      %mul3A_365 = arith.mulf %get3A_364, %get3A_21 : vector<16xf32>
      %get3A_366 = arith.index_cast %scan3A_18 : i32 to index
      %get3A_367 = arith.constant 336 : index
      %get3A_368 = tpu.vector_load %arg13[%get3A_366, %get3A_367] {strides = array<i32>} : memref<16x768xf32, #tpu.memory_space<vmem>>, vector<1x16xf32>,
      %get3A_369 = vector.shape_cast %get3A_368 : vector<1x16xf32> to vector<16xf32>
      %mul3A_370 = arith.mulf %get3A_369, %get3A_25 : vector<16xf32>
      %add3A_371 = arith.addf %mul3A_365, %mul3A_370 : vector<16xf32>
      %swap3A_372 = arith.index_cast %scan3A_18 : i32 to index
      %swap3A_373 = arith.constant 336 : index
      %swap3A_374 = tpu.vector_load %arg12[%swap3A_372, %swap3A_373] {strides = array<i32>} : memref<16x768xf32, #tpu.memory_space<vmem>>, vector<1x16xf32>,
      %swap3A_375 = vector.shape_cast %swap3A_374 : vector<1x16xf32> to vector<16xf32>
      %swap3A_376 = vector.shape_cast %add3A_371 : vector<16xf32> to vector<1x16xf32>
      tpu.vector_store %arg12[%swap3A_372, %swap3A_373], %swap3A_376 {strides = array<i32>} : memref<16x768xf32, #tpu.memory_space<vmem>>, vector<1x16xf32>,
      %get3A_377 = arith.index_cast %scan3A_18 : i32 to index
      %get3A_378 = arith.constant 352 : index
      %get3A_379 = tpu.vector_load %arg12[%get3A_377, %get3A_378] {strides = array<i32>} : memref<16x768xf32, #tpu.memory_space<vmem>>, vector<1x16xf32>,
      %get3A_380 = vector.shape_cast %get3A_379 : vector<1x16xf32> to vector<16xf32>
      %mul3A_381 = arith.mulf %get3A_380, %get3A_21 : vector<16xf32>
      %get3A_382 = arith.index_cast %scan3A_18 : i32 to index
      %get3A_383 = arith.constant 352 : index
      %get3A_384 = tpu.vector_load %arg13[%get3A_382, %get3A_383] {strides = array<i32>} : memref<16x768xf32, #tpu.memory_space<vmem>>, vector<1x16xf32>,
      %get3A_385 = vector.shape_cast %get3A_384 : vector<1x16xf32> to vector<16xf32>
      %mul3A_386 = arith.mulf %get3A_385, %get3A_25 : vector<16xf32>
      %add3A_387 = arith.addf %mul3A_381, %mul3A_386 : vector<16xf32>
      %swap3A_388 = arith.index_cast %scan3A_18 : i32 to index
      %swap3A_389 = arith.constant 352 : index
      %swap3A_390 = tpu.vector_load %arg12[%swap3A_388, %swap3A_389] {strides = array<i32>} : memref<16x768xf32, #tpu.memory_space<vmem>>, vector<1x16xf32>,
      %swap3A_391 = vector.shape_cast %swap3A_390 : vector<1x16xf32> to vector<16xf32>
      %swap3A_392 = vector.shape_cast %add3A_387 : vector<16xf32> to vector<1x16xf32>
      tpu.vector_store %arg12[%swap3A_388, %swap3A_389], %swap3A_392 {strides = array<i32>} : memref<16x768xf32, #tpu.memory_space<vmem>>, vector<1x16xf32>,
      %get3A_393 = arith.index_cast %scan3A_18 : i32 to index
      %get3A_394 = arith.constant 368 : index
      %get3A_395 = tpu.vector_load %arg12[%get3A_393, %get3A_394] {strides = array<i32>} : memref<16x768xf32, #tpu.memory_space<vmem>>, vector<1x16xf32>,
      %get3A_396 = vector.shape_cast %get3A_395 : vector<1x16xf32> to vector<16xf32>
      %mul3A_397 = arith.mulf %get3A_396, %get3A_21 : vector<16xf32>
      %get3A_398 = arith.index_cast %scan3A_18 : i32 to index
      %get3A_399 = arith.constant 368 : index
      %get3A_400 = tpu.vector_load %arg13[%get3A_398, %get3A_399] {strides = array<i32>} : memref<16x768xf32, #tpu.memory_space<vmem>>, vector<1x16xf32>,
      %get3A_401 = vector.shape_cast %get3A_400 : vector<1x16xf32> to vector<16xf32>
      %mul3A_402 = arith.mulf %get3A_401, %get3A_25 : vector<16xf32>
      %add3A_403 = arith.addf %mul3A_397, %mul3A_402 : vector<16xf32>
      %swap3A_404 = arith.index_cast %scan3A_18 : i32 to index
      %swap3A_405 = arith.constant 368 : index
      %swap3A_406 = tpu.vector_load %arg12[%swap3A_404, %swap3A_405] {strides = array<i32>} : memref<16x768xf32, #tpu.memory_space<vmem>>, vector<1x16xf32>,
      %swap3A_407 = vector.shape_cast %swap3A_406 : vector<1x16xf32> to vector<16xf32>
      %swap3A_408 = vector.shape_cast %add3A_403 : vector<16xf32> to vector<1x16xf32>
      tpu.vector_store %arg12[%swap3A_404, %swap3A_405], %swap3A_408 {strides = array<i32>} : memref<16x768xf32, #tpu.memory_space<vmem>>, vector<1x16xf32>,
      %get3A_409 = arith.index_cast %scan3A_18 : i32 to index
      %get3A_410 = arith.constant 384 : index
      %get3A_411 = tpu.vector_load %arg12[%get3A_409, %get3A_410] {strides = array<i32>} : memref<16x768xf32, #tpu.memory_space<vmem>>, vector<1x16xf32>,
      %get3A_412 = vector.shape_cast %get3A_411 : vector<1x16xf32> to vector<16xf32>
      %mul3A_413 = arith.mulf %get3A_412, %get3A_21 : vector<16xf32>
      %get3A_414 = arith.index_cast %scan3A_18 : i32 to index
      %get3A_415 = arith.constant 384 : index
      %get3A_416 = tpu.vector_load %arg13[%get3A_414, %get3A_415] {strides = array<i32>} : memref<16x768xf32, #tpu.memory_space<vmem>>, vector<1x16xf32>,
      %get3A_417 = vector.shape_cast %get3A_416 : vector<1x16xf32> to vector<16xf32>
      %mul3A_418 = arith.mulf %get3A_417, %get3A_25 : vector<16xf32>
      %add3A_419 = arith.addf %mul3A_413, %mul3A_418 : vector<16xf32>
      %swap3A_420 = arith.index_cast %scan3A_18 : i32 to index
      %swap3A_421 = arith.constant 384 : index
      %swap3A_422 = tpu.vector_load %arg12[%swap3A_420, %swap3A_421] {strides = array<i32>} : memref<16x768xf32, #tpu.memory_space<vmem>>, vector<1x16xf32>,
      %swap3A_423 = vector.shape_cast %swap3A_422 : vector<1x16xf32> to vector<16xf32>
      %swap3A_424 = vector.shape_cast %add3A_419 : vector<16xf32> to vector<1x16xf32>
      tpu.vector_store %arg12[%swap3A_420, %swap3A_421], %swap3A_424 {strides = array<i32>} : memref<16x768xf32, #tpu.memory_space<vmem>>, vector<1x16xf32>,
      %get3A_425 = arith.index_cast %scan3A_18 : i32 to index
      %get3A_426 = arith.constant 400 : index
      %get3A_427 = tpu.vector_load %arg12[%get3A_425, %get3A_426] {strides = array<i32>} : memref<16x768xf32, #tpu.memory_space<vmem>>, vector<1x16xf32>,
      %get3A_428 = vector.shape_cast %get3A_427 : vector<1x16xf32> to vector<16xf32>
      %mul3A_429 = arith.mulf %get3A_428, %get3A_21 : vector<16xf32>
      %get3A_430 = arith.index_cast %scan3A_18 : i32 to index
      %get3A_431 = arith.constant 400 : index
      %get3A_432 = tpu.vector_load %arg13[%get3A_430, %get3A_431] {strides = array<i32>} : memref<16x768xf32, #tpu.memory_space<vmem>>, vector<1x16xf32>,
      %get3A_433 = vector.shape_cast %get3A_432 : vector<1x16xf32> to vector<16xf32>
      %mul3A_434 = arith.mulf %get3A_433, %get3A_25 : vector<16xf32>
      %add3A_435 = arith.addf %mul3A_429, %mul3A_434 : vector<16xf32>
      %swap3A_436 = arith.index_cast %scan3A_18 : i32 to index
      %swap3A_437 = arith.constant 400 : index
      %swap3A_438 = tpu.vector_load %arg12[%swap3A_436, %swap3A_437] {strides = array<i32>} : memref<16x768xf32, #tpu.memory_space<vmem>>, vector<1x16xf32>,
      %swap3A_439 = vector.shape_cast %swap3A_438 : vector<1x16xf32> to vector<16xf32>
      %swap3A_440 = vector.shape_cast %add3A_435 : vector<16xf32> to vector<1x16xf32>
      tpu.vector_store %arg12[%swap3A_436, %swap3A_437], %swap3A_440 {strides = array<i32>} : memref<16x768xf32, #tpu.memory_space<vmem>>, vector<1x16xf32>,
      %get3A_441 = arith.index_cast %scan3A_18 : i32 to index
      %get3A_442 = arith.constant 416 : index
      %get3A_443 = tpu.vector_load %arg12[%get3A_441, %get3A_442] {strides = array<i32>} : memref<16x768xf32, #tpu.memory_space<vmem>>, vector<1x16xf32>,
      %get3A_444 = vector.shape_cast %get3A_443 : vector<1x16xf32> to vector<16xf32>
      %mul3A_445 = arith.mulf %get3A_444, %get3A_21 : vector<16xf32>
      %get3A_446 = arith.index_cast %scan3A_18 : i32 to index
      %get3A_447 = arith.constant 416 : index
      %get3A_448 = tpu.vector_load %arg13[%get3A_446, %get3A_447] {strides = array<i32>} : memref<16x768xf32, #tpu.memory_space<vmem>>, vector<1x16xf32>,
      %get3A_449 = vector.shape_cast %get3A_448 : vector<1x16xf32> to vector<16xf32>
      %mul3A_450 = arith.mulf %get3A_449, %get3A_25 : vector<16xf32>
      %add3A_451 = arith.addf %mul3A_445, %mul3A_450 : vector<16xf32>
      %swap3A_452 = arith.index_cast %scan3A_18 : i32 to index
      %swap3A_453 = arith.constant 416 : index
      %swap3A_454 = tpu.vector_load %arg12[%swap3A_452, %swap3A_453] {strides = array<i32>} : memref<16x768xf32, #tpu.memory_space<vmem>>, vector<1x16xf32>,
      %swap3A_455 = vector.shape_cast %swap3A_454 : vector<1x16xf32> to vector<16xf32>
      %swap3A_456 = vector.shape_cast %add3A_451 : vector<16xf32> to vector<1x16xf32>
      tpu.vector_store %arg12[%swap3A_452, %swap3A_453], %swap3A_456 {strides = array<i32>} : memref<16x768xf32, #tpu.memory_space<vmem>>, vector<1x16xf32>,
      %get3A_457 = arith.index_cast %scan3A_18 : i32 to index
      %get3A_458 = arith.constant 432 : index
      %get3A_459 = tpu.vector_load %arg12[%get3A_457, %get3A_458] {strides = array<i32>} : memref<16x768xf32, #tpu.memory_space<vmem>>, vector<1x16xf32>,
      %get3A_460 = vector.shape_cast %get3A_459 : vector<1x16xf32> to vector<16xf32>
      %mul3A_461 = arith.mulf %get3A_460, %get3A_21 : vector<16xf32>
      %get3A_462 = arith.index_cast %scan3A_18 : i32 to index
      %get3A_463 = arith.constant 432 : index
      %get3A_464 = tpu.vector_load %arg13[%get3A_462, %get3A_463] {strides = array<i32>} : memref<16x768xf32, #tpu.memory_space<vmem>>, vector<1x16xf32>,
      %get3A_465 = vector.shape_cast %get3A_464 : vector<1x16xf32> to vector<16xf32>
      %mul3A_466 = arith.mulf %get3A_465, %get3A_25 : vector<16xf32>
      %add3A_467 = arith.addf %mul3A_461, %mul3A_466 : vector<16xf32>
      %swap3A_468 = arith.index_cast %scan3A_18 : i32 to index
      %swap3A_469 = arith.constant 432 : index
      %swap3A_470 = tpu.vector_load %arg12[%swap3A_468, %swap3A_469] {strides = array<i32>} : memref<16x768xf32, #tpu.memory_space<vmem>>, vector<1x16xf32>,
      %swap3A_471 = vector.shape_cast %swap3A_470 : vector<1x16xf32> to vector<16xf32>
      %swap3A_472 = vector.shape_cast %add3A_467 : vector<16xf32> to vector<1x16xf32>
      tpu.vector_store %arg12[%swap3A_468, %swap3A_469], %swap3A_472 {strides = array<i32>} : memref<16x768xf32, #tpu.memory_space<vmem>>, vector<1x16xf32>,
      %get3A_473 = arith.index_cast %scan3A_18 : i32 to index
      %get3A_474 = arith.constant 448 : index
      %get3A_475 = tpu.vector_load %arg12[%get3A_473, %get3A_474] {strides = array<i32>} : memref<16x768xf32, #tpu.memory_space<vmem>>, vector<1x16xf32>,
      %get3A_476 = vector.shape_cast %get3A_475 : vector<1x16xf32> to vector<16xf32>
      %mul3A_477 = arith.mulf %get3A_476, %get3A_21 : vector<16xf32>
      %get3A_478 = arith.index_cast %scan3A_18 : i32 to index
      %get3A_479 = arith.constant 448 : index
      %get3A_480 = tpu.vector_load %arg13[%get3A_478, %get3A_479] {strides = array<i32>} : memref<16x768xf32, #tpu.memory_space<vmem>>, vector<1x16xf32>,
      %get3A_481 = vector.shape_cast %get3A_480 : vector<1x16xf32> to vector<16xf32>
      %mul3A_482 = arith.mulf %get3A_481, %get3A_25 : vector<16xf32>
      %add3A_483 = arith.addf %mul3A_477, %mul3A_482 : vector<16xf32>
      %swap3A_484 = arith.index_cast %scan3A_18 : i32 to index
      %swap3A_485 = arith.constant 448 : index
      %swap3A_486 = tpu.vector_load %arg12[%swap3A_484, %swap3A_485] {strides = array<i32>} : memref<16x768xf32, #tpu.memory_space<vmem>>, vector<1x16xf32>,
      %swap3A_487 = vector.shape_cast %swap3A_486 : vector<1x16xf32> to vector<16xf32>
      %swap3A_488 = vector.shape_cast %add3A_483 : vector<16xf32> to vector<1x16xf32>
      tpu.vector_store %arg12[%swap3A_484, %swap3A_485], %swap3A_488 {strides = array<i32>} : memref<16x768xf32, #tpu.memory_space<vmem>>, vector<1x16xf32>,
      %get3A_489 = arith.index_cast %scan3A_18 : i32 to index
      %get3A_490 = arith.constant 464 : index
      %get3A_491 = tpu.vector_load %arg12[%get3A_489, %get3A_490] {strides = array<i32>} : memref<16x768xf32, #tpu.memory_space<vmem>>, vector<1x16xf32>,
      %get3A_492 = vector.shape_cast %get3A_491 : vector<1x16xf32> to vector<16xf32>
      %mul3A_493 = arith.mulf %get3A_492, %get3A_21 : vector<16xf32>
      %get3A_494 = arith.index_cast %scan3A_18 : i32 to index
      %get3A_495 = arith.constant 464 : index
      %get3A_496 = tpu.vector_load %arg13[%get3A_494, %get3A_495] {strides = array<i32>} : memref<16x768xf32, #tpu.memory_space<vmem>>, vector<1x16xf32>,
      %get3A_497 = vector.shape_cast %get3A_496 : vector<1x16xf32> to vector<16xf32>
      %mul3A_498 = arith.mulf %get3A_497, %get3A_25 : vector<16xf32>
      %add3A_499 = arith.addf %mul3A_493, %mul3A_498 : vector<16xf32>
      %swap3A_500 = arith.index_cast %scan3A_18 : i32 to index
      %swap3A_501 = arith.constant 464 : index
      %swap3A_502 = tpu.vector_load %arg12[%swap3A_500, %swap3A_501] {strides = array<i32>} : memref<16x768xf32, #tpu.memory_space<vmem>>, vector<1x16xf32>,
      %swap3A_503 = vector.shape_cast %swap3A_502 : vector<1x16xf32> to vector<16xf32>
      %swap3A_504 = vector.shape_cast %add3A_499 : vector<16xf32> to vector<1x16xf32>
      tpu.vector_store %arg12[%swap3A_500, %swap3A_501], %swap3A_504 {strides = array<i32>} : memref<16x768xf32, #tpu.memory_space<vmem>>, vector<1x16xf32>,
      %get3A_505 = arith.index_cast %scan3A_18 : i32 to index
      %get3A_506 = arith.constant 480 : index
      %get3A_507 = tpu.vector_load %arg12[%get3A_505, %get3A_506] {strides = array<i32>} : memref<16x768xf32, #tpu.memory_space<vmem>>, vector<1x16xf32>,
      %get3A_508 = vector.shape_cast %get3A_507 : vector<1x16xf32> to vector<16xf32>
      %mul3A_509 = arith.mulf %get3A_508, %get3A_21 : vector<16xf32>
      %get3A_510 = arith.index_cast %scan3A_18 : i32 to index
      %get3A_511 = arith.constant 480 : index
      %get3A_512 = tpu.vector_load %arg13[%get3A_510, %get3A_511] {strides = array<i32>} : memref<16x768xf32, #tpu.memory_space<vmem>>, vector<1x16xf32>,
      %get3A_513 = vector.shape_cast %get3A_512 : vector<1x16xf32> to vector<16xf32>
      %mul3A_514 = arith.mulf %get3A_513, %get3A_25 : vector<16xf32>
      %add3A_515 = arith.addf %mul3A_509, %mul3A_514 : vector<16xf32>
      %swap3A_516 = arith.index_cast %scan3A_18 : i32 to index
      %swap3A_517 = arith.constant 480 : index
      %swap3A_518 = tpu.vector_load %arg12[%swap3A_516, %swap3A_517] {strides = array<i32>} : memref<16x768xf32, #tpu.memory_space<vmem>>, vector<1x16xf32>,
      %swap3A_519 = vector.shape_cast %swap3A_518 : vector<1x16xf32> to vector<16xf32>
      %swap3A_520 = vector.shape_cast %add3A_515 : vector<16xf32> to vector<1x16xf32>
      tpu.vector_store %arg12[%swap3A_516, %swap3A_517], %swap3A_520 {strides = array<i32>} : memref<16x768xf32, #tpu.memory_space<vmem>>, vector<1x16xf32>,
      %get3A_521 = arith.index_cast %scan3A_18 : i32 to index
      %get3A_522 = arith.constant 496 : index
      %get3A_523 = tpu.vector_load %arg12[%get3A_521, %get3A_522] {strides = array<i32>} : memref<16x768xf32, #tpu.memory_space<vmem>>, vector<1x16xf32>,
      %get3A_524 = vector.shape_cast %get3A_523 : vector<1x16xf32> to vector<16xf32>
      %mul3A_525 = arith.mulf %get3A_524, %get3A_21 : vector<16xf32>
      %get3A_526 = arith.index_cast %scan3A_18 : i32 to index
      %get3A_527 = arith.constant 496 : index
      %get3A_528 = tpu.vector_load %arg13[%get3A_526, %get3A_527] {strides = array<i32>} : memref<16x768xf32, #tpu.memory_space<vmem>>, vector<1x16xf32>,
      %get3A_529 = vector.shape_cast %get3A_528 : vector<1x16xf32> to vector<16xf32>
      %mul3A_530 = arith.mulf %get3A_529, %get3A_25 : vector<16xf32>
      %add3A_531 = arith.addf %mul3A_525, %mul3A_530 : vector<16xf32>
      %swap3A_532 = arith.index_cast %scan3A_18 : i32 to index
      %swap3A_533 = arith.constant 496 : index
      %swap3A_534 = tpu.vector_load %arg12[%swap3A_532, %swap3A_533] {strides = array<i32>} : memref<16x768xf32, #tpu.memory_space<vmem>>, vector<1x16xf32>,
      %swap3A_535 = vector.shape_cast %swap3A_534 : vector<1x16xf32> to vector<16xf32>
      %swap3A_536 = vector.shape_cast %add3A_531 : vector<16xf32> to vector<1x16xf32>
      tpu.vector_store %arg12[%swap3A_532, %swap3A_533], %swap3A_536 {strides = array<i32>} : memref<16x768xf32, #tpu.memory_space<vmem>>, vector<1x16xf32>,
      %get3A_537 = arith.index_cast %scan3A_18 : i32 to index
      %get3A_538 = arith.constant 512 : index
      %get3A_539 = tpu.vector_load %arg12[%get3A_537, %get3A_538] {strides = array<i32>} : memref<16x768xf32, #tpu.memory_space<vmem>>, vector<1x16xf32>,
      %get3A_540 = vector.shape_cast %get3A_539 : vector<1x16xf32> to vector<16xf32>
      %mul3A_541 = arith.mulf %get3A_540, %get3A_21 : vector<16xf32>
      %get3A_542 = arith.index_cast %scan3A_18 : i32 to index
      %get3A_543 = arith.constant 512 : index
      %get3A_544 = tpu.vector_load %arg13[%get3A_542, %get3A_543] {strides = array<i32>} : memref<16x768xf32, #tpu.memory_space<vmem>>, vector<1x16xf32>,
      %get3A_545 = vector.shape_cast %get3A_544 : vector<1x16xf32> to vector<16xf32>
      %mul3A_546 = arith.mulf %get3A_545, %get3A_25 : vector<16xf32>
      %add3A_547 = arith.addf %mul3A_541, %mul3A_546 : vector<16xf32>
      %swap3A_548 = arith.index_cast %scan3A_18 : i32 to index
      %swap3A_549 = arith.constant 512 : index
      %swap3A_550 = tpu.vector_load %arg12[%swap3A_548, %swap3A_549] {strides = array<i32>} : memref<16x768xf32, #tpu.memory_space<vmem>>, vector<1x16xf32>,
      %swap3A_551 = vector.shape_cast %swap3A_550 : vector<1x16xf32> to vector<16xf32>
      %swap3A_552 = vector.shape_cast %add3A_547 : vector<16xf32> to vector<1x16xf32>
      tpu.vector_store %arg12[%swap3A_548, %swap3A_549], %swap3A_552 {strides = array<i32>} : memref<16x768xf32, #tpu.memory_space<vmem>>, vector<1x16xf32>,
      %get3A_553 = arith.index_cast %scan3A_18 : i32 to index
      %get3A_554 = arith.constant 528 : index
      %get3A_555 = tpu.vector_load %arg12[%get3A_553, %get3A_554] {strides = array<i32>} : memref<16x768xf32, #tpu.memory_space<vmem>>, vector<1x16xf32>,
      %get3A_556 = vector.shape_cast %get3A_555 : vector<1x16xf32> to vector<16xf32>
      %mul3A_557 = arith.mulf %get3A_556, %get3A_21 : vector<16xf32>
      %get3A_558 = arith.index_cast %scan3A_18 : i32 to index
      %get3A_559 = arith.constant 528 : index
      %get3A_560 = tpu.vector_load %arg13[%get3A_558, %get3A_559] {strides = array<i32>} : memref<16x768xf32, #tpu.memory_space<vmem>>, vector<1x16xf32>,
      %get3A_561 = vector.shape_cast %get3A_560 : vector<1x16xf32> to vector<16xf32>
      %mul3A_562 = arith.mulf %get3A_561, %get3A_25 : vector<16xf32>
      %add3A_563 = arith.addf %mul3A_557, %mul3A_562 : vector<16xf32>
      %swap3A_564 = arith.index_cast %scan3A_18 : i32 to index
      %swap3A_565 = arith.constant 528 : index
      %swap3A_566 = tpu.vector_load %arg12[%swap3A_564, %swap3A_565] {strides = array<i32>} : memref<16x768xf32, #tpu.memory_space<vmem>>, vector<1x16xf32>,
      %swap3A_567 = vector.shape_cast %swap3A_566 : vector<1x16xf32> to vector<16xf32>
      %swap3A_568 = vector.shape_cast %add3A_563 : vector<16xf32> to vector<1x16xf32>
      tpu.vector_store %arg12[%swap3A_564, %swap3A_565], %swap3A_568 {strides = array<i32>} : memref<16x768xf32, #tpu.memory_space<vmem>>, vector<1x16xf32>,
      %get3A_569 = arith.index_cast %scan3A_18 : i32 to index
      %get3A_570 = arith.constant 544 : index
      %get3A_571 = tpu.vector_load %arg12[%get3A_569, %get3A_570] {strides = array<i32>} : memref<16x768xf32, #tpu.memory_space<vmem>>, vector<1x16xf32>,
      %get3A_572 = vector.shape_cast %get3A_571 : vector<1x16xf32> to vector<16xf32>
      %mul3A_573 = arith.mulf %get3A_572, %get3A_21 : vector<16xf32>
      %get3A_574 = arith.index_cast %scan3A_18 : i32 to index
      %get3A_575 = arith.constant 544 : index
      %get3A_576 = tpu.vector_load %arg13[%get3A_574, %get3A_575] {strides = array<i32>} : memref<16x768xf32, #tpu.memory_space<vmem>>, vector<1x16xf32>,
      %get3A_577 = vector.shape_cast %get3A_576 : vector<1x16xf32> to vector<16xf32>
      %mul3A_578 = arith.mulf %get3A_577, %get3A_25 : vector<16xf32>
      %add3A_579 = arith.addf %mul3A_573, %mul3A_578 : vector<16xf32>
      %swap3A_580 = arith.index_cast %scan3A_18 : i32 to index
      %swap3A_581 = arith.constant 544 : index
      %swap3A_582 = tpu.vector_load %arg12[%swap3A_580, %swap3A_581] {strides = array<i32>} : memref<16x768xf32, #tpu.memory_space<vmem>>, vector<1x16xf32>,
      %swap3A_583 = vector.shape_cast %swap3A_582 : vector<1x16xf32> to vector<16xf32>
      %swap3A_584 = vector.shape_cast %add3A_579 : vector<16xf32> to vector<1x16xf32>
      tpu.vector_store %arg12[%swap3A_580, %swap3A_581], %swap3A_584 {strides = array<i32>} : memref<16x768xf32, #tpu.memory_space<vmem>>, vector<1x16xf32>,
      %get3A_585 = arith.index_cast %scan3A_18 : i32 to index
      %get3A_586 = arith.constant 560 : index
      %get3A_587 = tpu.vector_load %arg12[%get3A_585, %get3A_586] {strides = array<i32>} : memref<16x768xf32, #tpu.memory_space<vmem>>, vector<1x16xf32>,
      %get3A_588 = vector.shape_cast %get3A_587 : vector<1x16xf32> to vector<16xf32>
      %mul3A_589 = arith.mulf %get3A_588, %get3A_21 : vector<16xf32>
      %get3A_590 = arith.index_cast %scan3A_18 : i32 to index
      %get3A_591 = arith.constant 560 : index
      %get3A_592 = tpu.vector_load %arg13[%get3A_590, %get3A_591] {strides = array<i32>} : memref<16x768xf32, #tpu.memory_space<vmem>>, vector<1x16xf32>,
      %get3A_593 = vector.shape_cast %get3A_592 : vector<1x16xf32> to vector<16xf32>
      %mul3A_594 = arith.mulf %get3A_593, %get3A_25 : vector<16xf32>
      %add3A_595 = arith.addf %mul3A_589, %mul3A_594 : vector<16xf32>
      %swap3A_596 = arith.index_cast %scan3A_18 : i32 to index
      %swap3A_597 = arith.constant 560 : index
      %swap3A_598 = tpu.vector_load %arg12[%swap3A_596, %swap3A_597] {strides = array<i32>} : memref<16x768xf32, #tpu.memory_space<vmem>>, vector<1x16xf32>,
      %swap3A_599 = vector.shape_cast %swap3A_598 : vector<1x16xf32> to vector<16xf32>
      %swap3A_600 = vector.shape_cast %add3A_595 : vector<16xf32> to vector<1x16xf32>
      tpu.vector_store %arg12[%swap3A_596, %swap3A_597], %swap3A_600 {strides = array<i32>} : memref<16x768xf32, #tpu.memory_space<vmem>>, vector<1x16xf32>,
      %get3A_601 = arith.index_cast %scan3A_18 : i32 to index
      %get3A_602 = arith.constant 576 : index
      %get3A_603 = tpu.vector_load %arg12[%get3A_601, %get3A_602] {strides = array<i32>} : memref<16x768xf32, #tpu.memory_space<vmem>>, vector<1x16xf32>,
      %get3A_604 = vector.shape_cast %get3A_603 : vector<1x16xf32> to vector<16xf32>
      %mul3A_605 = arith.mulf %get3A_604, %get3A_21 : vector<16xf32>
      %get3A_606 = arith.index_cast %scan3A_18 : i32 to index
      %get3A_607 = arith.constant 576 : index
      %get3A_608 = tpu.vector_load %arg13[%get3A_606, %get3A_607] {strides = array<i32>} : memref<16x768xf32, #tpu.memory_space<vmem>>, vector<1x16xf32>,
      %get3A_609 = vector.shape_cast %get3A_608 : vector<1x16xf32> to vector<16xf32>
      %mul3A_610 = arith.mulf %get3A_609, %get3A_25 : vector<16xf32>
      %add3A_611 = arith.addf %mul3A_605, %mul3A_610 : vector<16xf32>
      %swap3A_612 = arith.index_cast %scan3A_18 : i32 to index
      %swap3A_613 = arith.constant 576 : index
      %swap3A_614 = tpu.vector_load %arg12[%swap3A_612, %swap3A_613] {strides = array<i32>} : memref<16x768xf32, #tpu.memory_space<vmem>>, vector<1x16xf32>,
      %swap3A_615 = vector.shape_cast %swap3A_614 : vector<1x16xf32> to vector<16xf32>
      %swap3A_616 = vector.shape_cast %add3A_611 : vector<16xf32> to vector<1x16xf32>
      tpu.vector_store %arg12[%swap3A_612, %swap3A_613], %swap3A_616 {strides = array<i32>} : memref<16x768xf32, #tpu.memory_space<vmem>>, vector<1x16xf32>,
      %get3A_617 = arith.index_cast %scan3A_18 : i32 to index
      %get3A_618 = arith.constant 592 : index
      %get3A_619 = tpu.vector_load %arg12[%get3A_617, %get3A_618] {strides = array<i32>} : memref<16x768xf32, #tpu.memory_space<vmem>>, vector<1x16xf32>,
      %get3A_620 = vector.shape_cast %get3A_619 : vector<1x16xf32> to vector<16xf32>
      %mul3A_621 = arith.mulf %get3A_620, %get3A_21 : vector<16xf32>
      %get3A_622 = arith.index_cast %scan3A_18 : i32 to index
      %get3A_623 = arith.constant 592 : index
      %get3A_624 = tpu.vector_load %arg13[%get3A_622, %get3A_623] {strides = array<i32>} : memref<16x768xf32, #tpu.memory_space<vmem>>, vector<1x16xf32>,
      %get3A_625 = vector.shape_cast %get3A_624 : vector<1x16xf32> to vector<16xf32>
      %mul3A_626 = arith.mulf %get3A_625, %get3A_25 : vector<16xf32>
      %add3A_627 = arith.addf %mul3A_621, %mul3A_626 : vector<16xf32>
      %swap3A_628 = arith.index_cast %scan3A_18 : i32 to index
      %swap3A_629 = arith.constant 592 : index
      %swap3A_630 = tpu.vector_load %arg12[%swap3A_628, %swap3A_629] {strides = array<i32>} : memref<16x768xf32, #tpu.memory_space<vmem>>, vector<1x16xf32>,
      %swap3A_631 = vector.shape_cast %swap3A_630 : vector<1x16xf32> to vector<16xf32>
      %swap3A_632 = vector.shape_cast %add3A_627 : vector<16xf32> to vector<1x16xf32>
      tpu.vector_store %arg12[%swap3A_628, %swap3A_629], %swap3A_632 {strides = array<i32>} : memref<16x768xf32, #tpu.memory_space<vmem>>, vector<1x16xf32>,
      %get3A_633 = arith.index_cast %scan3A_18 : i32 to index
      %get3A_634 = arith.constant 608 : index
      %get3A_635 = tpu.vector_load %arg12[%get3A_633, %get3A_634] {strides = array<i32>} : memref<16x768xf32, #tpu.memory_space<vmem>>, vector<1x16xf32>,
      %get3A_636 = vector.shape_cast %get3A_635 : vector<1x16xf32> to vector<16xf32>
      %mul3A_637 = arith.mulf %get3A_636, %get3A_21 : vector<16xf32>
      %get3A_638 = arith.index_cast %scan3A_18 : i32 to index
      %get3A_639 = arith.constant 608 : index
      %get3A_640 = tpu.vector_load %arg13[%get3A_638, %get3A_639] {strides = array<i32>} : memref<16x768xf32, #tpu.memory_space<vmem>>, vector<1x16xf32>,
      %get3A_641 = vector.shape_cast %get3A_640 : vector<1x16xf32> to vector<16xf32>
      %mul3A_642 = arith.mulf %get3A_641, %get3A_25 : vector<16xf32>
      %add3A_643 = arith.addf %mul3A_637, %mul3A_642 : vector<16xf32>
      %swap3A_644 = arith.index_cast %scan3A_18 : i32 to index
      %swap3A_645 = arith.constant 608 : index
      %swap3A_646 = tpu.vector_load %arg12[%swap3A_644, %swap3A_645] {strides = array<i32>} : memref<16x768xf32, #tpu.memory_space<vmem>>, vector<1x16xf32>,
      %swap3A_647 = vector.shape_cast %swap3A_646 : vector<1x16xf32> to vector<16xf32>
      %swap3A_648 = vector.shape_cast %add3A_643 : vector<16xf32> to vector<1x16xf32>
      tpu.vector_store %arg12[%swap3A_644, %swap3A_645], %swap3A_648 {strides = array<i32>} : memref<16x768xf32, #tpu.memory_space<vmem>>, vector<1x16xf32>,
      %get3A_649 = arith.index_cast %scan3A_18 : i32 to index
      %get3A_650 = arith.constant 624 : index
      %get3A_651 = tpu.vector_load %arg12[%get3A_649, %get3A_650] {strides = array<i32>} : memref<16x768xf32, #tpu.memory_space<vmem>>, vector<1x16xf32>,
      %get3A_652 = vector.shape_cast %get3A_651 : vector<1x16xf32> to vector<16xf32>
      %mul3A_653 = arith.mulf %get3A_652, %get3A_21 : vector<16xf32>
      %get3A_654 = arith.index_cast %scan3A_18 : i32 to index
      %get3A_655 = arith.constant 624 : index
      %get3A_656 = tpu.vector_load %arg13[%get3A_654, %get3A_655] {strides = array<i32>} : memref<16x768xf32, #tpu.memory_space<vmem>>, vector<1x16xf32>,
      %get3A_657 = vector.shape_cast %get3A_656 : vector<1x16xf32> to vector<16xf32>
      %mul3A_658 = arith.mulf %get3A_657, %get3A_25 : vector<16xf32>
      %add3A_659 = arith.addf %mul3A_653, %mul3A_658 : vector<16xf32>
      %swap3A_660 = arith.index_cast %scan3A_18 : i32 to index
      %swap3A_661 = arith.constant 624 : index
      %swap3A_662 = tpu.vector_load %arg12[%swap3A_660, %swap3A_661] {strides = array<i32>} : memref<16x768xf32, #tpu.memory_space<vmem>>, vector<1x16xf32>,
      %swap3A_663 = vector.shape_cast %swap3A_662 : vector<1x16xf32> to vector<16xf32>
      %swap3A_664 = vector.shape_cast %add3A_659 : vector<16xf32> to vector<1x16xf32>
      tpu.vector_store %arg12[%swap3A_660, %swap3A_661], %swap3A_664 {strides = array<i32>} : memref<16x768xf32, #tpu.memory_space<vmem>>, vector<1x16xf32>,
      %get3A_665 = arith.index_cast %scan3A_18 : i32 to index
      %get3A_666 = arith.constant 640 : index
      %get3A_667 = tpu.vector_load %arg12[%get3A_665, %get3A_666] {strides = array<i32>} : memref<16x768xf32, #tpu.memory_space<vmem>>, vector<1x16xf32>,
      %get3A_668 = vector.shape_cast %get3A_667 : vector<1x16xf32> to vector<16xf32>
      %mul3A_669 = arith.mulf %get3A_668, %get3A_21 : vector<16xf32>
      %get3A_670 = arith.index_cast %scan3A_18 : i32 to index
      %get3A_671 = arith.constant 640 : index
      %get3A_672 = tpu.vector_load %arg13[%get3A_670, %get3A_671] {strides = array<i32>} : memref<16x768xf32, #tpu.memory_space<vmem>>, vector<1x16xf32>,
      %get3A_673 = vector.shape_cast %get3A_672 : vector<1x16xf32> to vector<16xf32>
      %mul3A_674 = arith.mulf %get3A_673, %get3A_25 : vector<16xf32>
      %add3A_675 = arith.addf %mul3A_669, %mul3A_674 : vector<16xf32>
      %swap3A_676 = arith.index_cast %scan3A_18 : i32 to index
      %swap3A_677 = arith.constant 640 : index
      %swap3A_678 = tpu.vector_load %arg12[%swap3A_676, %swap3A_677] {strides = array<i32>} : memref<16x768xf32, #tpu.memory_space<vmem>>, vector<1x16xf32>,
      %swap3A_679 = vector.shape_cast %swap3A_678 : vector<1x16xf32> to vector<16xf32>
      %swap3A_680 = vector.shape_cast %add3A_675 : vector<16xf32> to vector<1x16xf32>
      tpu.vector_store %arg12[%swap3A_676, %swap3A_677], %swap3A_680 {strides = array<i32>} : memref<16x768xf32, #tpu.memory_space<vmem>>, vector<1x16xf32>,
      %get3A_681 = arith.index_cast %scan3A_18 : i32 to index
      %get3A_682 = arith.constant 656 : index
      %get3A_683 = tpu.vector_load %arg12[%get3A_681, %get3A_682] {strides = array<i32>} : memref<16x768xf32, #tpu.memory_space<vmem>>, vector<1x16xf32>,
      %get3A_684 = vector.shape_cast %get3A_683 : vector<1x16xf32> to vector<16xf32>
      %mul3A_685 = arith.mulf %get3A_684, %get3A_21 : vector<16xf32>
      %get3A_686 = arith.index_cast %scan3A_18 : i32 to index
      %get3A_687 = arith.constant 656 : index
      %get3A_688 = tpu.vector_load %arg13[%get3A_686, %get3A_687] {strides = array<i32>} : memref<16x768xf32, #tpu.memory_space<vmem>>, vector<1x16xf32>,
      %get3A_689 = vector.shape_cast %get3A_688 : vector<1x16xf32> to vector<16xf32>
      %mul3A_690 = arith.mulf %get3A_689, %get3A_25 : vector<16xf32>
      %add3A_691 = arith.addf %mul3A_685, %mul3A_690 : vector<16xf32>
      %swap3A_692 = arith.index_cast %scan3A_18 : i32 to index
      %swap3A_693 = arith.constant 656 : index
      %swap3A_694 = tpu.vector_load %arg12[%swap3A_692, %swap3A_693] {strides = array<i32>} : memref<16x768xf32, #tpu.memory_space<vmem>>, vector<1x16xf32>,
      %swap3A_695 = vector.shape_cast %swap3A_694 : vector<1x16xf32> to vector<16xf32>
      %swap3A_696 = vector.shape_cast %add3A_691 : vector<16xf32> to vector<1x16xf32>
      tpu.vector_store %arg12[%swap3A_692, %swap3A_693], %swap3A_696 {strides = array<i32>} : memref<16x768xf32, #tpu.memory_space<vmem>>, vector<1x16xf32>,
      %get3A_697 = arith.index_cast %scan3A_18 : i32 to index
      %get3A_698 = arith.constant 672 : index
      %get3A_699 = tpu.vector_load %arg12[%get3A_697, %get3A_698] {strides = array<i32>} : memref<16x768xf32, #tpu.memory_space<vmem>>, vector<1x16xf32>,
      %get3A_700 = vector.shape_cast %get3A_699 : vector<1x16xf32> to vector<16xf32>
      %mul3A_701 = arith.mulf %get3A_700, %get3A_21 : vector<16xf32>
      %get3A_702 = arith.index_cast %scan3A_18 : i32 to index
      %get3A_703 = arith.constant 672 : index
      %get3A_704 = tpu.vector_load %arg13[%get3A_702, %get3A_703] {strides = array<i32>} : memref<16x768xf32, #tpu.memory_space<vmem>>, vector<1x16xf32>,
      %get3A_705 = vector.shape_cast %get3A_704 : vector<1x16xf32> to vector<16xf32>
      %mul3A_706 = arith.mulf %get3A_705, %get3A_25 : vector<16xf32>
      %add3A_707 = arith.addf %mul3A_701, %mul3A_706 : vector<16xf32>
      %swap3A_708 = arith.index_cast %scan3A_18 : i32 to index
      %swap3A_709 = arith.constant 672 : index
      %swap3A_710 = tpu.vector_load %arg12[%swap3A_708, %swap3A_709] {strides = array<i32>} : memref<16x768xf32, #tpu.memory_space<vmem>>, vector<1x16xf32>,
      %swap3A_711 = vector.shape_cast %swap3A_710 : vector<1x16xf32> to vector<16xf32>
      %swap3A_712 = vector.shape_cast %add3A_707 : vector<16xf32> to vector<1x16xf32>
      tpu.vector_store %arg12[%swap3A_708, %swap3A_709], %swap3A_712 {strides = array<i32>} : memref<16x768xf32, #tpu.memory_space<vmem>>, vector<1x16xf32>,
      %get3A_713 = arith.index_cast %scan3A_18 : i32 to index
      %get3A_714 = arith.constant 688 : index
      %get3A_715 = tpu.vector_load %arg12[%get3A_713, %get3A_714] {strides = array<i32>} : memref<16x768xf32, #tpu.memory_space<vmem>>, vector<1x16xf32>,
      %get3A_716 = vector.shape_cast %get3A_715 : vector<1x16xf32> to vector<16xf32>
      %mul3A_717 = arith.mulf %get3A_716, %get3A_21 : vector<16xf32>
      %get3A_718 = arith.index_cast %scan3A_18 : i32 to index
      %get3A_719 = arith.constant 688 : index
      %get3A_720 = tpu.vector_load %arg13[%get3A_718, %get3A_719] {strides = array<i32>} : memref<16x768xf32, #tpu.memory_space<vmem>>, vector<1x16xf32>,
      %get3A_721 = vector.shape_cast %get3A_720 : vector<1x16xf32> to vector<16xf32>
      %mul3A_722 = arith.mulf %get3A_721, %get3A_25 : vector<16xf32>
      %add3A_723 = arith.addf %mul3A_717, %mul3A_722 : vector<16xf32>
      %swap3A_724 = arith.index_cast %scan3A_18 : i32 to index
      %swap3A_725 = arith.constant 688 : index
      %swap3A_726 = tpu.vector_load %arg12[%swap3A_724, %swap3A_725] {strides = array<i32>} : memref<16x768xf32, #tpu.memory_space<vmem>>, vector<1x16xf32>,
      %swap3A_727 = vector.shape_cast %swap3A_726 : vector<1x16xf32> to vector<16xf32>
      %swap3A_728 = vector.shape_cast %add3A_723 : vector<16xf32> to vector<1x16xf32>
      tpu.vector_store %arg12[%swap3A_724, %swap3A_725], %swap3A_728 {strides = array<i32>} : memref<16x768xf32, #tpu.memory_space<vmem>>, vector<1x16xf32>,
      %get3A_729 = arith.index_cast %scan3A_18 : i32 to index
      %get3A_730 = arith.constant 704 : index
      %get3A_731 = tpu.vector_load %arg12[%get3A_729, %get3A_730] {strides = array<i32>} : memref<16x768xf32, #tpu.memory_space<vmem>>, vector<1x16xf32>,
      %get3A_732 = vector.shape_cast %get3A_731 : vector<1x16xf32> to vector<16xf32>
      %mul3A_733 = arith.mulf %get3A_732, %get3A_21 : vector<16xf32>
      %get3A_734 = arith.index_cast %scan3A_18 : i32 to index
      %get3A_735 = arith.constant 704 : index
      %get3A_736 = tpu.vector_load %arg13[%get3A_734, %get3A_735] {strides = array<i32>} : memref<16x768xf32, #tpu.memory_space<vmem>>, vector<1x16xf32>,
      %get3A_737 = vector.shape_cast %get3A_736 : vector<1x16xf32> to vector<16xf32>
      %mul3A_738 = arith.mulf %get3A_737, %get3A_25 : vector<16xf32>
      %add3A_739 = arith.addf %mul3A_733, %mul3A_738 : vector<16xf32>
      %swap3A_740 = arith.index_cast %scan3A_18 : i32 to index
      %swap3A_741 = arith.constant 704 : index
      %swap3A_742 = tpu.vector_load %arg12[%swap3A_740, %swap3A_741] {strides = array<i32>} : memref<16x768xf32, #tpu.memory_space<vmem>>, vector<1x16xf32>,
      %swap3A_743 = vector.shape_cast %swap3A_742 : vector<1x16xf32> to vector<16xf32>
      %swap3A_744 = vector.shape_cast %add3A_739 : vector<16xf32> to vector<1x16xf32>
      tpu.vector_store %arg12[%swap3A_740, %swap3A_741], %swap3A_744 {strides = array<i32>} : memref<16x768xf32, #tpu.memory_space<vmem>>, vector<1x16xf32>,
      %get3A_745 = arith.index_cast %scan3A_18 : i32 to index
      %get3A_746 = arith.constant 720 : index
      %get3A_747 = tpu.vector_load %arg12[%get3A_745, %get3A_746] {strides = array<i32>} : memref<16x768xf32, #tpu.memory_space<vmem>>, vector<1x16xf32>,
      %get3A_748 = vector.shape_cast %get3A_747 : vector<1x16xf32> to vector<16xf32>
      %mul3A_749 = arith.mulf %get3A_748, %get3A_21 : vector<16xf32>
      %get3A_750 = arith.index_cast %scan3A_18 : i32 to index
      %get3A_751 = arith.constant 720 : index
      %get3A_752 = tpu.vector_load %arg13[%get3A_750, %get3A_751] {strides = array<i32>} : memref<16x768xf32, #tpu.memory_space<vmem>>, vector<1x16xf32>,
      %get3A_753 = vector.shape_cast %get3A_752 : vector<1x16xf32> to vector<16xf32>
      %mul3A_754 = arith.mulf %get3A_753, %get3A_25 : vector<16xf32>
      %add3A_755 = arith.addf %mul3A_749, %mul3A_754 : vector<16xf32>
      %swap3A_756 = arith.index_cast %scan3A_18 : i32 to index
      %swap3A_757 = arith.constant 720 : index
      %swap3A_758 = tpu.vector_load %arg12[%swap3A_756, %swap3A_757] {strides = array<i32>} : memref<16x768xf32, #tpu.memory_space<vmem>>, vector<1x16xf32>,
      %swap3A_759 = vector.shape_cast %swap3A_758 : vector<1x16xf32> to vector<16xf32>
      %swap3A_760 = vector.shape_cast %add3A_755 : vector<16xf32> to vector<1x16xf32>
      tpu.vector_store %arg12[%swap3A_756, %swap3A_757], %swap3A_760 {strides = array<i32>} : memref<16x768xf32, #tpu.memory_space<vmem>>, vector<1x16xf32>,
      %get3A_761 = arith.index_cast %scan3A_18 : i32 to index
      %get3A_762 = arith.constant 736 : index
      %get3A_763 = tpu.vector_load %arg12[%get3A_761, %get3A_762] {strides = array<i32>} : memref<16x768xf32, #tpu.memory_space<vmem>>, vector<1x16xf32>,
      %get3A_764 = vector.shape_cast %get3A_763 : vector<1x16xf32> to vector<16xf32>
      %mul3A_765 = arith.mulf %get3A_764, %get3A_21 : vector<16xf32>
      %get3A_766 = arith.index_cast %scan3A_18 : i32 to index
      %get3A_767 = arith.constant 736 : index
      %get3A_768 = tpu.vector_load %arg13[%get3A_766, %get3A_767] {strides = array<i32>} : memref<16x768xf32, #tpu.memory_space<vmem>>, vector<1x16xf32>,
      %get3A_769 = vector.shape_cast %get3A_768 : vector<1x16xf32> to vector<16xf32>
      %mul3A_770 = arith.mulf %get3A_769, %get3A_25 : vector<16xf32>
      %add3A_771 = arith.addf %mul3A_765, %mul3A_770 : vector<16xf32>
      %swap3A_772 = arith.index_cast %scan3A_18 : i32 to index
      %swap3A_773 = arith.constant 736 : index
      %swap3A_774 = tpu.vector_load %arg12[%swap3A_772, %swap3A_773] {strides = array<i32>} : memref<16x768xf32, #tpu.memory_space<vmem>>, vector<1x16xf32>,
      %swap3A_775 = vector.shape_cast %swap3A_774 : vector<1x16xf32> to vector<16xf32>
      %swap3A_776 = vector.shape_cast %add3A_771 : vector<16xf32> to vector<1x16xf32>
      tpu.vector_store %arg12[%swap3A_772, %swap3A_773], %swap3A_776 {strides = array<i32>} : memref<16x768xf32, #tpu.memory_space<vmem>>, vector<1x16xf32>,
      %get3A_777 = arith.index_cast %scan3A_18 : i32 to index
      %get3A_778 = arith.constant 752 : index
      %get3A_779 = tpu.vector_load %arg12[%get3A_777, %get3A_778] {strides = array<i32>} : memref<16x768xf32, #tpu.memory_space<vmem>>, vector<1x16xf32>,
      %get3A_780 = vector.shape_cast %get3A_779 : vector<1x16xf32> to vector<16xf32>
      %mul3A_781 = arith.mulf %get3A_780, %get3A_21 : vector<16xf32>
      %get3A_782 = arith.index_cast %scan3A_18 : i32 to index
      %get3A_783 = arith.constant 752 : index
      %get3A_784 = tpu.vector_load %arg13[%get3A_782, %get3A_783] {strides = array<i32>} : memref<16x768xf32, #tpu.memory_space<vmem>>, vector<1x16xf32>,
      %get3A_785 = vector.shape_cast %get3A_784 : vector<1x16xf32> to vector<16xf32>
      %mul3A_786 = arith.mulf %get3A_785, %get3A_25 : vector<16xf32>
      %add3A_787 = arith.addf %mul3A_781, %mul3A_786 : vector<16xf32>
      %swap3A_788 = arith.index_cast %scan3A_18 : i32 to index
      %swap3A_789 = arith.constant 752 : index
      %swap3A_790 = tpu.vector_load %arg12[%swap3A_788, %swap3A_789] {strides = array<i32>} : memref<16x768xf32, #tpu.memory_space<vmem>>, vector<1x16xf32>,
      %swap3A_791 = vector.shape_cast %swap3A_790 : vector<1x16xf32> to vector<16xf32>
      %swap3A_792 = vector.shape_cast %add3A_787 : vector<16xf32> to vector<1x16xf32>
      tpu.vector_store %arg12[%swap3A_788, %swap3A_789], %swap3A_792 {strides = array<i32>} : memref<16x768xf32, #tpu.memory_space<vmem>>, vector<1x16xf32>,
    }
    %scan3A_17 = arith.constant 16 : i32
    "tpu.region"() ({
      %run_scoped3A = tpu.sem_alloc : memref<!tpu.dma_semaphore, #tpu.memory_space<semaphore_mem>>
      %dma_start3A_18 = arith.constant 0 : i32
      %dma_start3A_19 = tpu.memref_slice %arg7[%mul3A_2, %dma_start3A_18] : memref<512x768xf32, #tpu.memory_space<hbm>> -> memref<16x768xf32, #tpu.memory_space<hbm>>
      %dma_start3A_20 = arith.constant 0 : i32
      %dma_start3A_21 = tpu.memref_slice %arg7[%mul3A_2, %dma_start3A_20] : memref<512x768xf32, #tpu.memory_space<hbm>> -> memref<16x768xf32, #tpu.memory_space<hbm>>
      tpu.enqueue_dma source(%arg12 : memref<16x768xf32, #tpu.memory_space<vmem>>) target(%dma_start3A_21 : memref<16x768xf32, #tpu.memory_space<hbm>>) target_semaphore(%run_scoped3A : memref<!tpu.dma_semaphore, #tpu.memory_space<semaphore_mem>>)
      %dma_wait3A_22 = arith.constant 0 : i32
      %dma_wait3A_23 = tpu.memref_slice %arg7[%mul3A_2, %dma_wait3A_22] : memref<512x768xf32, #tpu.memory_space<hbm>> -> memref<16x768xf32, #tpu.memory_space<hbm>>
      %dma_wait3A_24 = arith.constant 0 : i32
      %dma_wait3A_25 = tpu.memref_slice %arg7[%mul3A_2, %dma_wait3A_24] : memref<512x768xf32, #tpu.memory_space<hbm>> -> memref<16x768xf32, #tpu.memory_space<hbm>>
      tpu.wait_dma2 semaphore(%run_scoped3A : memref<!tpu.dma_semaphore, #tpu.memory_space<semaphore_mem>>) src(%arg12 : memref<16x768xf32, #tpu.memory_space<vmem>>) dst(%dma_wait3A_25 : memref<16x768xf32, #tpu.memory_space<hbm>>)
      tpu.yield
    }) : () -> ()
    return
  }
}

#map = affine_map<(d0, d1) -> (0, 0)>
#map1 = affine_map<(d0, d1) -> (0)>
module attributes {stable_mosaic.version = 14 : i64} {
  func.func @_sc_scatter(%arg0: i32, %arg1: i32, %arg2: memref<512x768xf32, #tpu.memory_space<hbm>>, %arg3: memref<1024xi32, #tpu.memory_space<hbm>>, %arg4: memref<1024xi32, #tpu.memory_space<hbm>>, %arg5: memref<1024x768xf32, #tpu.memory_space<hbm>>, %arg6: memref<32xi32, #tpu.memory_space<vmem>>, %arg7: memref<32xi32, #tpu.memory_space<vmem>>, %arg8: memref<32x768xf32, #tpu.memory_space<vmem>>, %arg9: memref<!tpu.dma_semaphore, #tpu.memory_space<semaphore_mem>>) attributes {dimension_semantics = [#tpu.dimension_semantics<core_parallel>, #tpu.dimension_semantics<subcore_parallel>], iteration_bounds = array<i64: 2, 16>, scalar_prefetch = 0 : i64, scratch_operands = 4 : i64, tpu.core_type = #tpu.core_type<sc_vector_subcore>, window_params = [{transform_indices = #map}, {transform_indices = #map1}, {transform_indices = #map1}, {transform_indices = #map}]} {
    %mul3A = arith.constant 2 : i32
    %mul3A_0 = arith.muli %arg1, %mul3A : i32
    %add3A = arith.addi %mul3A_0, %arg0 : i32
    %mul3A_1 = arith.constant 32 : i32
    %mul3A_2 = arith.muli %add3A, %mul3A_1 : i32
    "tpu.region"() ({
      %run_scoped3A = tpu.sem_alloc : memref<!tpu.dma_semaphore, #tpu.memory_space<semaphore_mem>>
      %dma_start3A_13 = tpu.memref_slice %arg3[%mul3A_2] : memref<1024xi32, #tpu.memory_space<hbm>> -> memref<32xi32, #tpu.memory_space<hbm>>
      %dma_start3A_14 = tpu.memref_slice %arg3[%mul3A_2] : memref<1024xi32, #tpu.memory_space<hbm>> -> memref<32xi32, #tpu.memory_space<hbm>>
      tpu.enqueue_dma source(%dma_start3A_14 : memref<32xi32, #tpu.memory_space<hbm>>) target(%arg6 : memref<32xi32, #tpu.memory_space<vmem>>) target_semaphore(%run_scoped3A : memref<!tpu.dma_semaphore, #tpu.memory_space<semaphore_mem>>)
      %dma_wait3A_15 = tpu.memref_slice %arg3[%mul3A_2] : memref<1024xi32, #tpu.memory_space<hbm>> -> memref<32xi32, #tpu.memory_space<hbm>>
      %dma_wait3A_16 = tpu.memref_slice %arg3[%mul3A_2] : memref<1024xi32, #tpu.memory_space<hbm>> -> memref<32xi32, #tpu.memory_space<hbm>>
      tpu.wait_dma2 semaphore(%run_scoped3A : memref<!tpu.dma_semaphore, #tpu.memory_space<semaphore_mem>>) src(%dma_wait3A_16 : memref<32xi32, #tpu.memory_space<hbm>>) dst(%arg6 : memref<32xi32, #tpu.memory_space<vmem>>)
      tpu.yield
    }) : () -> ()
    "tpu.region"() ({
      %run_scoped3A = tpu.sem_alloc : memref<!tpu.dma_semaphore, #tpu.memory_space<semaphore_mem>>
      %dma_start3A_13 = tpu.memref_slice %arg4[%mul3A_2] : memref<1024xi32, #tpu.memory_space<hbm>> -> memref<32xi32, #tpu.memory_space<hbm>>
      %dma_start3A_14 = tpu.memref_slice %arg4[%mul3A_2] : memref<1024xi32, #tpu.memory_space<hbm>> -> memref<32xi32, #tpu.memory_space<hbm>>
      tpu.enqueue_dma source(%dma_start3A_14 : memref<32xi32, #tpu.memory_space<hbm>>) target(%arg7 : memref<32xi32, #tpu.memory_space<vmem>>) target_semaphore(%run_scoped3A : memref<!tpu.dma_semaphore, #tpu.memory_space<semaphore_mem>>)
      %dma_wait3A_15 = tpu.memref_slice %arg4[%mul3A_2] : memref<1024xi32, #tpu.memory_space<hbm>> -> memref<32xi32, #tpu.memory_space<hbm>>
      %dma_wait3A_16 = tpu.memref_slice %arg4[%mul3A_2] : memref<1024xi32, #tpu.memory_space<hbm>> -> memref<32xi32, #tpu.memory_space<hbm>>
      tpu.wait_dma2 semaphore(%run_scoped3A : memref<!tpu.dma_semaphore, #tpu.memory_space<semaphore_mem>>) src(%dma_wait3A_16 : memref<32xi32, #tpu.memory_space<hbm>>) dst(%arg7 : memref<32xi32, #tpu.memory_space<vmem>>)
      tpu.yield
    }) : () -> ()
    %dma_start3A = arith.constant 0 : i32
    %dma_start3A_3 = arith.constant 0 : i32
    %dma_start3A_4 = tpu.memref_slice %arg2[%dma_start3A, %dma_start3A_3] : memref<512x768xf32, #tpu.memory_space<hbm>> -> memref<512x768xf32, #tpu.memory_space<hbm>>
    tpu.enqueue_indirect_dma source(%dma_start3A_4 : memref<512x768xf32, #tpu.memory_space<hbm>>) target(%arg8 : memref<32x768xf32, #tpu.memory_space<vmem>>) offsets(%arg6 : memref<32xi32, #tpu.memory_space<vmem>>) semaphore(%arg9 : memref<!tpu.dma_semaphore, #tpu.memory_space<semaphore_mem>>)
    %dma_wait3A = arith.constant 0 : i32
    %dma_wait3A_5 = arith.constant 0 : i32
    %dma_wait3A_6 = tpu.memref_slice %arg2[%dma_wait3A, %dma_wait3A_5] : memref<512x768xf32, #tpu.memory_space<hbm>> -> memref<512x768xf32, #tpu.memory_space<hbm>>
    tpu.wait_indirect_dma semaphore(%arg9 : memref<!tpu.dma_semaphore, #tpu.memory_space<semaphore_mem>>) src(%dma_wait3A_6 : memref<512x768xf32, #tpu.memory_space<hbm>>) dst(%arg8 : memref<32x768xf32, #tpu.memory_space<vmem>>)
    %dma_start3A_7 = arith.constant 0 : i32
    %dma_start3A_8 = arith.constant 0 : i32
    %dma_start3A_9 = tpu.memref_slice %arg5[%dma_start3A_7, %dma_start3A_8] : memref<1024x768xf32, #tpu.memory_space<hbm>> -> memref<1024x768xf32, #tpu.memory_space<hbm>>
    tpu.enqueue_indirect_dma source(%arg8 : memref<32x768xf32, #tpu.memory_space<vmem>>) target(%dma_start3A_9 : memref<1024x768xf32, #tpu.memory_space<hbm>>) offsets(%arg7 : memref<32xi32, #tpu.memory_space<vmem>>) semaphore(%arg9 : memref<!tpu.dma_semaphore, #tpu.memory_space<semaphore_mem>>)
    %dma_wait3A_10 = arith.constant 0 : i32
    %dma_wait3A_11 = arith.constant 0 : i32
    %dma_wait3A_12 = tpu.memref_slice %arg5[%dma_wait3A_10, %dma_wait3A_11] : memref<1024x768xf32, #tpu.memory_space<hbm>> -> memref<1024x768xf32, #tpu.memory_space<hbm>>
    tpu.wait_indirect_dma semaphore(%arg9 : memref<!tpu.dma_semaphore, #tpu.memory_space<semaphore_mem>>) src(%arg8 : memref<32x768xf32, #tpu.memory_space<vmem>>) dst(%dma_wait3A_12 : memref<1024x768xf32, #tpu.memory_space<hbm>>)
    return
  }
}

module attributes {stable_mosaic.version = 14 : i64} {
  func.func @_meta_body(%arg0: i32, %arg1: memref<1x1024xi32, #tpu.memory_space<vmem>>, %arg2: memref<2x64xi32, #tpu.memory_space<vmem>>, %arg3: memref<1x1024xi32, #tpu.memory_space<vmem>>) attributes {dimension_semantics = [#tpu.dimension_semantics<arbitrary>], iteration_bounds = array<i64: 1>, scalar_prefetch = 0 : i64, scratch_operands = 0 : i64, tpu.core_type = #tpu.core_type<tc>, window_params = [{pipeline_mode = #tpu.pipeline_mode<synchronous>, transform_indices = @transform_0, window_bounds = array<i64: 1, 1024>}, {pipeline_mode = #tpu.pipeline_mode<synchronous>, transform_indices = @transform_1, window_bounds = array<i64: 2, 64>}, {pipeline_mode = #tpu.pipeline_mode<synchronous>, transform_indices = @transform_2, window_bounds = array<i64: 1, 1024>}]} {
    %get3A = arith.constant 0 : index
    %get3A_0 = arith.constant 0 : index
    %get3A_1 = vector.load %arg1[%get3A, %get3A_0] : memref<1x1024xi32, #tpu.memory_space<vmem>>, vector<1x1024xi32>
    %iota3A = tpu.iota {dimensions = array<i32: 0>} : vector<64x1024xi32>
    %broadcast_in_dim3A = vector.shape_cast %get3A_1 : vector<1x1024xi32> to vector<1x1024xi32>
    %broadcast_in_dim3A_2 = vector.broadcast %broadcast_in_dim3A : vector<1x1024xi32> to vector<64x1024xi32>
    %eq3A = arith.cmpi eq, %broadcast_in_dim3A_2, %iota3A : vector<64x1024xi32>
    %convert_element_type3A = arith.extui %eq3A : vector<64x1024xi1> to vector<64x1024xi32>
    %broadcast_in_dim3A_3 = arith.constant 0 : i32
    %broadcast_in_dim3A_4 = vector.broadcast %broadcast_in_dim3A_3 : i32 to vector<64x1xi32>
    %slice3A = vector.extract_strided_slice %convert_element_type3A {offsets = [0, 0], sizes = [64, 1023], strides = [1, 1]} : vector<64x1024xi32> to vector<64x1023xi32>
    %concatenate3A = tpu.concatenate %broadcast_in_dim3A_4, %slice3A in 1 : vector<64x1xi32>, vector<64x1023xi32> -> vector<64x1024xi32>
    %add3A = arith.addi %convert_element_type3A, %concatenate3A : vector<64x1024xi32>
    %broadcast_in_dim3A_5 = arith.constant 0 : i32
    %broadcast_in_dim3A_6 = vector.broadcast %broadcast_in_dim3A_5 : i32 to vector<64x2xi32>
    %slice3A_7 = vector.extract_strided_slice %add3A {offsets = [0, 0], sizes = [64, 1022], strides = [1, 1]} : vector<64x1024xi32> to vector<64x1022xi32>
    %concatenate3A_8 = tpu.concatenate %broadcast_in_dim3A_6, %slice3A_7 in 1 : vector<64x2xi32>, vector<64x1022xi32> -> vector<64x1024xi32>
    %add3A_9 = arith.addi %add3A, %concatenate3A_8 : vector<64x1024xi32>
    %broadcast_in_dim3A_10 = arith.constant 0 : i32
    %broadcast_in_dim3A_11 = vector.broadcast %broadcast_in_dim3A_10 : i32 to vector<64x4xi32>
    %slice3A_12 = vector.extract_strided_slice %add3A_9 {offsets = [0, 0], sizes = [64, 1020], strides = [1, 1]} : vector<64x1024xi32> to vector<64x1020xi32>
    %concatenate3A_13 = tpu.concatenate %broadcast_in_dim3A_11, %slice3A_12 in 1 : vector<64x4xi32>, vector<64x1020xi32> -> vector<64x1024xi32>
    %add3A_14 = arith.addi %add3A_9, %concatenate3A_13 : vector<64x1024xi32>
    %broadcast_in_dim3A_15 = arith.constant 0 : i32
    %broadcast_in_dim3A_16 = vector.broadcast %broadcast_in_dim3A_15 : i32 to vector<64x8xi32>
    %slice3A_17 = vector.extract_strided_slice %add3A_14 {offsets = [0, 0], sizes = [64, 1016], strides = [1, 1]} : vector<64x1024xi32> to vector<64x1016xi32>
    %concatenate3A_18 = tpu.concatenate %broadcast_in_dim3A_16, %slice3A_17 in 1 : vector<64x8xi32>, vector<64x1016xi32> -> vector<64x1024xi32>
    %add3A_19 = arith.addi %add3A_14, %concatenate3A_18 : vector<64x1024xi32>
    %broadcast_in_dim3A_20 = arith.constant 0 : i32
    %broadcast_in_dim3A_21 = vector.broadcast %broadcast_in_dim3A_20 : i32 to vector<64x16xi32>
    %slice3A_22 = vector.extract_strided_slice %add3A_19 {offsets = [0, 0], sizes = [64, 1008], strides = [1, 1]} : vector<64x1024xi32> to vector<64x1008xi32>
    %concatenate3A_23 = tpu.concatenate %broadcast_in_dim3A_21, %slice3A_22 in 1 : vector<64x16xi32>, vector<64x1008xi32> -> vector<64x1024xi32>
    %add3A_24 = arith.addi %add3A_19, %concatenate3A_23 : vector<64x1024xi32>
    %broadcast_in_dim3A_25 = arith.constant 0 : i32
    %broadcast_in_dim3A_26 = vector.broadcast %broadcast_in_dim3A_25 : i32 to vector<64x32xi32>
    %slice3A_27 = vector.extract_strided_slice %add3A_24 {offsets = [0, 0], sizes = [64, 992], strides = [1, 1]} : vector<64x1024xi32> to vector<64x992xi32>
    %concatenate3A_28 = tpu.concatenate %broadcast_in_dim3A_26, %slice3A_27 in 1 : vector<64x32xi32>, vector<64x992xi32> -> vector<64x1024xi32>
    %add3A_29 = arith.addi %add3A_24, %concatenate3A_28 : vector<64x1024xi32>
    %broadcast_in_dim3A_30 = arith.constant 0 : i32
    %broadcast_in_dim3A_31 = vector.broadcast %broadcast_in_dim3A_30 : i32 to vector<64x64xi32>
    %slice3A_32 = vector.extract_strided_slice %add3A_29 {offsets = [0, 0], sizes = [64, 960], strides = [1, 1]} : vector<64x1024xi32> to vector<64x960xi32>
    %concatenate3A_33 = tpu.concatenate %broadcast_in_dim3A_31, %slice3A_32 in 1 : vector<64x64xi32>, vector<64x960xi32> -> vector<64x1024xi32>
    %add3A_34 = arith.addi %add3A_29, %concatenate3A_33 : vector<64x1024xi32>
    %broadcast_in_dim3A_35 = arith.constant 0 : i32
    %broadcast_in_dim3A_36 = vector.broadcast %broadcast_in_dim3A_35 : i32 to vector<64x128xi32>
    %slice3A_37 = vector.extract_strided_slice %add3A_34 {offsets = [0, 0], sizes = [64, 896], strides = [1, 1]} : vector<64x1024xi32> to vector<64x896xi32>
    %concatenate3A_38 = tpu.concatenate %broadcast_in_dim3A_36, %slice3A_37 in 1 : vector<64x128xi32>, vector<64x896xi32> -> vector<64x1024xi32>
    %add3A_39 = arith.addi %add3A_34, %concatenate3A_38 : vector<64x1024xi32>
    %broadcast_in_dim3A_40 = arith.constant 0 : i32
    %broadcast_in_dim3A_41 = vector.broadcast %broadcast_in_dim3A_40 : i32 to vector<64x256xi32>
    %slice3A_42 = vector.extract_strided_slice %add3A_39 {offsets = [0, 0], sizes = [64, 768], strides = [1, 1]} : vector<64x1024xi32> to vector<64x768xi32>
    %concatenate3A_43 = tpu.concatenate %broadcast_in_dim3A_41, %slice3A_42 in 1 : vector<64x256xi32>, vector<64x768xi32> -> vector<64x1024xi32>
    %add3A_44 = arith.addi %add3A_39, %concatenate3A_43 : vector<64x1024xi32>
    %broadcast_in_dim3A_45 = arith.constant 0 : i32
    %broadcast_in_dim3A_46 = vector.broadcast %broadcast_in_dim3A_45 : i32 to vector<64x512xi32>
    %slice3A_47 = vector.extract_strided_slice %add3A_44 {offsets = [0, 0], sizes = [64, 512], strides = [1, 1]} : vector<64x1024xi32> to vector<64x512xi32>
    %concatenate3A_48 = tpu.concatenate %broadcast_in_dim3A_46, %slice3A_47 in 1 : vector<64x512xi32>, vector<64x512xi32> -> vector<64x1024xi32>
    %add3A_49 = arith.addi %add3A_44, %concatenate3A_48 : vector<64x1024xi32>
    %mul3A = arith.muli %convert_element_type3A, %add3A_49 : vector<64x1024xi32>
    %reduce_sum3A = arith.constant dense<0> : vector<1024xi32>
    %reduce_sum3A_50 = vector.multi_reduction <add>, %mul3A, %reduce_sum3A [0] : vector<64x1024xi32> to vector<1024xi32>
    %broadcast_in_dim3A_51 = vector.shape_cast %reduce_sum3A_50 : vector<1024xi32> to vector<1x1024xi32>
    %slice3A_52 = vector.extract_strided_slice %add3A_49 {offsets = [0, 1023], sizes = [64, 1], strides = [1, 1]} : vector<64x1024xi32> to vector<64x1xi32>
    %convert_element_type3A_53 = arith.sitofp %slice3A_52 : vector<64x1xi32> to vector<64x1xf32>
    %iota3A_54 = tpu.iota {dimensions = array<i32: 0>} : vector<64x64xi32>
    %iota3A_55 = tpu.iota {dimensions = array<i32: 1>} : vector<64x64xi32>
    %lt3A = arith.cmpi slt, %iota3A_54, %iota3A_55 : vector<64x64xi32>
    %convert_element_type3A_56 = arith.extui %lt3A : vector<64x64xi1> to vector<64x64xi32>
    %convert_element_type3A_57 = arith.sitofp %convert_element_type3A_56 : vector<64x64xi32> to vector<64x64xf32>
    %eq3A_58 = arith.cmpi eq, %iota3A_54, %iota3A_55 : vector<64x64xi32>
    %convert_element_type3A_59 = arith.extui %eq3A_58 : vector<64x64xi1> to vector<64x64xi32>
    %convert_element_type3A_60 = arith.sitofp %convert_element_type3A_59 : vector<64x64xi32> to vector<64x64xf32>
    %dot_general3A = arith.constant dense<0.000000e+00> : vector<1x64xf32>
    %dot_general3A_61 = tpu.matmul %convert_element_type3A_53, %convert_element_type3A_57, %dot_general3A {dimension_numbers = #tpu.dot_dimension_numbers<[0], [0], [1], [1], [0, 1, 1, 1], [], []>, precision = #tpu.contract_precision<fp32>, transpose_lhs_hint = false} : vector<64x1xf32>, vector<64x64xf32>, vector<1x64xf32> -> vector<1x64xf32>
    %dot_general3A_62 = arith.constant dense<0.000000e+00> : vector<1x64xf32>
    %dot_general3A_63 = tpu.matmul %convert_element_type3A_53, %convert_element_type3A_60, %dot_general3A_62 {dimension_numbers = #tpu.dot_dimension_numbers<[0], [0], [1], [1], [0, 1, 1, 1], [], []>, precision = #tpu.contract_precision<fp32>, transpose_lhs_hint = false} : vector<64x1xf32>, vector<64x64xf32>, vector<1x64xf32> -> vector<1x64xf32>
    %dot_general3A_64 = arith.constant dense<0.000000e+00> : vector<64x1xf32>
    %dot_general3A_65 = tpu.matmul %convert_element_type3A_60, %dot_general3A_61, %dot_general3A_64 {dimension_numbers = #tpu.dot_dimension_numbers<[1], [1], [0], [0], [0, 0, 1, 0], [], []>, precision = #tpu.contract_precision<fp32>, transpose_lhs_hint = false} : vector<64x64xf32>, vector<1x64xf32>, vector<64x1xf32> -> vector<64x1xf32>
    %convert_element_type3A_66 = arith.fptosi %dot_general3A_65 : vector<64x1xf32> to vector<64x1xi32>
    %broadcast_in_dim3A_67 = vector.shape_cast %convert_element_type3A_66 : vector<64x1xi32> to vector<64x1xi32>
    %broadcast_in_dim3A_68 = vector.broadcast %broadcast_in_dim3A_67 : vector<64x1xi32> to vector<64x1024xi32>
    %mul3A_69 = arith.muli %convert_element_type3A, %broadcast_in_dim3A_68 : vector<64x1024xi32>
    %reduce_sum3A_70 = arith.constant dense<0> : vector<1024xi32>
    %reduce_sum3A_71 = vector.multi_reduction <add>, %mul3A_69, %reduce_sum3A_70 [0] : vector<64x1024xi32> to vector<1024xi32>
    %broadcast_in_dim3A_72 = vector.shape_cast %reduce_sum3A_71 : vector<1024xi32> to vector<1x1024xi32>
    %convert_element_type3A_73 = arith.fptosi %dot_general3A_61 : vector<1x64xf32> to vector<1x64xi32>
    %swap3A = arith.constant 0 : index
    %swap3A_74 = arith.constant 0 : index
    %swap3A_75 = vector.load %arg2[%swap3A, %swap3A_74] : memref<2x64xi32, #tpu.memory_space<vmem>>, vector<1x64xi32>
    tpu.vector_store %arg2[%swap3A, %swap3A_74], %convert_element_type3A_73 {strides = array<i32>} : memref<2x64xi32, #tpu.memory_space<vmem>>, vector<1x64xi32>,
    %convert_element_type3A_76 = arith.fptosi %dot_general3A_63 : vector<1x64xf32> to vector<1x64xi32>
    %swap3A_77 = arith.constant 1 : index
    %swap3A_78 = arith.constant 0 : index
    %swap3A_79 = vector.load %arg2[%swap3A_77, %swap3A_78] : memref<2x64xi32, #tpu.memory_space<vmem>>, vector<1x64xi32>
    tpu.vector_store %arg2[%swap3A_77, %swap3A_78], %convert_element_type3A_76 {strides = array<i32>} : memref<2x64xi32, #tpu.memory_space<vmem>>, vector<1x64xi32>,
    %add3A_80 = arith.addi %broadcast_in_dim3A_72, %broadcast_in_dim3A_51 : vector<1x1024xi32>
    %sub3A = arith.constant 1 : i32
    %sub3A_81 = vector.broadcast %sub3A : i32 to vector<1x1024xi32>
    %sub3A_82 = arith.subi %add3A_80, %sub3A_81 : vector<1x1024xi32>
    %swap3A_83 = arith.constant 0 : index
    %swap3A_84 = arith.constant 0 : index
    %swap3A_85 = vector.load %arg3[%swap3A_83, %swap3A_84] : memref<1x1024xi32, #tpu.memory_space<vmem>>, vector<1x1024xi32>
    tpu.vector_store %arg3[%swap3A_83, %swap3A_84], %sub3A_82 {strides = array<i32>} : memref<1x1024xi32, #tpu.memory_space<vmem>>, vector<1x1024xi32>,
    return
  }
  func.func @transform_0(%arg0: i32) -> (i32, i32) {
    %c0_i32 = arith.constant 0 : i32
    %c0_i32_0 = arith.constant 0 : i32
    %c0_i32_1 = arith.constant 0 : i32
    return %c0_i32, %c0_i32_0 : i32, i32
  }
  func.func @transform_1(%arg0: i32) -> (i32, i32) {
    %c0_i32 = arith.constant 0 : i32
    %c0_i32_0 = arith.constant 0 : i32
    %c0_i32_1 = arith.constant 0 : i32
    return %c0_i32, %c0_i32_0 : i32, i32
  }
  func.func @transform_2(%arg0: i32) -> (i32, i32) {
    %c0_i32 = arith.constant 0 : i32
    %c0_i32_0 = arith.constant 0 : i32
    %c0_i32_1 = arith.constant 0 : i32
    return %c0_i32, %c0_i32_0 : i32, i32
  }
}

module attributes {stable_mosaic.version = 14 : i64} {
  func.func @_moe_body(%arg0: memref<2x64xi32, #tpu.memory_space<smem>>, %arg1: memref<1024x768xf32, #tpu.memory_space<vmem>>, %arg2: memref<64x512x768xf32, #tpu.memory_space<hbm>>, %arg3: memref<64x768x256xf32, #tpu.memory_space<hbm>>, %arg4: memref<1024x768xf32, #tpu.memory_space<vmem>>, %arg5: memref<6x512x768xf32, #tpu.memory_space<vmem>>, %arg6: memref<6x768x256xf32, #tpu.memory_space<vmem>>, %arg7: memref<6x!tpu.dma_semaphore, #tpu.memory_space<semaphore_mem>>, %arg8: memref<6x!tpu.dma_semaphore, #tpu.memory_space<semaphore_mem>>) attributes {dimension_semantics = [], scalar_prefetch = 0 : i64, scratch_operands = 4 : i64, tpu.core_type = #tpu.core_type<tc>} {
    %dma_start3A = arith.constant 0 : i32
    %dma_start3A_0 = tpu.memref_slice %arg7[%dma_start3A] : memref<6x!tpu.dma_semaphore, #tpu.memory_space<semaphore_mem>> -> memref<1x!tpu.dma_semaphore, #tpu.memory_space<semaphore_mem>>
    %dma_start3A_1 = tpu.memref_squeeze %dma_start3A_0 : memref<1x!tpu.dma_semaphore, #tpu.memory_space<semaphore_mem>> -> memref<!tpu.dma_semaphore, #tpu.memory_space<semaphore_mem>>
    %dma_start3A_2 = arith.constant 0 : i32
    %dma_start3A_3 = arith.constant 0 : i32
    %dma_start3A_4 = arith.constant 0 : i32
    %dma_start3A_5 = tpu.memref_slice %arg5[%dma_start3A_2, %dma_start3A_3, %dma_start3A_4] : memref<6x512x768xf32, #tpu.memory_space<vmem>> -> memref<1x512x768xf32, #tpu.memory_space<vmem>>
    %dma_start3A_6 = arith.constant 0 : i32
    %dma_start3A_7 = arith.constant 0 : i32
    %dma_start3A_8 = arith.constant 0 : i32
    %dma_start3A_9 = tpu.memref_slice %arg2[%dma_start3A_6, %dma_start3A_7, %dma_start3A_8] : memref<64x512x768xf32, #tpu.memory_space<hbm>> -> memref<1x512x768xf32, #tpu.memory_space<hbm>>
    tpu.enqueue_dma source(%dma_start3A_9 : memref<1x512x768xf32, #tpu.memory_space<hbm>>) target(%dma_start3A_5 : memref<1x512x768xf32, #tpu.memory_space<vmem>>) target_semaphore(%dma_start3A_1 : memref<!tpu.dma_semaphore, #tpu.memory_space<semaphore_mem>>)
    %dma_start3A_10 = arith.constant 0 : i32
    %dma_start3A_11 = tpu.memref_slice %arg8[%dma_start3A_10] : memref<6x!tpu.dma_semaphore, #tpu.memory_space<semaphore_mem>> -> memref<1x!tpu.dma_semaphore, #tpu.memory_space<semaphore_mem>>
    %dma_start3A_12 = tpu.memref_squeeze %dma_start3A_11 : memref<1x!tpu.dma_semaphore, #tpu.memory_space<semaphore_mem>> -> memref<!tpu.dma_semaphore, #tpu.memory_space<semaphore_mem>>
    %dma_start3A_13 = arith.constant 0 : i32
    %dma_start3A_14 = arith.constant 0 : i32
    %dma_start3A_15 = arith.constant 0 : i32
    %dma_start3A_16 = tpu.memref_slice %arg6[%dma_start3A_13, %dma_start3A_14, %dma_start3A_15] : memref<6x768x256xf32, #tpu.memory_space<vmem>> -> memref<1x768x256xf32, #tpu.memory_space<vmem>>
    %dma_start3A_17 = arith.constant 0 : i32
    %dma_start3A_18 = arith.constant 0 : i32
    %dma_start3A_19 = arith.constant 0 : i32
    %dma_start3A_20 = tpu.memref_slice %arg3[%dma_start3A_17, %dma_start3A_18, %dma_start3A_19] : memref<64x768x256xf32, #tpu.memory_space<hbm>> -> memref<1x768x256xf32, #tpu.memory_space<hbm>>
    tpu.enqueue_dma source(%dma_start3A_20 : memref<1x768x256xf32, #tpu.memory_space<hbm>>) target(%dma_start3A_16 : memref<1x768x256xf32, #tpu.memory_space<vmem>>) target_semaphore(%dma_start3A_12 : memref<!tpu.dma_semaphore, #tpu.memory_space<semaphore_mem>>)
    %dma_start3A_21 = arith.constant 1 : i32
    %dma_start3A_22 = tpu.memref_slice %arg7[%dma_start3A_21] : memref<6x!tpu.dma_semaphore, #tpu.memory_space<semaphore_mem>> -> memref<1x!tpu.dma_semaphore, #tpu.memory_space<semaphore_mem>>
    %dma_start3A_23 = tpu.memref_squeeze %dma_start3A_22 : memref<1x!tpu.dma_semaphore, #tpu.memory_space<semaphore_mem>> -> memref<!tpu.dma_semaphore, #tpu.memory_space<semaphore_mem>>
    %dma_start3A_24 = arith.constant 1 : i32
    %dma_start3A_25 = arith.constant 0 : i32
    %dma_start3A_26 = arith.constant 0 : i32
    %dma_start3A_27 = tpu.memref_slice %arg5[%dma_start3A_24, %dma_start3A_25, %dma_start3A_26] : memref<6x512x768xf32, #tpu.memory_space<vmem>> -> memref<1x512x768xf32, #tpu.memory_space<vmem>>
    %dma_start3A_28 = arith.constant 1 : i32
    %dma_start3A_29 = arith.constant 0 : i32
    %dma_start3A_30 = arith.constant 0 : i32
    %dma_start3A_31 = tpu.memref_slice %arg2[%dma_start3A_28, %dma_start3A_29, %dma_start3A_30] : memref<64x512x768xf32, #tpu.memory_space<hbm>> -> memref<1x512x768xf32, #tpu.memory_space<hbm>>
    tpu.enqueue_dma source(%dma_start3A_31 : memref<1x512x768xf32, #tpu.memory_space<hbm>>) target(%dma_start3A_27 : memref<1x512x768xf32, #tpu.memory_space<vmem>>) target_semaphore(%dma_start3A_23 : memref<!tpu.dma_semaphore, #tpu.memory_space<semaphore_mem>>)
    %dma_start3A_32 = arith.constant 1 : i32
    %dma_start3A_33 = tpu.memref_slice %arg8[%dma_start3A_32] : memref<6x!tpu.dma_semaphore, #tpu.memory_space<semaphore_mem>> -> memref<1x!tpu.dma_semaphore, #tpu.memory_space<semaphore_mem>>
    %dma_start3A_34 = tpu.memref_squeeze %dma_start3A_33 : memref<1x!tpu.dma_semaphore, #tpu.memory_space<semaphore_mem>> -> memref<!tpu.dma_semaphore, #tpu.memory_space<semaphore_mem>>
    %dma_start3A_35 = arith.constant 1 : i32
    %dma_start3A_36 = arith.constant 0 : i32
    %dma_start3A_37 = arith.constant 0 : i32
    %dma_start3A_38 = tpu.memref_slice %arg6[%dma_start3A_35, %dma_start3A_36, %dma_start3A_37] : memref<6x768x256xf32, #tpu.memory_space<vmem>> -> memref<1x768x256xf32, #tpu.memory_space<vmem>>
    %dma_start3A_39 = arith.constant 1 : i32
    %dma_start3A_40 = arith.constant 0 : i32
    %dma_start3A_41 = arith.constant 0 : i32
    %dma_start3A_42 = tpu.memref_slice %arg3[%dma_start3A_39, %dma_start3A_40, %dma_start3A_41] : memref<64x768x256xf32, #tpu.memory_space<hbm>> -> memref<1x768x256xf32, #tpu.memory_space<hbm>>
    tpu.enqueue_dma source(%dma_start3A_42 : memref<1x768x256xf32, #tpu.memory_space<hbm>>) target(%dma_start3A_38 : memref<1x768x256xf32, #tpu.memory_space<vmem>>) target_semaphore(%dma_start3A_34 : memref<!tpu.dma_semaphore, #tpu.memory_space<semaphore_mem>>)
    %dma_start3A_43 = arith.constant 2 : i32
    %dma_start3A_44 = tpu.memref_slice %arg7[%dma_start3A_43] : memref<6x!tpu.dma_semaphore, #tpu.memory_space<semaphore_mem>> -> memref<1x!tpu.dma_semaphore, #tpu.memory_space<semaphore_mem>>
    %dma_start3A_45 = tpu.memref_squeeze %dma_start3A_44 : memref<1x!tpu.dma_semaphore, #tpu.memory_space<semaphore_mem>> -> memref<!tpu.dma_semaphore, #tpu.memory_space<semaphore_mem>>
    %dma_start3A_46 = arith.constant 2 : i32
    %dma_start3A_47 = arith.constant 0 : i32
    %dma_start3A_48 = arith.constant 0 : i32
    %dma_start3A_49 = tpu.memref_slice %arg5[%dma_start3A_46, %dma_start3A_47, %dma_start3A_48] : memref<6x512x768xf32, #tpu.memory_space<vmem>> -> memref<1x512x768xf32, #tpu.memory_space<vmem>>
    %dma_start3A_50 = arith.constant 2 : i32
    %dma_start3A_51 = arith.constant 0 : i32
    %dma_start3A_52 = arith.constant 0 : i32
    %dma_start3A_53 = tpu.memref_slice %arg2[%dma_start3A_50, %dma_start3A_51, %dma_start3A_52] : memref<64x512x768xf32, #tpu.memory_space<hbm>> -> memref<1x512x768xf32, #tpu.memory_space<hbm>>
    tpu.enqueue_dma source(%dma_start3A_53 : memref<1x512x768xf32, #tpu.memory_space<hbm>>) target(%dma_start3A_49 : memref<1x512x768xf32, #tpu.memory_space<vmem>>) target_semaphore(%dma_start3A_45 : memref<!tpu.dma_semaphore, #tpu.memory_space<semaphore_mem>>)
    %dma_start3A_54 = arith.constant 2 : i32
    %dma_start3A_55 = tpu.memref_slice %arg8[%dma_start3A_54] : memref<6x!tpu.dma_semaphore, #tpu.memory_space<semaphore_mem>> -> memref<1x!tpu.dma_semaphore, #tpu.memory_space<semaphore_mem>>
    %dma_start3A_56 = tpu.memref_squeeze %dma_start3A_55 : memref<1x!tpu.dma_semaphore, #tpu.memory_space<semaphore_mem>> -> memref<!tpu.dma_semaphore, #tpu.memory_space<semaphore_mem>>
    %dma_start3A_57 = arith.constant 2 : i32
    %dma_start3A_58 = arith.constant 0 : i32
    %dma_start3A_59 = arith.constant 0 : i32
    %dma_start3A_60 = tpu.memref_slice %arg6[%dma_start3A_57, %dma_start3A_58, %dma_start3A_59] : memref<6x768x256xf32, #tpu.memory_space<vmem>> -> memref<1x768x256xf32, #tpu.memory_space<vmem>>
    %dma_start3A_61 = arith.constant 2 : i32
    %dma_start3A_62 = arith.constant 0 : i32
    %dma_start3A_63 = arith.constant 0 : i32
    %dma_start3A_64 = tpu.memref_slice %arg3[%dma_start3A_61, %dma_start3A_62, %dma_start3A_63] : memref<64x768x256xf32, #tpu.memory_space<hbm>> -> memref<1x768x256xf32, #tpu.memory_space<hbm>>
    tpu.enqueue_dma source(%dma_start3A_64 : memref<1x768x256xf32, #tpu.memory_space<hbm>>) target(%dma_start3A_60 : memref<1x768x256xf32, #tpu.memory_space<vmem>>) target_semaphore(%dma_start3A_56 : memref<!tpu.dma_semaphore, #tpu.memory_space<semaphore_mem>>)
    %dma_start3A_65 = arith.constant 3 : i32
    %dma_start3A_66 = tpu.memref_slice %arg7[%dma_start3A_65] : memref<6x!tpu.dma_semaphore, #tpu.memory_space<semaphore_mem>> -> memref<1x!tpu.dma_semaphore, #tpu.memory_space<semaphore_mem>>
    %dma_start3A_67 = tpu.memref_squeeze %dma_start3A_66 : memref<1x!tpu.dma_semaphore, #tpu.memory_space<semaphore_mem>> -> memref<!tpu.dma_semaphore, #tpu.memory_space<semaphore_mem>>
    %dma_start3A_68 = arith.constant 3 : i32
    %dma_start3A_69 = arith.constant 0 : i32
    %dma_start3A_70 = arith.constant 0 : i32
    %dma_start3A_71 = tpu.memref_slice %arg5[%dma_start3A_68, %dma_start3A_69, %dma_start3A_70] : memref<6x512x768xf32, #tpu.memory_space<vmem>> -> memref<1x512x768xf32, #tpu.memory_space<vmem>>
    %dma_start3A_72 = arith.constant 3 : i32
    %dma_start3A_73 = arith.constant 0 : i32
    %dma_start3A_74 = arith.constant 0 : i32
    %dma_start3A_75 = tpu.memref_slice %arg2[%dma_start3A_72, %dma_start3A_73, %dma_start3A_74] : memref<64x512x768xf32, #tpu.memory_space<hbm>> -> memref<1x512x768xf32, #tpu.memory_space<hbm>>
    tpu.enqueue_dma source(%dma_start3A_75 : memref<1x512x768xf32, #tpu.memory_space<hbm>>) target(%dma_start3A_71 : memref<1x512x768xf32, #tpu.memory_space<vmem>>) target_semaphore(%dma_start3A_67 : memref<!tpu.dma_semaphore, #tpu.memory_space<semaphore_mem>>)
    %dma_start3A_76 = arith.constant 3 : i32
    %dma_start3A_77 = tpu.memref_slice %arg8[%dma_start3A_76] : memref<6x!tpu.dma_semaphore, #tpu.memory_space<semaphore_mem>> -> memref<1x!tpu.dma_semaphore, #tpu.memory_space<semaphore_mem>>
    %dma_start3A_78 = tpu.memref_squeeze %dma_start3A_77 : memref<1x!tpu.dma_semaphore, #tpu.memory_space<semaphore_mem>> -> memref<!tpu.dma_semaphore, #tpu.memory_space<semaphore_mem>>
    %dma_start3A_79 = arith.constant 3 : i32
    %dma_start3A_80 = arith.constant 0 : i32
    %dma_start3A_81 = arith.constant 0 : i32
    %dma_start3A_82 = tpu.memref_slice %arg6[%dma_start3A_79, %dma_start3A_80, %dma_start3A_81] : memref<6x768x256xf32, #tpu.memory_space<vmem>> -> memref<1x768x256xf32, #tpu.memory_space<vmem>>
    %dma_start3A_83 = arith.constant 3 : i32
    %dma_start3A_84 = arith.constant 0 : i32
    %dma_start3A_85 = arith.constant 0 : i32
    %dma_start3A_86 = tpu.memref_slice %arg3[%dma_start3A_83, %dma_start3A_84, %dma_start3A_85] : memref<64x768x256xf32, #tpu.memory_space<hbm>> -> memref<1x768x256xf32, #tpu.memory_space<hbm>>
    tpu.enqueue_dma source(%dma_start3A_86 : memref<1x768x256xf32, #tpu.memory_space<hbm>>) target(%dma_start3A_82 : memref<1x768x256xf32, #tpu.memory_space<vmem>>) target_semaphore(%dma_start3A_78 : memref<!tpu.dma_semaphore, #tpu.memory_space<semaphore_mem>>)
    %dma_start3A_87 = arith.constant 4 : i32
    %dma_start3A_88 = tpu.memref_slice %arg7[%dma_start3A_87] : memref<6x!tpu.dma_semaphore, #tpu.memory_space<semaphore_mem>> -> memref<1x!tpu.dma_semaphore, #tpu.memory_space<semaphore_mem>>
    %dma_start3A_89 = tpu.memref_squeeze %dma_start3A_88 : memref<1x!tpu.dma_semaphore, #tpu.memory_space<semaphore_mem>> -> memref<!tpu.dma_semaphore, #tpu.memory_space<semaphore_mem>>
    %dma_start3A_90 = arith.constant 4 : i32
    %dma_start3A_91 = arith.constant 0 : i32
    %dma_start3A_92 = arith.constant 0 : i32
    %dma_start3A_93 = tpu.memref_slice %arg5[%dma_start3A_90, %dma_start3A_91, %dma_start3A_92] : memref<6x512x768xf32, #tpu.memory_space<vmem>> -> memref<1x512x768xf32, #tpu.memory_space<vmem>>
    %dma_start3A_94 = arith.constant 4 : i32
    %dma_start3A_95 = arith.constant 0 : i32
    %dma_start3A_96 = arith.constant 0 : i32
    %dma_start3A_97 = tpu.memref_slice %arg2[%dma_start3A_94, %dma_start3A_95, %dma_start3A_96] : memref<64x512x768xf32, #tpu.memory_space<hbm>> -> memref<1x512x768xf32, #tpu.memory_space<hbm>>
    tpu.enqueue_dma source(%dma_start3A_97 : memref<1x512x768xf32, #tpu.memory_space<hbm>>) target(%dma_start3A_93 : memref<1x512x768xf32, #tpu.memory_space<vmem>>) target_semaphore(%dma_start3A_89 : memref<!tpu.dma_semaphore, #tpu.memory_space<semaphore_mem>>)
    %dma_start3A_98 = arith.constant 4 : i32
    %dma_start3A_99 = tpu.memref_slice %arg8[%dma_start3A_98] : memref<6x!tpu.dma_semaphore, #tpu.memory_space<semaphore_mem>> -> memref<1x!tpu.dma_semaphore, #tpu.memory_space<semaphore_mem>>
    %dma_start3A_100 = tpu.memref_squeeze %dma_start3A_99 : memref<1x!tpu.dma_semaphore, #tpu.memory_space<semaphore_mem>> -> memref<!tpu.dma_semaphore, #tpu.memory_space<semaphore_mem>>
    %dma_start3A_101 = arith.constant 4 : i32
    %dma_start3A_102 = arith.constant 0 : i32
    %dma_start3A_103 = arith.constant 0 : i32
    %dma_start3A_104 = tpu.memref_slice %arg6[%dma_start3A_101, %dma_start3A_102, %dma_start3A_103] : memref<6x768x256xf32, #tpu.memory_space<vmem>> -> memref<1x768x256xf32, #tpu.memory_space<vmem>>
    %dma_start3A_105 = arith.constant 4 : i32
    %dma_start3A_106 = arith.constant 0 : i32
    %dma_start3A_107 = arith.constant 0 : i32
    %dma_start3A_108 = tpu.memref_slice %arg3[%dma_start3A_105, %dma_start3A_106, %dma_start3A_107] : memref<64x768x256xf32, #tpu.memory_space<hbm>> -> memref<1x768x256xf32, #tpu.memory_space<hbm>>
    tpu.enqueue_dma source(%dma_start3A_108 : memref<1x768x256xf32, #tpu.memory_space<hbm>>) target(%dma_start3A_104 : memref<1x768x256xf32, #tpu.memory_space<vmem>>) target_semaphore(%dma_start3A_100 : memref<!tpu.dma_semaphore, #tpu.memory_space<semaphore_mem>>)
    %dma_start3A_109 = arith.constant 5 : i32
    %dma_start3A_110 = tpu.memref_slice %arg7[%dma_start3A_109] : memref<6x!tpu.dma_semaphore, #tpu.memory_space<semaphore_mem>> -> memref<1x!tpu.dma_semaphore, #tpu.memory_space<semaphore_mem>>
    %dma_start3A_111 = tpu.memref_squeeze %dma_start3A_110 : memref<1x!tpu.dma_semaphore, #tpu.memory_space<semaphore_mem>> -> memref<!tpu.dma_semaphore, #tpu.memory_space<semaphore_mem>>
    %dma_start3A_112 = arith.constant 5 : i32
    %dma_start3A_113 = arith.constant 0 : i32
    %dma_start3A_114 = arith.constant 0 : i32
    %dma_start3A_115 = tpu.memref_slice %arg5[%dma_start3A_112, %dma_start3A_113, %dma_start3A_114] : memref<6x512x768xf32, #tpu.memory_space<vmem>> -> memref<1x512x768xf32, #tpu.memory_space<vmem>>
    %dma_start3A_116 = arith.constant 5 : i32
    %dma_start3A_117 = arith.constant 0 : i32
    %dma_start3A_118 = arith.constant 0 : i32
    %dma_start3A_119 = tpu.memref_slice %arg2[%dma_start3A_116, %dma_start3A_117, %dma_start3A_118] : memref<64x512x768xf32, #tpu.memory_space<hbm>> -> memref<1x512x768xf32, #tpu.memory_space<hbm>>
    tpu.enqueue_dma source(%dma_start3A_119 : memref<1x512x768xf32, #tpu.memory_space<hbm>>) target(%dma_start3A_115 : memref<1x512x768xf32, #tpu.memory_space<vmem>>) target_semaphore(%dma_start3A_111 : memref<!tpu.dma_semaphore, #tpu.memory_space<semaphore_mem>>)
    %dma_start3A_120 = arith.constant 5 : i32
    %dma_start3A_121 = tpu.memref_slice %arg8[%dma_start3A_120] : memref<6x!tpu.dma_semaphore, #tpu.memory_space<semaphore_mem>> -> memref<1x!tpu.dma_semaphore, #tpu.memory_space<semaphore_mem>>
    %dma_start3A_122 = tpu.memref_squeeze %dma_start3A_121 : memref<1x!tpu.dma_semaphore, #tpu.memory_space<semaphore_mem>> -> memref<!tpu.dma_semaphore, #tpu.memory_space<semaphore_mem>>
    %dma_start3A_123 = arith.constant 5 : i32
    %dma_start3A_124 = arith.constant 0 : i32
    %dma_start3A_125 = arith.constant 0 : i32
    %dma_start3A_126 = tpu.memref_slice %arg6[%dma_start3A_123, %dma_start3A_124, %dma_start3A_125] : memref<6x768x256xf32, #tpu.memory_space<vmem>> -> memref<1x768x256xf32, #tpu.memory_space<vmem>>
    %dma_start3A_127 = arith.constant 5 : i32
    %dma_start3A_128 = arith.constant 0 : i32
    %dma_start3A_129 = arith.constant 0 : i32
    %dma_start3A_130 = tpu.memref_slice %arg3[%dma_start3A_127, %dma_start3A_128, %dma_start3A_129] : memref<64x768x256xf32, #tpu.memory_space<hbm>> -> memref<1x768x256xf32, #tpu.memory_space<hbm>>
    tpu.enqueue_dma source(%dma_start3A_130 : memref<1x768x256xf32, #tpu.memory_space<hbm>>) target(%dma_start3A_126 : memref<1x768x256xf32, #tpu.memory_space<vmem>>) target_semaphore(%dma_start3A_122 : memref<!tpu.dma_semaphore, #tpu.memory_space<semaphore_mem>>)
    %broadcast_in_dim3A = arith.constant 0.000000e+00 : f32
    %broadcast_in_dim3A_131 = vector.broadcast %broadcast_in_dim3A : f32 to vector<1024x768xf32>
    %swap3A = arith.constant 0 : index
    %swap3A_132 = arith.constant 0 : index
    %swap3A_133 = vector.load %arg4[%swap3A, %swap3A_132] : memref<1024x768xf32, #tpu.memory_space<vmem>>, vector<1024x768xf32>
    tpu.vector_store %arg4[%swap3A, %swap3A_132], %broadcast_in_dim3A_131 {strides = array<i32>} : memref<1024x768xf32, #tpu.memory_space<vmem>>, vector<1024x768xf32>,
    %scan3A = arith.constant 0 : i32
    %scan3A_134 = arith.constant 64 : i32
    %scan3A_135 = arith.addi %scan3A, %scan3A_134 : i32
    %scan3A_136 = arith.constant 1 : i32
    scf.for %scan3A_138 = %scan3A to %scan3A_135 step %scan3A_136  : i32 {
      %rem3A = arith.constant 6 : i32
      %rem3A_139 = arith.remsi %scan3A_138, %rem3A : i32
      %dma_wait3A = tpu.memref_slice %arg7[%rem3A_139] : memref<6x!tpu.dma_semaphore, #tpu.memory_space<semaphore_mem>> -> memref<1x!tpu.dma_semaphore, #tpu.memory_space<semaphore_mem>>
      %dma_wait3A_140 = tpu.memref_squeeze %dma_wait3A : memref<1x!tpu.dma_semaphore, #tpu.memory_space<semaphore_mem>> -> memref<!tpu.dma_semaphore, #tpu.memory_space<semaphore_mem>>
      %dma_wait3A_141 = arith.constant 0 : i32
      %dma_wait3A_142 = arith.constant 0 : i32
      %dma_wait3A_143 = tpu.memref_slice %arg5[%rem3A_139, %dma_wait3A_141, %dma_wait3A_142] : memref<6x512x768xf32, #tpu.memory_space<vmem>> -> memref<1x512x768xf32, #tpu.memory_space<vmem>>
      %dma_wait3A_144 = arith.constant 0 : i32
      %dma_wait3A_145 = arith.constant 0 : i32
      %dma_wait3A_146 = tpu.memref_slice %arg2[%scan3A_138, %dma_wait3A_144, %dma_wait3A_145] : memref<64x512x768xf32, #tpu.memory_space<hbm>> -> memref<1x512x768xf32, #tpu.memory_space<hbm>>
      tpu.wait_dma2 semaphore(%dma_wait3A_140 : memref<!tpu.dma_semaphore, #tpu.memory_space<semaphore_mem>>) src(%dma_wait3A_146 : memref<1x512x768xf32, #tpu.memory_space<hbm>>) dst(%dma_wait3A_143 : memref<1x512x768xf32, #tpu.memory_space<vmem>>)
      %dma_wait3A_147 = tpu.memref_slice %arg8[%rem3A_139] : memref<6x!tpu.dma_semaphore, #tpu.memory_space<semaphore_mem>> -> memref<1x!tpu.dma_semaphore, #tpu.memory_space<semaphore_mem>>
      %dma_wait3A_148 = tpu.memref_squeeze %dma_wait3A_147 : memref<1x!tpu.dma_semaphore, #tpu.memory_space<semaphore_mem>> -> memref<!tpu.dma_semaphore, #tpu.memory_space<semaphore_mem>>
      %dma_wait3A_149 = arith.constant 0 : i32
      %dma_wait3A_150 = arith.constant 0 : i32
      %dma_wait3A_151 = tpu.memref_slice %arg6[%rem3A_139, %dma_wait3A_149, %dma_wait3A_150] : memref<6x768x256xf32, #tpu.memory_space<vmem>> -> memref<1x768x256xf32, #tpu.memory_space<vmem>>
      %dma_wait3A_152 = arith.constant 0 : i32
      %dma_wait3A_153 = arith.constant 0 : i32
      %dma_wait3A_154 = tpu.memref_slice %arg3[%scan3A_138, %dma_wait3A_152, %dma_wait3A_153] : memref<64x768x256xf32, #tpu.memory_space<hbm>> -> memref<1x768x256xf32, #tpu.memory_space<hbm>>
      tpu.wait_dma2 semaphore(%dma_wait3A_148 : memref<!tpu.dma_semaphore, #tpu.memory_space<semaphore_mem>>) src(%dma_wait3A_154 : memref<1x768x256xf32, #tpu.memory_space<hbm>>) dst(%dma_wait3A_151 : memref<1x768x256xf32, #tpu.memory_space<vmem>>)
      %get3A = arith.constant 0 : index
      %get3A_155 = arith.index_cast %scan3A_138 : i32 to index
      %get3A_156 = memref.load %arg0[%get3A, %get3A_155] : memref<2x64xi32, #tpu.memory_space<smem>>
      %get3A_157 = arith.constant 1 : index
      %get3A_158 = arith.index_cast %scan3A_138 : i32 to index
      %get3A_159 = memref.load %arg0[%get3A_157, %get3A_158] : memref<2x64xi32, #tpu.memory_space<smem>>
      %add3A = arith.addi %get3A_156, %get3A_159 : i32
      %jit3A = arith.constant 128 : i32
      %div3A = arith.divsi %get3A_156, %jit3A : i32
      %sign3A = arith.constant 0 : i32
      %sign3A_160 = arith.cmpi sgt, %get3A_156, %sign3A : i32
      %sign3A_161 = arith.extui %sign3A_160 : i1 to i32
      %sign3A_162 = arith.constant 0 : i32
      %sign3A_163 = arith.cmpi slt, %get3A_156, %sign3A_162 : i32
      %sign3A_164 = arith.extui %sign3A_163 : i1 to i32
      %sign3A_165 = arith.subi %sign3A_161, %sign3A_164 : i32
      %sign3A_166 = arith.constant 0 : i32
      %sign3A_167 = arith.cmpi sgt, %jit3A, %sign3A_166 : i32
      %sign3A_168 = arith.extui %sign3A_167 : i1 to i32
      %sign3A_169 = arith.constant 0 : i32
      %sign3A_170 = arith.cmpi slt, %jit3A, %sign3A_169 : i32
      %sign3A_171 = arith.extui %sign3A_170 : i1 to i32
      %sign3A_172 = arith.subi %sign3A_168, %sign3A_171 : i32
      %ne3A = arith.cmpi ne, %sign3A_165, %sign3A_172 : i32
      %rem3A_173 = arith.remsi %get3A_156, %jit3A : i32
      %ne3A_174 = arith.constant 0 : i32
      %ne3A_175 = arith.cmpi ne, %rem3A_173, %ne3A_174 : i32
      %and3A = arith.andi %ne3A, %ne3A_175 : i1
      %sub3A = arith.constant 1 : i32
      %sub3A_176 = arith.subi %div3A, %sub3A : i32
      %select_n3A = arith.select %and3A, %sub3A_176, %div3A : i32
      %mul3A = arith.constant 128 : i32
      %mul3A_177 = arith.muli %select_n3A, %mul3A : i32
      %gt3A = arith.constant 0 : i32
      %gt3A_178 = arith.cmpi sgt, %get3A_159, %gt3A : i32
      %sub3A_179 = arith.subi %add3A, %mul3A_177 : i32
      %add3A_180 = arith.constant 128 : i32
      %add3A_181 = arith.addi %sub3A_179, %add3A_180 : i32
      %sub3A_182 = arith.constant 1 : i32
      %sub3A_183 = arith.subi %add3A_181, %sub3A_182 : i32
      %jit3A_184 = arith.constant 128 : i32
      %div3A_185 = arith.divsi %sub3A_183, %jit3A_184 : i32
      %sign3A_186 = arith.constant 0 : i32
      %sign3A_187 = arith.cmpi sgt, %sub3A_183, %sign3A_186 : i32
      %sign3A_188 = arith.extui %sign3A_187 : i1 to i32
      %sign3A_189 = arith.constant 0 : i32
      %sign3A_190 = arith.cmpi slt, %sub3A_183, %sign3A_189 : i32
      %sign3A_191 = arith.extui %sign3A_190 : i1 to i32
      %sign3A_192 = arith.subi %sign3A_188, %sign3A_191 : i32
      %sign3A_193 = arith.constant 0 : i32
      %sign3A_194 = arith.cmpi sgt, %jit3A_184, %sign3A_193 : i32
      %sign3A_195 = arith.extui %sign3A_194 : i1 to i32
      %sign3A_196 = arith.constant 0 : i32
      %sign3A_197 = arith.cmpi slt, %jit3A_184, %sign3A_196 : i32
      %sign3A_198 = arith.extui %sign3A_197 : i1 to i32
      %sign3A_199 = arith.subi %sign3A_195, %sign3A_198 : i32
      %ne3A_200 = arith.cmpi ne, %sign3A_192, %sign3A_199 : i32
      %rem3A_201 = arith.remsi %sub3A_183, %jit3A_184 : i32
      %ne3A_202 = arith.constant 0 : i32
      %ne3A_203 = arith.cmpi ne, %rem3A_201, %ne3A_202 : i32
      %and3A_204 = arith.andi %ne3A_200, %ne3A_203 : i1
      %sub3A_205 = arith.constant 1 : i32
      %sub3A_206 = arith.subi %div3A_185, %sub3A_205 : i32
      %select_n3A_207 = arith.select %and3A_204, %sub3A_206, %div3A_185 : i32
      %jit3A_208 = arith.constant 0 : i32
      %select_n3A_209 = arith.select %gt3A_178, %select_n3A_207, %jit3A_208 : i32
      %while3A = arith.constant 0 : i32
      %while3A_210 = arith.constant 0 : i32
      %while3A_211 = arith.subi %select_n3A_209, %while3A_210 : i32
      %while3A_212 = arith.addi %while3A_210, %while3A_211 : i32
      %while3A_213 = arith.constant 1 : i32
      %while3A_214 = arith.divsi %while3A_211, %while3A_213 : i32
      %while3A_215 = arith.muli %while3A_214, %while3A_213 : i32
      %while3A_216 = arith.addi %while3A_210, %while3A_215 : i32
      %while3A_217 = arith.constant 1 : i32
      scf.for %while3A_223 = %while3A_210 to %while3A_216 step %while3A_217  : i32 {
        %mul3A_224 = arith.constant 128 : i32
        %mul3A_225 = arith.muli %while3A_223, %mul3A_224 : i32
        %add3A_226 = arith.addi %mul3A_177, %mul3A_225 : i32
        %multiple_of3A = tpu.assume_multiple %add3A_226, 128 : i32
        %get3A_227 = arith.index_cast %multiple_of3A : i32 to index
        %get3A_228 = arith.constant 0 : index
        %get3A_229 = vector.load %arg1[%get3A_227, %get3A_228] : memref<1024x768xf32, #tpu.memory_space<vmem>>, vector<128x768xf32>
        %get3A_230 = arith.index_cast %rem3A_139 : i32 to index
        %get3A_231 = arith.constant 0 : index
        %get3A_232 = arith.constant 0 : index
        %get3A_233 = vector.load %arg5[%get3A_230, %get3A_231, %get3A_232] : memref<6x512x768xf32, #tpu.memory_space<vmem>>, vector<1x512x768xf32>
        %get3A_234 = vector.shape_cast %get3A_233 : vector<1x512x768xf32> to vector<512x768xf32>
        %dot_general3A = arith.constant dense<0.000000e+00> : vector<128x512xf32>
        %dot_general3A_235 = tpu.matmul %get3A_229, %get3A_234, %dot_general3A {dimension_numbers = #tpu.dot_dimension_numbers<[1], [1], [0], [0], [0, 0, 1, 0], [], []>, transpose_lhs_hint = false} : vector<128x768xf32>, vector<512x768xf32>, vector<128x512xf32> -> vector<128x512xf32>
        %slice3A = vector.extract_strided_slice %dot_general3A_235 {offsets = [0, 0], sizes = [128, 256], strides = [1, 1]} : vector<128x512xf32> to vector<128x256xf32>
        %slice3A_236 = vector.extract_strided_slice %dot_general3A_235 {offsets = [0, 256], sizes = [128, 256], strides = [1, 1]} : vector<128x512xf32> to vector<128x256xf32>
        %logistic3A = arith.negf %slice3A : vector<128x256xf32>
        %logistic3A_237 = math.exp %logistic3A : vector<128x256xf32>
        %logistic3A_238 = arith.constant 1.000000e+00 : f32
        %logistic3A_239 = vector.broadcast %logistic3A_238 : f32 to vector<128x256xf32>
        %logistic3A_240 = arith.addf %logistic3A_239, %logistic3A_237 : vector<128x256xf32>
        %logistic3A_241 = arith.divf %logistic3A_239, %logistic3A_240 : vector<128x256xf32>
        %mul3A_242 = arith.mulf %slice3A, %logistic3A_241 : vector<128x256xf32>
        %mul3A_243 = arith.mulf %mul3A_242, %slice3A_236 : vector<128x256xf32>
        %get3A_244 = arith.index_cast %rem3A_139 : i32 to index
        %get3A_245 = arith.constant 0 : index
        %get3A_246 = arith.constant 0 : index
        %get3A_247 = vector.load %arg6[%get3A_244, %get3A_245, %get3A_246] : memref<6x768x256xf32, #tpu.memory_space<vmem>>, vector<1x768x256xf32>
        %get3A_248 = vector.shape_cast %get3A_247 : vector<1x768x256xf32> to vector<768x256xf32>
        %dot_general3A_249 = arith.constant dense<0.000000e+00> : vector<128x768xf32>
        %dot_general3A_250 = tpu.matmul %mul3A_243, %get3A_248, %dot_general3A_249 {dimension_numbers = #tpu.dot_dimension_numbers<[1], [1], [0], [0], [0, 0, 1, 0], [], []>, transpose_lhs_hint = false} : vector<128x256xf32>, vector<768x256xf32>, vector<128x768xf32> -> vector<128x768xf32>
        %iota3A = tpu.iota {dimensions = array<i32: 0>} : vector<128x1xi32>
        %add3A_251 = vector.broadcast %multiple_of3A : i32 to vector<128x1xi32>
        %add3A_252 = arith.addi %add3A_251, %iota3A : vector<128x1xi32>
        %ge3A = vector.broadcast %get3A_156 : i32 to vector<128x1xi32>
        %ge3A_253 = arith.cmpi sge, %add3A_252, %ge3A : vector<128x1xi32>
        %lt3A_254 = vector.broadcast %add3A : i32 to vector<128x1xi32>
        %lt3A_255 = arith.cmpi slt, %add3A_252, %lt3A_254 : vector<128x1xi32>
        %and3A_256 = arith.andi %ge3A_253, %lt3A_255 : vector<128x1xi1>
        %convert_element_type3A_257 = arith.extui %and3A_256 : vector<128x1xi1> to vector<128x1xi32>
        %convert_element_type3A_258 = arith.sitofp %convert_element_type3A_257 : vector<128x1xi32> to vector<128x1xf32>
        %get3A_259 = arith.index_cast %multiple_of3A : i32 to index
        %get3A_260 = arith.constant 0 : index
        %get3A_261 = vector.load %arg4[%get3A_259, %get3A_260] : memref<1024x768xf32, #tpu.memory_space<vmem>>, vector<128x768xf32>
        %mul3A_262 = vector.broadcast %convert_element_type3A_258 : vector<128x1xf32> to vector<128x768xf32>
        %mul3A_263 = arith.mulf %dot_general3A_250, %mul3A_262 : vector<128x768xf32>
        %add3A_264 = arith.addf %get3A_261, %mul3A_263 : vector<128x768xf32>
        %swap3A_265 = arith.index_cast %multiple_of3A : i32 to index
        %swap3A_266 = arith.constant 0 : index
        %swap3A_267 = vector.load %arg4[%swap3A_265, %swap3A_266] : memref<1024x768xf32, #tpu.memory_space<vmem>>, vector<128x768xf32>
        tpu.vector_store %arg4[%swap3A_265, %swap3A_266], %add3A_264 {strides = array<i32>} : memref<1024x768xf32, #tpu.memory_space<vmem>>, vector<128x768xf32>,
      }
      %while3A_218 = arith.constant 1 : i32
      scf.for %while3A_223 = %while3A_216 to %while3A_212 step %while3A_218  : i32 {
        %mul3A_224 = arith.constant 128 : i32
        %mul3A_225 = arith.muli %while3A_223, %mul3A_224 : i32
        %add3A_226 = arith.addi %mul3A_177, %mul3A_225 : i32
        %multiple_of3A = tpu.assume_multiple %add3A_226, 128 : i32
        %get3A_227 = arith.index_cast %multiple_of3A : i32 to index
        %get3A_228 = arith.constant 0 : index
        %get3A_229 = vector.load %arg1[%get3A_227, %get3A_228] : memref<1024x768xf32, #tpu.memory_space<vmem>>, vector<128x768xf32>
        %get3A_230 = arith.index_cast %rem3A_139 : i32 to index
        %get3A_231 = arith.constant 0 : index
        %get3A_232 = arith.constant 0 : index
        %get3A_233 = vector.load %arg5[%get3A_230, %get3A_231, %get3A_232] : memref<6x512x768xf32, #tpu.memory_space<vmem>>, vector<1x512x768xf32>
        %get3A_234 = vector.shape_cast %get3A_233 : vector<1x512x768xf32> to vector<512x768xf32>
        %dot_general3A = arith.constant dense<0.000000e+00> : vector<128x512xf32>
        %dot_general3A_235 = tpu.matmul %get3A_229, %get3A_234, %dot_general3A {dimension_numbers = #tpu.dot_dimension_numbers<[1], [1], [0], [0], [0, 0, 1, 0], [], []>, transpose_lhs_hint = false} : vector<128x768xf32>, vector<512x768xf32>, vector<128x512xf32> -> vector<128x512xf32>
        %slice3A = vector.extract_strided_slice %dot_general3A_235 {offsets = [0, 0], sizes = [128, 256], strides = [1, 1]} : vector<128x512xf32> to vector<128x256xf32>
        %slice3A_236 = vector.extract_strided_slice %dot_general3A_235 {offsets = [0, 256], sizes = [128, 256], strides = [1, 1]} : vector<128x512xf32> to vector<128x256xf32>
        %logistic3A = arith.negf %slice3A : vector<128x256xf32>
        %logistic3A_237 = math.exp %logistic3A : vector<128x256xf32>
        %logistic3A_238 = arith.constant 1.000000e+00 : f32
        %logistic3A_239 = vector.broadcast %logistic3A_238 : f32 to vector<128x256xf32>
        %logistic3A_240 = arith.addf %logistic3A_239, %logistic3A_237 : vector<128x256xf32>
        %logistic3A_241 = arith.divf %logistic3A_239, %logistic3A_240 : vector<128x256xf32>
        %mul3A_242 = arith.mulf %slice3A, %logistic3A_241 : vector<128x256xf32>
        %mul3A_243 = arith.mulf %mul3A_242, %slice3A_236 : vector<128x256xf32>
        %get3A_244 = arith.index_cast %rem3A_139 : i32 to index
        %get3A_245 = arith.constant 0 : index
        %get3A_246 = arith.constant 0 : index
        %get3A_247 = vector.load %arg6[%get3A_244, %get3A_245, %get3A_246] : memref<6x768x256xf32, #tpu.memory_space<vmem>>, vector<1x768x256xf32>
        %get3A_248 = vector.shape_cast %get3A_247 : vector<1x768x256xf32> to vector<768x256xf32>
        %dot_general3A_249 = arith.constant dense<0.000000e+00> : vector<128x768xf32>
        %dot_general3A_250 = tpu.matmul %mul3A_243, %get3A_248, %dot_general3A_249 {dimension_numbers = #tpu.dot_dimension_numbers<[1], [1], [0], [0], [0, 0, 1, 0], [], []>, transpose_lhs_hint = false} : vector<128x256xf32>, vector<768x256xf32>, vector<128x768xf32> -> vector<128x768xf32>
        %iota3A = tpu.iota {dimensions = array<i32: 0>} : vector<128x1xi32>
        %add3A_251 = vector.broadcast %multiple_of3A : i32 to vector<128x1xi32>
        %add3A_252 = arith.addi %add3A_251, %iota3A : vector<128x1xi32>
        %ge3A = vector.broadcast %get3A_156 : i32 to vector<128x1xi32>
        %ge3A_253 = arith.cmpi sge, %add3A_252, %ge3A : vector<128x1xi32>
        %lt3A_254 = vector.broadcast %add3A : i32 to vector<128x1xi32>
        %lt3A_255 = arith.cmpi slt, %add3A_252, %lt3A_254 : vector<128x1xi32>
        %and3A_256 = arith.andi %ge3A_253, %lt3A_255 : vector<128x1xi1>
        %convert_element_type3A_257 = arith.extui %and3A_256 : vector<128x1xi1> to vector<128x1xi32>
        %convert_element_type3A_258 = arith.sitofp %convert_element_type3A_257 : vector<128x1xi32> to vector<128x1xf32>
        %get3A_259 = arith.index_cast %multiple_of3A : i32 to index
        %get3A_260 = arith.constant 0 : index
        %get3A_261 = vector.load %arg4[%get3A_259, %get3A_260] : memref<1024x768xf32, #tpu.memory_space<vmem>>, vector<128x768xf32>
        %mul3A_262 = vector.broadcast %convert_element_type3A_258 : vector<128x1xf32> to vector<128x768xf32>
        %mul3A_263 = arith.mulf %dot_general3A_250, %mul3A_262 : vector<128x768xf32>
        %add3A_264 = arith.addf %get3A_261, %mul3A_263 : vector<128x768xf32>
        %swap3A_265 = arith.index_cast %multiple_of3A : i32 to index
        %swap3A_266 = arith.constant 0 : index
        %swap3A_267 = vector.load %arg4[%swap3A_265, %swap3A_266] : memref<1024x768xf32, #tpu.memory_space<vmem>>, vector<128x768xf32>
        tpu.vector_store %arg4[%swap3A_265, %swap3A_266], %add3A_264 {strides = array<i32>} : memref<1024x768xf32, #tpu.memory_space<vmem>>, vector<128x768xf32>,
      }
      %add3A_219 = arith.constant 6 : i32
      %add3A_220 = arith.addi %scan3A_138, %add3A_219 : i32
      %lt3A = arith.constant 64 : i32
      %lt3A_221 = arith.cmpi slt, %add3A_220, %lt3A : i32
      %convert_element_type3A = arith.extui %lt3A_221 : i1 to i32
      %cond3A = arith.constant 0 : i32
      %cond3A_222 = arith.cmpi ne, %convert_element_type3A, %cond3A : i32
      scf.if %cond3A_222 {
        %add3A_223 = arith.constant 6 : i32
        %add3A_224 = arith.addi %scan3A_138, %add3A_223 : i32
        %dma_start3A_225 = tpu.memref_slice %arg7[%rem3A_139] : memref<6x!tpu.dma_semaphore, #tpu.memory_space<semaphore_mem>> -> memref<1x!tpu.dma_semaphore, #tpu.memory_space<semaphore_mem>>
        %dma_start3A_226 = tpu.memref_squeeze %dma_start3A_225 : memref<1x!tpu.dma_semaphore, #tpu.memory_space<semaphore_mem>> -> memref<!tpu.dma_semaphore, #tpu.memory_space<semaphore_mem>>
        %dma_start3A_227 = arith.constant 0 : i32
        %dma_start3A_228 = arith.constant 0 : i32
        %dma_start3A_229 = tpu.memref_slice %arg5[%rem3A_139, %dma_start3A_227, %dma_start3A_228] : memref<6x512x768xf32, #tpu.memory_space<vmem>> -> memref<1x512x768xf32, #tpu.memory_space<vmem>>
        %dma_start3A_230 = arith.constant 0 : i32
        %dma_start3A_231 = arith.constant 0 : i32
        %dma_start3A_232 = tpu.memref_slice %arg2[%add3A_224, %dma_start3A_230, %dma_start3A_231] : memref<64x512x768xf32, #tpu.memory_space<hbm>> -> memref<1x512x768xf32, #tpu.memory_space<hbm>>
        tpu.enqueue_dma source(%dma_start3A_232 : memref<1x512x768xf32, #tpu.memory_space<hbm>>) target(%dma_start3A_229 : memref<1x512x768xf32, #tpu.memory_space<vmem>>) target_semaphore(%dma_start3A_226 : memref<!tpu.dma_semaphore, #tpu.memory_space<semaphore_mem>>)
        %dma_start3A_233 = tpu.memref_slice %arg8[%rem3A_139] : memref<6x!tpu.dma_semaphore, #tpu.memory_space<semaphore_mem>> -> memref<1x!tpu.dma_semaphore, #tpu.memory_space<semaphore_mem>>
        %dma_start3A_234 = tpu.memref_squeeze %dma_start3A_233 : memref<1x!tpu.dma_semaphore, #tpu.memory_space<semaphore_mem>> -> memref<!tpu.dma_semaphore, #tpu.memory_space<semaphore_mem>>
        %dma_start3A_235 = arith.constant 0 : i32
        %dma_start3A_236 = arith.constant 0 : i32
        %dma_start3A_237 = tpu.memref_slice %arg6[%rem3A_139, %dma_start3A_235, %dma_start3A_236] : memref<6x768x256xf32, #tpu.memory_space<vmem>> -> memref<1x768x256xf32, #tpu.memory_space<vmem>>
        %dma_start3A_238 = arith.constant 0 : i32
        %dma_start3A_239 = arith.constant 0 : i32
        %dma_start3A_240 = tpu.memref_slice %arg3[%add3A_224, %dma_start3A_238, %dma_start3A_239] : memref<64x768x256xf32, #tpu.memory_space<hbm>> -> memref<1x768x256xf32, #tpu.memory_space<hbm>>
        tpu.enqueue_dma source(%dma_start3A_240 : memref<1x768x256xf32, #tpu.memory_space<hbm>>) target(%dma_start3A_237 : memref<1x768x256xf32, #tpu.memory_space<vmem>>) target_semaphore(%dma_start3A_234 : memref<!tpu.dma_semaphore, #tpu.memory_space<semaphore_mem>>)
      } else {
      }
    }
    %scan3A_137 = arith.constant 64 : i32
    return
  }
}

</mosaic_0001>

<sc_bundles>
// kernel: kernel.6.cloned.1.call-start
scs
__scs_entry_jumppad:
0x0: {  	(pc) =	sbr.rel $0x88, $3  }
0x1: {  	(tag) =	ssettag $0x0;
	lr =	simm.s32 $0x1  }
0x2: {  	[smem:$0x3F9C] =	sst lr;
	_ =	strace $0xD0000000  }
0x3: {  	_ = 	snop  }
0x4: {  	_ = 	snop  }
0x5: {  	_ = 	snop  }
0x6: {  	_ = 	snop  }
0x7: {  	_ = 	snop  }
__scs_overlays_trampoline_lowered:
0x8: {  	[smem:$0x3FAB] =	sst s0  }
0x9: {  	[smem:$0x3FAC] =	sst s1  }
0xa: {  	[smem:$0x3FAD] =	sst s2  }
0xb: {  	[smem:$0x3FAE] =	sst s3  }
0xc: {  	[smem:$0x3FAF] =	sst s4  }
0xd: {  	[smem:$0x3FB0] =	sst s5  }
0xe: {  	[smem:$0x3FB1] =	sst s6  }
0xf: {  	[smem:$0x3FB2] =	sst s7  }
0x10: {  	[smem:$0x3FB3] =	sst s8  }
0x11: {  	[smem:$0x3FB4] =	sst s9;
	s0 =	simm.s32 @!p0 $0x0  }
0x12: {  	s1 =	sld [smem:$0x3F9A];
	s0 =	simm.s32 @p0 $0x1  }
0x13: {  	[smem:$0x3FB5] =	sst s0;
	s0 =	simm.s32 @!p1 $0x0  }
0x14: {  	s2 =	sld [smem:$0x3F99];
	s0 =	simm.s32 @p1 $0x1  }
0x15: {  	[smem:$0x3FB6] =	sst s0;
	s0 =	simm.s32 @!p2 $0x0  }
0x16: {  	s3 =	sld [smem:$0x3FDB];
	s0 =	simm.s32 @p2 $0x1  }
0x17: {  	s4 =	simm.s32 $0x1BF5;
	[smem:$0x3FB8] =	sst s0  }
0x18: {  	s0 =	sld [smem:$0x3F9B];
	_ =	swait.ge [sflag:s4], $0x0  }
0x19: {  	s7 =	sld [smem:$0x3F9C]  }
0x1a: {  	s8 =	sadd.s32 $0xFFFFE003, lr  }
0x1b: {  	s9 =	sadd.s32 $0xFFFFFEF7, lr;
	s5 =	simm.s32 $0xFFFFFFFF;
	p2 =	slt.u32 s8, $0xFFFFF086  }
0x1c: {  	p1 =	slt.u32 s9, $0xF7A;
	s5 =	simm.s32 @!p2 $0x0  }
0x1d: {  	s5 =	simm.s32 @p1 $0x1;
	p0 =	seq.s32 s7, s2  }
0x1e: {  	s7 =	smul.u32 @!p0 $0xF7A, s2;
	p2 =	seq.s32 @!p0 s5, $0x0  }
0x1f: {  	s9 =	smul.u32 $0xF7A, s1;
	s8 =	simm.s32 @!p0 $0x1BF5;
	p2 =	por !p2, p0  }
0x20: {  	[sflag:s8] =	ssyncset.s32 @!p0 $0xFFFFF086;
	s6 =	sadd.s32 @!p0 s3, s7;
	s7 =	simm.s32 @!p0 $0x108  }
0x21: {  	s3 =	sadd.s32 s3, s9;
	s6 =	sadd.s32 @!p0 $0x88, s6;
	s7 =	simm.s32 @p2 $0x1082  }
0x22: {  	[simem:s7], [sflag:s8] =	dma.local @!p0 [hbm:s6], $0xF7A  }
0x23: {  	s9 =	sor.u32 $0xD0000000, s2;
	s6 =	simm.s32 $0x108;
	_ =	swait.ge @!p0 [sflag:s8], $0x0  }
0x24: {  	s3 =	sadd.s32 $0x88, s3;
	s6 =	simm.s32 @!p1 $0x1082;
	[sflag:s4] =	ssyncset.s32 $0xFFFFF086  }
0x25: {  	[simem:s6], [sflag:s4] =	dma.local [hbm:s3], $0xF7A  }
0x26: {  	[smem:$0x3F9C] =	sst s1;
	(tag) =	ssettag s2;
	_ =	strace s9  }
0x27: {  	s1 =	sld [smem:$0x3FAC]  }
0x28: {  	s2 =	sld [smem:$0x3FAD]  }
0x29: {  	s4 =	sld [smem:$0x3FAF]  }
0x2a: {  	p0 =	seq.s32 s5, $0x0;
	s5 =	sld [smem:$0x3FB0]  }
0x2b: {  	s6 =	sld [smem:$0x3FB1]  }
0x2c: {  	s7 =	sld [smem:$0x3FB2]  }
0x2d: {  	s3 =	simm.s32 $0x108;
	s8 =	sld [smem:$0x3FB3]  }
0x2e: {  	s3 =	simm.s32 @!p0 $0x1082;
	s9 =	sld [smem:$0x3FB4]  }
0x2f: {  	lr =	sadd.s32 s0, s3;
	s0 =	sld [smem:$0x3FAB]  }
0x30: {  	s3 =	sld [smem:$0x3FAE]  }
0x31: {  	[smem:$0x3FB7] =	sst s10  }
0x32: {  	s10 =	sld [smem:$0x3FB5];
	_ =	sdelay $0x3  }
0x33: {  	p0 =	seq.s32 s10, $0x1;
	s10 =	sld [smem:$0x3FB7];
	_ =	sdelay $0x3  }
0x34: {  	[smem:$0x3FB7] =	sst s10  }
0x35: {  	s10 =	sld [smem:$0x3FB6];
	_ =	sdelay $0x3  }
0x36: {  	p1 =	seq.s32 s10, $0x1;
	s10 =	sld [smem:$0x3FB7];
	_ =	sdelay $0x3  }
0x37: {  	[smem:$0x3FB7] =	sst s10  }
0x38: {  	s10 =	sld [smem:$0x3FB8]  }
0x39: {  	_ = 	snop;
	(pc) =	sbr.ind lr, $3  }
0x3a: {  	_ = 	snop  }
0x3b: {  	_ = 	snop  }
0x3c: {  	p2 =	seq.s32 s10, $0x1;
	s10 =	sld [smem:$0x3FB7]  }
0x3d: {  	_ =	shalt  }
0x3e: {  	_ =	shalt  }
0x3f: {  	_ =	shalt  }
0x40: {  	_ =	shalt  }
0x41: {  	_ =	shalt  }
0x42: {  	_ =	shalt  }
0x43: {  	_ =	shalt  }
0x44: {  	_ =	shalt  }
0x45: {  	_ =	shalt  }
0x46: {  	_ =	shalt  }
0x47: {  	_ =	shalt  }
0x48: {  	_ =	shalt  }
0x49: {  	_ =	shalt  }
0x4a: {  	_ =	shalt  }
0x4b: {  	_ =	shalt  }
0x4c: {  	_ =	shalt  }
0x4d: {  	_ =	shalt  }
0x4e: {  	_ =	shalt  }
0x4f: {  	_ =	shalt  }
0x50: {  	_ =	shalt  }
0x51: {  	_ =	shalt  }
0x52: {  	_ =	shalt  }
0x53: {  	_ =	shalt  }
0x54: {  	_ =	shalt  }
0x55: {  	_ =	shalt  }
0x56: {  	_ =	shalt  }
0x57: {  	_ =	shalt  }
0x58: {  	_ =	shalt  }
0x59: {  	_ =	shalt  }
0x5a: {  	_ =	shalt  }
0x5b: {  	_ =	shalt  }
0x5c: {  	_ =	shalt  }
0x5d: {  	_ =	shalt  }
0x5e: {  	_ =	shalt  }
0x5f: {  	_ =	shalt  }
0x60: {  	_ =	shalt  }
0x61: {  	_ =	shalt  }
0x62: {  	_ =	shalt  }
0x63: {  	_ =	shalt  }
0x64: {  	_ =	shalt  }
0x65: {  	_ =	shalt  }
0x66: {  	_ =	shalt  }
0x67: {  	_ =	shalt  }
0x68: {  	_ =	shalt  }
0x69: {  	_ =	shalt  }
0x6a: {  	_ =	shalt  }
0x6b: {  	_ =	shalt  }
0x6c: {  	_ =	shalt  }
0x6d: {  	_ =	shalt  }
0x6e: {  	_ =	shalt  }
0x6f: {  	_ =	shalt  }
0x70: {  	_ =	shalt  }
0x71: {  	_ =	shalt  }
0x72: {  	_ =	shalt  }
0x73: {  	_ =	shalt  }
0x74: {  	_ =	shalt  }
0x75: {  	_ =	shalt  }
0x76: {  	_ =	shalt  }
0x77: {  	_ =	shalt  }
0x78: {  	_ =	shalt  }
0x79: {  	_ =	shalt  }
0x7a: {  	_ =	shalt  }
0x7b: {  	_ =	shalt  }
0x7c: {  	_ =	shalt  }
0x7d: {  	_ =	shalt  }
0x7e: {  	_ =	shalt  }
0x7f: {  	_ =	shalt  }
0x80: {  	_ =	shalt  }
0x81: {  	_ =	shalt  }
0x82: {  	_ =	shalt  }
0x83: {  	_ =	shalt  }
0x84: {  	_ =	shalt  }
0x85: {  	_ =	shalt  }
0x86: {  	_ =	shalt  }
0x87: {  	_ =	shalt  }
.Lfunc_end0:
.L_simem_size_0:
called_computation_lowered:
.L_overlay_start_0:
0x88: {  	s2 =	sld [smem:$0x3FD9]  }
0x89: {  	s3 =	sld [smem:$0x3FFE];
	_ =	sdelay $0x1  }
0x8a: {  	s1 =	srdreg.scid  }
0x8b: {  	s0 =	sand.u32 $0x1, s1  }
0x8c: {  	s17 =	sshll.u32 s0, $0xA;
	s2 =	sadd.s32 s3, s2  }
0x8d: {  	s2 =	sadd.s32 s2, s17  }
0x8e: {  	[smem:$0x3FC3] =	sst s2  }
0x8f: {  	_ = 	snop  }
0x90: {  	s2 =	sld [smem:$0x3FC9]  }
0x91: {  	s18 =	sld [smem:$0x3FD0];
	(tm) =	ssettm $0x1  }
0x92: {  	s4 =	sld [smem:$0x3FFB];
	_ =	sdelay $0x3  }
0x93: {  	_ =	strace s4  }
0x94: {  	s4 =	sld [smem:$0x3FFC];
	_ =	sdelay $0x3  }
0x95: {  	_ =	strace s4  }
0x96: {  	s4 =	sld [smem:$0x3FFD];
	_ =	sdelay $0x3  }
0x97: {  	_ =	strace s4  }
0x98: {  	_ =	strace $0x8FFFFFFF  }
0x99: {  	s19 =	sld [smem:$0x3FDB];
	_ =	sdelay $0x1  }
0x9a: {  	s5 =	simm.s32 $_scs_section_size  }
0x9b: {  	s6 =	simm.s32 $_size__tile_overlayer_lowered;
	s7 =	simm.s32 $_tile_overlayer_lowered  }
0x9c: {  	s22 =	simm.s32 $0x1BFF;
	s21 =	sshll.u32 s7, $0x1;
	s4 =	sadd.s32 s5, s19  }
0x9d: {  	s8 =	simm.s32 $0x0;
	s20 =	sshll.u32 s6, $0x1;
	s6 =	sadd.s32 s21, s4  }
0x9e: {  	[timem:s8], [sflag:s22] =	dma.local [hbm:s6], s20  }
0x9f: {  	_ =	swait.ge [sflag:s22], s20  }
0xa0: {  	s5 =	ssub.s32 $0x0, s20;
	[sflag:s22] =	ssyncset.done $0x0  }
0xa1: {  	[sflag:s22] =	ssyncadd.s32 s5;
	_ =	sdelay $0x1  }
0xa2: {  	s23 =	simm.s32 $0x1B8B  }
0xa3: {  	_ =	swait.ge [sflag:s23], $0x1  }
0xa4: {  	[sflag:s23] =	ssyncset.done $0x0  }
0xa5: {  	s25 =	simm.s32 $0x1B8E;
	s24 =	sld [smem:$0x3FFE];
	[sflag:s23] =	ssyncadd.s32 $0xFFFFFFFF  }
0xa6: {  	s26 =	simm.s32 $execute0_lowered;
	[smem:$0x3FD2] =	sst s25  }
0xa7: {  	s6 =	sshll.u32 s26, $0x1;
	_ =	strace $0x80000046;
	[dreg:$0x1] =	wrdreg $0xFFFFFFFF  }
0xa8: {  	s28 =	simm.s32 $_size_execute0_lowered;
	s4 =	sadd.s32 s4, s6;
	[dreg:$0x0] =	wrdreg $0x0  }
0xa9: {  	s6 =	sshll.u32 s28, $0x1;
	[dreg:$0x2] =	wrdreg s4  }
0xaa: {  	[dreg:$0x3] =	wrdreg s6  }
0xab: {  	[dreg:$0x4] =	wrdreg $0xC0  }
0xac: {  	_ =	task [dreg:s8], $0x5FFFF  }
0xad: {  	[dreg:$0x1] =	wrdreg $0xFFFFFFFF  }
0xae: {  	[dreg:$0x0] =	wrdreg $0x60  }
0xaf: {  	[dreg:$0x2] =	wrdreg s2  }
0xb0: {  	[dreg:$0x3] =	wrdreg s18  }
0xb1: {  	[dreg:$0x4] =	wrdreg s24  }
0xb2: {  	[dreg:$0x5] =	wrdreg $0x9  }
0xb3: {  	_ =	task.clear_ibuf [dreg:s8], $0x6FFFF;
	_ =	strace $0x90000046  }
0xb4: {  	s29 =	simm.s32 $0x9;
	_ =	strace $0x80000048  }
0xb5: {  	_ =	swait.ge [sflag:s29], $0x1  }
0xb6: {  	[sflag:s29] =	ssyncadd.s32 $0xFFFFFFFF  }
0xb7: {  	_ =	strace $0x90000048  }
0xb8: {  	_ =	sfence  }
0xb9: {  	s30 =	sld [smem:$0x0];
	_ =	sdelay $0x2  }
0xba: {  	s31 =	sshll.u32 s1, $0xD;
	s1 =	sshrl.u32 s1, $0x2  }
0xbb: {  	s3 =	sand.u32 $0x4000, s31;
	s1 =	sadd.s32 s1, s30  }
0xbc: {  	s0 =	sor.u32 s3, s0;
	s1 =	sshll.u32 s1, $0x11  }
0xbd: {  	s0 =	sor.u32 s1, s0  }
0xbe: {  	s0 =	sadd.s32 $0x8F2B, s0  }
0xbf: {  	[sflag:s0] =	ssyncadd.remote.s32 $0x1  }
0xc0: {  	_ =	sfence.sel $0xFFFF  }
0xc1: {  	[dreg:$0x0] =	wrdreg $0xFFFFFFFF;
	(pc) =	sbr.abs _section_cstart, $3  }
0xc2: {  	[dreg:$0x1] =	wrdreg $0xFFFFFFFF  }
0xc3: {  	_ =	task.clear_ibuf [dreg:s8], $0x2FFFF;
	_ =	strace $0x9FFFFFFF  }
0xc4: {  	(tm) =	ssettm $0x7FFFFFFF  }
0xc5: {  	_ =	shalt  }
tec
execute0_lowered:
.L_overlay_start_1:
0x0: {  	(tag) =	ssettag $0x1  }
0x1: {  	s1 =	rddreg [dreg:$0x0]  }
0x2: {  	s5 =	rddreg [dreg:$0x1]  }
0x3: {  	s10 =	rddreg [dreg:$0x2];
	s3 =	srdreg.scid  }
0x4: {  	s0 =	rddreg [dreg:$0x3];
	s2 =	stileid.u32;
	s12 =	simm.s32 $0x2  }
0x5: {  	s13 =	simm.s32 $0x80;
	s14 =	simm.s32 $0x100;
	s15 =	simm.s32 $0x900  }
0x6: {  	s16 =	simm.s32 $0x1100;
	s17 =	simm.s32 $0x1900;
	s18 =	simm.s32 $0x2100  }
0x7: {  	s19 =	simm.s32 $0x2900;
	s20 =	simm.s32 $0x3100;
	s21 =	simm.s32 $0x3900  }
0x8: {  	s22 =	simm.s32 $0x4100;
	s23 =	simm.s32 $0x4900;
	s24 =	simm.s32 $0x5100  }
0x9: {  	s25 =	simm.s32 $0x5900;
	s26 =	simm.s32 $0x1;
	s4 =	sand.u32 $0x1, s3  }
0xa: {  	s3 =	simm.s32 $0x0;
	s6 =	sshll.u32 s2, $0x3;
	s7 =	sshll.u32 s4, $0x2  }
0xb: {  	[smem:$0x7FF] =	sst s3;
	s31 =	ssub.s32 $0x2, s4;
	s4 =	sadd.s32 $0xA00, s10  }
0xc: {  	s6 =	sor.u32 s7, s6;
	_ =	strace $0x80000047;
	s9 =	sshrl.u32 s31, $0x1  }
0xd: {  	v2 =	vlaneseq.u32;
	s7 =	sadd.s32 $0x100, s1;
	s8 =	sadd.s32 s6, s10;
	s11 =	ssub.s32 s31, s9  }
0xe: {  	vm0 =	vmmov $0xffff;
	v1 =	vshrl.u32 v2, $0x3;
	s5 =	sadd.s32 s5, s6;
	s9 =	sadd.s32 $0xB00, s10;
	s10 =	sadd.s32 $0xC00, s10  }
0xf: {  	v0 =	vand.u32 $0x7, v2;
	v2 =	vor.u32 $0x8, v2;
	v1 =	vmul.u32 $0x8, v1;
	s6 =	sadd.s32 $0x800, s8;
	s8 =	sadd.s32 $0x200, s1;
	s11 =	smax.u32 s11, $0x1  }
.LBB2_1:
0x10: {  	[tilespmem:s3], [sflag:$0x2] =	stream.linear.gather [hbm4b:s5+s3], $0x20, $0x38;
	[tilespmem:$0x6100] =	vst v63  }
0x11: {  	_ =	swait.ge [sflag:s12], $0x20  }
0x12: {  	[sflag:s12] =	ssyncset.done $0x0  }
0x13: {  	[sflag:s12] =	ssyncadd.s32 $0xFFFFFFE0  }
0x14: {  	[tilespmem:s13], [sflag:$0x2] =	stream.linear.gather [hbm4b:s6+s3], $0x20, $0x38;
	[tilespmem:$0x6100] =	vst v63  }
0x15: {  	_ =	swait.ge [sflag:s12], $0x20  }
0x16: {  	[sflag:s12] =	ssyncset.done $0x0  }
0x17: {  	[sflag:s12] =	ssyncadd.s32 $0xFFFFFFE0  }
0x18: {  	v3 =	vld [tilespmem:$0x0];
	_ =	sdelay $0x4  }
0x19: {  	v4 =	vshrl.u32 v3, $0x3  }
0x1a: {  	v4 =	vmul.u32 $0x30, v4  }
0x1b: {  	v3 =	vand.u32 $0x7, v3  }
0x1c: {  	v3 =	vor.u32 v3, v4  }
0x1d: {  	v4 =	vperm.xlane v3, v0;
	_ =	sdelay $0x1  }
0x1e: {  	v4 =	vadd.s32 v1, v4;
	_ =	sdelay $0x3  }
0x1f: {  	v3 =	vperm.xlane v3, v2  }
0x20: {  	[tilespmem:s14], [sflag:$0x1] =	stream.indirect_vreg.gather [hbm4b:s1+s3], $0x80, v4, vm0, $0xb8;
	[tilespmem:$0x6100] =	vst v63  }
0x21: {  	v3 =	vadd.s32 v1, v3  }
0x22: {  	[tilespmem:s15], [sflag:$0x1] =	stream.indirect_vreg.gather [hbm4b:s7+s3], $0x80, v4, vm0, $0xb8;
	[tilespmem:$0x6100] =	vst v63  }
0x23: {  	_ = 	snop  }
0x24: {  	[tilespmem:s16], [sflag:$0x1] =	stream.indirect_vreg.gather [hbm4b:s8+s3], $0x80, v4, vm0, $0xb8;
	[tilespmem:$0x6100] =	vst v63  }
0x25: {  	_ = 	snop  }
0x26: {  	[tilespmem:s17], [sflag:$0x1] =	stream.indirect_vreg.gather [hbm4b:s1+s3], $0x80, v3, vm0, $0xb8;
	[tilespmem:$0x6100] =	vst v63  }
0x27: {  	_ = 	snop  }
0x28: {  	[tilespmem:s18], [sflag:$0x1] =	stream.indirect_vreg.gather [hbm4b:s7+s3], $0x80, v3, vm0, $0xb8;
	[tilespmem:$0x6100] =	vst v63  }
0x29: {  	_ = 	snop  }
0x2a: {  	[tilespmem:s19], [sflag:$0x1] =	stream.indirect_vreg.gather [hbm4b:s8+s3], $0x80, v3, vm0, $0xb8;
	[tilespmem:$0x6100] =	vst v63  }
0x2b: {  	v3 =	vld [tilespmem:$0x10];
	_ =	sdelay $0x4  }
0x2c: {  	v61 =	vshrl.u32 v3, $0x3  }
0x2d: {  	v4 =	vmul.u32 $0x30, v61  }
0x2e: {  	v3 =	vand.u32 $0x7, v3  }
0x2f: {  	v3 =	vor.u32 v3, v4  }
0x30: {  	v4 =	vperm.xlane v3, v0;
	_ =	sdelay $0x1  }
0x31: {  	v4 =	vadd.s32 v1, v4;
	_ =	sdelay $0x3  }
0x32: {  	v3 =	vperm.xlane v3, v2  }
0x33: {  	[tilespmem:s20], [sflag:$0x1] =	stream.indirect_vreg.gather [hbm4b:s1+s3], $0x80, v4, vm0, $0xb8;
	[tilespmem:$0x6100] =	vst v63  }
0x34: {  	v3 =	vadd.s32 v1, v3  }
0x35: {  	[tilespmem:s21], [sflag:$0x1] =	stream.indirect_vreg.gather [hbm4b:s7+s3], $0x80, v4, vm0, $0xb8;
	[tilespmem:$0x6100] =	vst v63  }
0x36: {  	_ = 	snop  }
0x37: {  	[tilespmem:s22], [sflag:$0x1] =	stream.indirect_vreg.gather [hbm4b:s8+s3], $0x80, v4, vm0, $0xb8;
	[tilespmem:$0x6100] =	vst v63  }
0x38: {  	_ = 	snop  }
0x39: {  	[tilespmem:s23], [sflag:$0x1] =	stream.indirect_vreg.gather [hbm4b:s1+s3], $0x80, v3, vm0, $0xb8;
	[tilespmem:$0x6100] =	vst v63  }
0x3a: {  	_ = 	snop  }
0x3b: {  	[tilespmem:s24], [sflag:$0x1] =	stream.indirect_vreg.gather [hbm4b:s7+s3], $0x80, v3, vm0, $0xb8;
	[tilespmem:$0x6100] =	vst v63  }
0x3c: {  	_ = 	snop  }
0x3d: {  	[tilespmem:s25], [sflag:$0x1] =	stream.indirect_vreg.gather [hbm4b:s8+s3], $0x80, v3, vm0, $0xb8;
	[tilespmem:$0x6100] =	vst v63  }
0x3e: {  	_ =	swait.ge [sflag:s26], $0x6000  }
0x3f: {  	[sflag:s26] =	ssyncset.done $0x0  }
0x40: {  	[sflag:s26] =	ssyncadd.s32 $0xFFFFA000  }
0x41: {  	v3 =	vld [tilespmem:$0x80];
	_ =	sdelay $0x4  }
0x42: {  	v62 =	vshrl.u32 v3, $0x3  }
0x43: {  	v4 =	vmul.u32 $0x30, v62  }
0x44: {  	v3 =	vand.u32 $0x7, v3  }
0x45: {  	v3 =	vor.u32 v3, v4  }
0x46: {  	v4 =	vperm.xlane v3, v0;
	_ =	sdelay $0x1  }
0x47: {  	v4 =	vadd.s32 v1, v4;
	_ =	sdelay $0x3  }
0x48: {  	v3 =	vperm.xlane v3, v2  }
0x49: {  	[hbm4b:s4+s3] =	stream.indirect_vreg.scatter [tilespmem:s14], [sflag:$0x1], $0x80, v4, vm0, $0xb8;
	[tilespmem:$0x6100] =	vst v63  }
0x4a: {  	v3 =	vadd.s32 v1, v3  }
0x4b: {  	[hbm4b:s9+s3] =	stream.indirect_vreg.scatter [tilespmem:s15], [sflag:$0x1], $0x80, v4, vm0, $0xb8;
	[tilespmem:$0x6100] =	vst v63  }
0x4c: {  	_ = 	snop  }
0x4d: {  	[hbm4b:s10+s3] =	stream.indirect_vreg.scatter [tilespmem:s16], [sflag:$0x1], $0x80, v4, vm0, $0xb8;
	[tilespmem:$0x6100] =	vst v63  }
0x4e: {  	_ = 	snop  }
0x4f: {  	[hbm4b:s4+s3] =	stream.indirect_vreg.scatter [tilespmem:s17], [sflag:$0x1], $0x80, v3, vm0, $0xb8;
	[tilespmem:$0x6100] =	vst v63  }
0x50: {  	_ = 	snop  }
0x51: {  	[hbm4b:s9+s3] =	stream.indirect_vreg.scatter [tilespmem:s18], [sflag:$0x1], $0x80, v3, vm0, $0xb8;
	[tilespmem:$0x6100] =	vst v63  }
0x52: {  	_ = 	snop  }
0x53: {  	[hbm4b:s10+s3] =	stream.indirect_vreg.scatter [tilespmem:s19], [sflag:$0x1], $0x80, v3, vm0, $0xb8;
	[tilespmem:$0x6100] =	vst v63  }
0x54: {  	v3 =	vld [tilespmem:$0x90];
	_ =	sdelay $0x4  }
0x55: {  	v63 =	vshrl.u32 v3, $0x3  }
0x56: {  	v4 =	vmul.u32 $0x30, v63  }
0x57: {  	v3 =	vand.u32 $0x7, v3  }
0x58: {  	v3 =	vor.u32 v3, v4  }
0x59: {  	v4 =	vperm.xlane v3, v0;
	_ =	sdelay $0x1  }
0x5a: {  	v4 =	vadd.s32 v1, v4;
	_ =	sdelay $0x3  }
0x5b: {  	v3 =	vperm.xlane v3, v2  }
0x5c: {  	[hbm4b:s4+s3] =	stream.indirect_vreg.scatter [tilespmem:s20], [sflag:$0x1], $0x80, v4, vm0, $0xb8;
	[tilespmem:$0x6100] =	vst v63  }
0x5d: {  	v3 =	vadd.s32 v1, v3  }
0x5e: {  	[hbm4b:s9+s3] =	stream.indirect_vreg.scatter [tilespmem:s21], [sflag:$0x1], $0x80, v4, vm0, $0xb8;
	[tilespmem:$0x6100] =	vst v63  }
0x5f: {  	_ = 	snop  }
0x60: {  	[hbm4b:s10+s3] =	stream.indirect_vreg.scatter [tilespmem:s22], [sflag:$0x1], $0x80, v4, vm0, $0xb8;
	[tilespmem:$0x6100] =	vst v63  }
0x61: {  	_ = 	snop  }
0x62: {  	[hbm4b:s4+s3] =	stream.indirect_vreg.scatter [tilespmem:s23], [sflag:$0x1], $0x80, v3, vm0, $0xb8;
	[tilespmem:$0x6100] =	vst v63  }
0x63: {  	p0 =	sne.s32 s11, $0x1  }
0x64: {  	[hbm4b:s9+s3] =	stream.indirect_vreg.scatter [tilespmem:s24], [sflag:$0x1], $0x80, v3, vm0, $0xb8;
	[tilespmem:$0x6100] =	vst v63  }
.Ltmp0:
0x65: {  	_ = 	snop;
	(pc) =	sbr.rel @p0 .LBB2_1-.Ltmp0, $4  }
0x66: {  	[hbm4b:s10+s3] =	stream.indirect_vreg.scatter [tilespmem:s25], [sflag:$0x1], $0x80, v3, vm0, $0xb8;
	[tilespmem:$0x6100] =	vst v63  }
0x67: {  	_ =	swait.ge [sflag:s26], $0x6000  }
0x68: {  	[sflag:s26] =	ssyncset.done $0x0  }
0x69: {  	s11 =	sadd.s32 $0xFFFFFFFF, s11;
	[sflag:s26] =	ssyncadd.s32 $0xFFFFA000  }
0x6a: {  	_ =	sfence.sel $0x180000  }
0x6b: {  	[bflag:$0x0] =	sbarrier.arrive $0xFFFF  }
0x6c: {  	p0 =	sne.s32 s2, $0x0;
	_ =	strace $0x90000047  }
0x6d: {  	s0 =	sadd.s32 @!p0 $0x100000, s0;
	[bflag:$0x2] =	sbarrier.arrive $0xFFFF  }
0x6e: {  	[sflag:s0] =	ssyncadd.tile.s32 @!p0 $0x1;
	_ =	shalt  }
.Lfunc_end2:
_tile_overlayer_lowered:
.L_overlay_start_2:
0x6f: {  	(tag) =	ssettag $0x2  }
0x70: {  	s0 =	rddreg [dreg:$0x0];
	s2 =	stileid.u32  }
0x71: {  	s1 =	rddreg [dreg:$0x1];
	p0 =	sne.s32 s2, $0x0  }
0x72: {  	s3 =	rddreg [dreg:$0x2];
	[bflag:$0x3] =	sbarrier.arrive $0xFFFF;
	s2 =	simm.s32 @!p0 $0x1C02  }
0x73: {  	[timem:s3], [sflag:s2] =	dma.local @!p0 [hbm:s0], s1  }
0x74: {  	s0 =	simm.s32 @!p0 $0x2  }
0x75: {  	_ =	swait.ge @!p0 [sflag:s0], s1  }
0x76: {  	s1 =	ssub.s32 @!p0 $0x0, s1;
	[sflag:s0] =	ssyncset.done @!p0 $0x0  }
0x77: {  	[sflag:s0] =	ssyncadd.s32 @!p0 s1  }
0x78: {  	[bflag:$0x3] =	sbarrier.arrive $0xFFFF  }
0x79: {  	_ =	shalt  }

// kernel: kernel.9.cloned.1.call-start
scs
__scs_entry_jumppad:
0x0: {  	(pc) =	sbr.rel $0x88, $3  }
0x1: {  	(tag) =	ssettag $0x0;
	lr =	simm.s32 $0x1  }
0x2: {  	[smem:$0x3F9C] =	sst lr;
	_ =	strace $0xD0000000  }
0x3: {  	_ = 	snop  }
0x4: {  	_ = 	snop  }
0x5: {  	_ = 	snop  }
0x6: {  	_ = 	snop  }
0x7: {  	_ = 	snop  }
__scs_overlays_trampoline_lowered:
0x8: {  	[smem:$0x3FAB] =	sst s0  }
0x9: {  	[smem:$0x3FAC] =	sst s1  }
0xa: {  	[smem:$0x3FAD] =	sst s2  }
0xb: {  	[smem:$0x3FAE] =	sst s3  }
0xc: {  	[smem:$0x3FAF] =	sst s4  }
0xd: {  	[smem:$0x3FB0] =	sst s5  }
0xe: {  	[smem:$0x3FB1] =	sst s6  }
0xf: {  	[smem:$0x3FB2] =	sst s7  }
0x10: {  	[smem:$0x3FB3] =	sst s8  }
0x11: {  	[smem:$0x3FB4] =	sst s9;
	s0 =	simm.s32 @!p0 $0x0  }
0x12: {  	s1 =	sld [smem:$0x3F9A];
	s0 =	simm.s32 @p0 $0x1  }
0x13: {  	[smem:$0x3FB5] =	sst s0;
	s0 =	simm.s32 @!p1 $0x0  }
0x14: {  	s2 =	sld [smem:$0x3F99];
	s0 =	simm.s32 @p1 $0x1  }
0x15: {  	[smem:$0x3FB6] =	sst s0;
	s0 =	simm.s32 @!p2 $0x0  }
0x16: {  	s3 =	sld [smem:$0x3FDB];
	s0 =	simm.s32 @p2 $0x1  }
0x17: {  	s4 =	simm.s32 $0x1BF5;
	[smem:$0x3FB8] =	sst s0  }
0x18: {  	s0 =	sld [smem:$0x3F9B];
	_ =	swait.ge [sflag:s4], $0x0  }
0x19: {  	s7 =	sld [smem:$0x3F9C]  }
0x1a: {  	s8 =	sadd.s32 $0xFFFFE003, lr  }
0x1b: {  	s9 =	sadd.s32 $0xFFFFFEF7, lr;
	s5 =	simm.s32 $0xFFFFFFFF;
	p2 =	slt.u32 s8, $0xFFFFF086  }
0x1c: {  	p1 =	slt.u32 s9, $0xF7A;
	s5 =	simm.s32 @!p2 $0x0  }
0x1d: {  	s5 =	simm.s32 @p1 $0x1;
	p0 =	seq.s32 s7, s2  }
0x1e: {  	s7 =	smul.u32 @!p0 $0xF7A, s2;
	p2 =	seq.s32 @!p0 s5, $0x0  }
0x1f: {  	s9 =	smul.u32 $0xF7A, s1;
	s8 =	simm.s32 @!p0 $0x1BF5;
	p2 =	por !p2, p0  }
0x20: {  	[sflag:s8] =	ssyncset.s32 @!p0 $0xFFFFF086;
	s6 =	sadd.s32 @!p0 s3, s7;
	s7 =	simm.s32 @!p0 $0x108  }
0x21: {  	s3 =	sadd.s32 s3, s9;
	s6 =	sadd.s32 @!p0 $0x88, s6;
	s7 =	simm.s32 @p2 $0x1082  }
0x22: {  	[simem:s7], [sflag:s8] =	dma.local @!p0 [hbm:s6], $0xF7A  }
0x23: {  	s9 =	sor.u32 $0xD0000000, s2;
	s6 =	simm.s32 $0x108;
	_ =	swait.ge @!p0 [sflag:s8], $0x0  }
0x24: {  	s3 =	sadd.s32 $0x88, s3;
	s6 =	simm.s32 @!p1 $0x1082;
	[sflag:s4] =	ssyncset.s32 $0xFFFFF086  }
0x25: {  	[simem:s6], [sflag:s4] =	dma.local [hbm:s3], $0xF7A  }
0x26: {  	[smem:$0x3F9C] =	sst s1;
	(tag) =	ssettag s2;
	_ =	strace s9  }
0x27: {  	s1 =	sld [smem:$0x3FAC]  }
0x28: {  	s2 =	sld [smem:$0x3FAD]  }
0x29: {  	s4 =	sld [smem:$0x3FAF]  }
0x2a: {  	p0 =	seq.s32 s5, $0x0;
	s5 =	sld [smem:$0x3FB0]  }
0x2b: {  	s6 =	sld [smem:$0x3FB1]  }
0x2c: {  	s7 =	sld [smem:$0x3FB2]  }
0x2d: {  	s3 =	simm.s32 $0x108;
	s8 =	sld [smem:$0x3FB3]  }
0x2e: {  	s3 =	simm.s32 @!p0 $0x1082;
	s9 =	sld [smem:$0x3FB4]  }
0x2f: {  	lr =	sadd.s32 s0, s3;
	s0 =	sld [smem:$0x3FAB]  }
0x30: {  	s3 =	sld [smem:$0x3FAE]  }
0x31: {  	[smem:$0x3FB7] =	sst s10  }
0x32: {  	s10 =	sld [smem:$0x3FB5];
	_ =	sdelay $0x3  }
0x33: {  	p0 =	seq.s32 s10, $0x1;
	s10 =	sld [smem:$0x3FB7];
	_ =	sdelay $0x3  }
0x34: {  	[smem:$0x3FB7] =	sst s10  }
0x35: {  	s10 =	sld [smem:$0x3FB6];
	_ =	sdelay $0x3  }
0x36: {  	p1 =	seq.s32 s10, $0x1;
	s10 =	sld [smem:$0x3FB7];
	_ =	sdelay $0x3  }
0x37: {  	[smem:$0x3FB7] =	sst s10  }
0x38: {  	s10 =	sld [smem:$0x3FB8]  }
0x39: {  	_ = 	snop;
	(pc) =	sbr.ind lr, $3  }
0x3a: {  	_ = 	snop  }
0x3b: {  	_ = 	snop  }
0x3c: {  	p2 =	seq.s32 s10, $0x1;
	s10 =	sld [smem:$0x3FB7]  }
0x3d: {  	_ =	shalt  }
0x3e: {  	_ =	shalt  }
0x3f: {  	_ =	shalt  }
0x40: {  	_ =	shalt  }
0x41: {  	_ =	shalt  }
0x42: {  	_ =	shalt  }
0x43: {  	_ =	shalt  }
0x44: {  	_ =	shalt  }
0x45: {  	_ =	shalt  }
0x46: {  	_ =	shalt  }
0x47: {  	_ =	shalt  }
0x48: {  	_ =	shalt  }
0x49: {  	_ =	shalt  }
0x4a: {  	_ =	shalt  }
0x4b: {  	_ =	shalt  }
0x4c: {  	_ =	shalt  }
0x4d: {  	_ =	shalt  }
0x4e: {  	_ =	shalt  }
0x4f: {  	_ =	shalt  }
0x50: {  	_ =	shalt  }
0x51: {  	_ =	shalt  }
0x52: {  	_ =	shalt  }
0x53: {  	_ =	shalt  }
0x54: {  	_ =	shalt  }
0x55: {  	_ =	shalt  }
0x56: {  	_ =	shalt  }
0x57: {  	_ =	shalt  }
0x58: {  	_ =	shalt  }
0x59: {  	_ =	shalt  }
0x5a: {  	_ =	shalt  }
0x5b: {  	_ =	shalt  }
0x5c: {  	_ =	shalt  }
0x5d: {  	_ =	shalt  }
0x5e: {  	_ =	shalt  }
0x5f: {  	_ =	shalt  }
0x60: {  	_ =	shalt  }
0x61: {  	_ =	shalt  }
0x62: {  	_ =	shalt  }
0x63: {  	_ =	shalt  }
0x64: {  	_ =	shalt  }
0x65: {  	_ =	shalt  }
0x66: {  	_ =	shalt  }
0x67: {  	_ =	shalt  }
0x68: {  	_ =	shalt  }
0x69: {  	_ =	shalt  }
0x6a: {  	_ =	shalt  }
0x6b: {  	_ =	shalt  }
0x6c: {  	_ =	shalt  }
0x6d: {  	_ =	shalt  }
0x6e: {  	_ =	shalt  }
0x6f: {  	_ =	shalt  }
0x70: {  	_ =	shalt  }
0x71: {  	_ =	shalt  }
0x72: {  	_ =	shalt  }
0x73: {  	_ =	shalt  }
0x74: {  	_ =	shalt  }
0x75: {  	_ =	shalt  }
0x76: {  	_ =	shalt  }
0x77: {  	_ =	shalt  }
0x78: {  	_ =	shalt  }
0x79: {  	_ =	shalt  }
0x7a: {  	_ =	shalt  }
0x7b: {  	_ =	shalt  }
0x7c: {  	_ =	shalt  }
0x7d: {  	_ =	shalt  }
0x7e: {  	_ =	shalt  }
0x7f: {  	_ =	shalt  }
0x80: {  	_ =	shalt  }
0x81: {  	_ =	shalt  }
0x82: {  	_ =	shalt  }
0x83: {  	_ =	shalt  }
0x84: {  	_ =	shalt  }
0x85: {  	_ =	shalt  }
0x86: {  	_ =	shalt  }
0x87: {  	_ =	shalt  }
.Lfunc_end0:
.L_simem_size_0:
called_computation.1_lowered:
.L_overlay_start_0:
0x88: {  	s2 =	sld [smem:$0x3FD9]  }
0x89: {  	s3 =	sld [smem:$0x3FFE];
	_ =	sdelay $0x1  }
0x8a: {  	s1 =	srdreg.scid  }
0x8b: {  	s0 =	sand.u32 $0x1, s1  }
0x8c: {  	s17 =	sshll.u32 s0, $0xA;
	s2 =	sadd.s32 s3, s2  }
0x8d: {  	s2 =	sadd.s32 s2, s17  }
0x8e: {  	[smem:$0x3FC3] =	sst s2  }
0x8f: {  	_ = 	snop  }
0x90: {  	s2 =	sld [smem:$0x3FD0];
	(tm) =	ssettm $0x1  }
0x91: {  	s18 =	sld [smem:$0x3FFB];
	_ =	sdelay $0x3  }
0x92: {  	_ =	strace s18  }
0x93: {  	s3 =	sld [smem:$0x3FFC];
	_ =	sdelay $0x3  }
0x94: {  	_ =	strace s3  }
0x95: {  	s3 =	sld [smem:$0x3FFD];
	_ =	sdelay $0x3  }
0x96: {  	_ =	strace s3  }
0x97: {  	_ =	strace $0x8FFFFFFF  }
0x98: {  	s19 =	sld [smem:$0x3FDB];
	_ =	sdelay $0x1  }
0x99: {  	s4 =	simm.s32 $_scs_section_size  }
0x9a: {  	s5 =	simm.s32 $_size__tile_overlayer_lowered;
	s6 =	simm.s32 $_tile_overlayer_lowered  }
0x9b: {  	s22 =	simm.s32 $0x1BFF;
	s21 =	sshll.u32 s6, $0x1;
	s3 =	sadd.s32 s4, s19  }
0x9c: {  	s7 =	simm.s32 $0x0;
	s20 =	sshll.u32 s5, $0x1;
	s5 =	sadd.s32 s21, s3  }
0x9d: {  	[timem:s7], [sflag:s22] =	dma.local [hbm:s5], s20  }
0x9e: {  	_ =	swait.ge [sflag:s22], s20  }
0x9f: {  	s4 =	ssub.s32 $0x0, s20;
	[sflag:s22] =	ssyncset.done $0x0  }
0xa0: {  	[sflag:s22] =	ssyncadd.s32 s4;
	_ =	sdelay $0x1  }
0xa1: {  	s23 =	simm.s32 $0x1B8B  }
0xa2: {  	_ =	swait.ge [sflag:s23], $0x1  }
0xa3: {  	[sflag:s23] =	ssyncset.done $0x0  }
0xa4: {  	s25 =	simm.s32 $0x1B8E;
	s24 =	sld [smem:$0x3FFE];
	[sflag:s23] =	ssyncadd.s32 $0xFFFFFFFF  }
0xa5: {  	s26 =	simm.s32 $execute0_lowered;
	[smem:$0x3FD2] =	sst s25  }
0xa6: {  	s5 =	sshll.u32 s26, $0x1;
	_ =	strace $0x80000049;
	[dreg:$0x1] =	wrdreg $0xFFFFFFFF  }
0xa7: {  	s28 =	simm.s32 $_size_execute0_lowered;
	s3 =	sadd.s32 s3, s5;
	[dreg:$0x0] =	wrdreg $0x0  }
0xa8: {  	s5 =	sshll.u32 s28, $0x1;
	[dreg:$0x2] =	wrdreg s3  }
0xa9: {  	[dreg:$0x3] =	wrdreg s5  }
0xaa: {  	[dreg:$0x4] =	wrdreg $0xC0  }
0xab: {  	_ =	task [dreg:s7], $0x5FFFF  }
0xac: {  	[dreg:$0x1] =	wrdreg $0xFFFFFFFF  }
0xad: {  	[dreg:$0x0] =	wrdreg $0x60  }
0xae: {  	[dreg:$0x2] =	wrdreg s24  }
0xaf: {  	[dreg:$0x3] =	wrdreg s2  }
0xb0: {  	[dreg:$0x4] =	wrdreg $0x9  }
0xb1: {  	_ =	task.clear_ibuf [dreg:s7], $0x5FFFF;
	_ =	strace $0x90000049  }
0xb2: {  	s29 =	simm.s32 $0x9;
	_ =	strace $0x8000004B  }
0xb3: {  	_ =	swait.ge [sflag:s29], $0x1  }
0xb4: {  	[sflag:s29] =	ssyncadd.s32 $0xFFFFFFFF  }
0xb5: {  	_ =	strace $0x9000004B  }
0xb6: {  	_ =	sfence  }
0xb7: {  	s30 =	sld [smem:$0x0];
	_ =	sdelay $0x2  }
0xb8: {  	s31 =	sshll.u32 s1, $0xD;
	s1 =	sshrl.u32 s1, $0x2  }
0xb9: {  	s3 =	sand.u32 $0x4000, s31;
	s1 =	sadd.s32 s1, s30  }
0xba: {  	s0 =	sor.u32 s3, s0;
	s1 =	sshll.u32 s1, $0x11  }
0xbb: {  	s0 =	sor.u32 s1, s0  }
0xbc: {  	s0 =	sadd.s32 $0x8F2B, s0  }
0xbd: {  	[sflag:s0] =	ssyncadd.remote.s32 $0x1  }
0xbe: {  	_ =	sfence.sel $0xFFFF  }
0xbf: {  	[dreg:$0x0] =	wrdreg $0xFFFFFFFF;
	(pc) =	sbr.abs _section_cstart, $3  }
0xc0: {  	[dreg:$0x1] =	wrdreg $0xFFFFFFFF  }
0xc1: {  	_ =	task.clear_ibuf [dreg:s7], $0x2FFFF;
	_ =	strace $0x9FFFFFFF  }
0xc2: {  	(tm) =	ssettm $0x7FFFFFFF  }
0xc3: {  	_ =	shalt  }
tec
execute0_lowered:
.L_overlay_start_1:
0x0: {  	(tag) =	ssettag $0x1  }
0x1: {  	s0 =	rddreg [dreg:$0x0]  }
0x2: {  	s1 =	rddreg [dreg:$0x1];
	s3 =	srdreg.scid  }
0x3: {  	s2 =	simm.s32 $0x0;
	s5 =	stileid.u32;
	s12 =	simm.s32 $0x2  }
0x4: {  	s14 =	simm.s32 $0x1100;
	s16 =	simm.s32 $0x2100;
	s17 =	simm.s32 $0x2900  }
0x5: {  	s18 =	simm.s32 $0x3100;
	s19 =	simm.s32 $0x3900;
	s20 =	simm.s32 $0x1  }
0x6: {  	s21 =	simm.s32 $0x4100;
	s22 =	simm.s32 $0x4900;
	s23 =	simm.s32 $0x5100  }
0x7: {  	s24 =	simm.s32 $0x5900;
	s25 =	simm.s32 $0x6100;
	s26 =	simm.s32 $0x6900  }
0x8: {  	s28 =	simm.s32 $0x0;
	s4 =	sand.u32 $0x1, s3;
	[smem:$0x7FF] =	sst s2  }
0x9: {  	s30 =	sshll.u32 s5, $0x5;
	s3 =	sadd.s32 $0x800, s0;
	s31 =	sshll.u32 s4, $0x4  }
0xa: {  	_ =	strace $0x8000004A;
	s4 =	ssub.s32 $0x2, s4;
	s5 =	sor.u32 s31, s30  }
0xb: {  	s8 =	sshrl.u32 s4, $0x1;
	s7 =	sshrl.u32 s5, $0x3;
	s5 =	sshll.u32 s5, $0x4  }
0xc: {  	s11 =	ssub.s32 s4, s8;
	s8 =	sadd.s32 $0x900, s0;
	s6 =	sadd.s32 s7, s0  }
0xd: {  	v2 =	vlaneseq.u32;
	s9 =	sadd.s32 s5, s0;
	s10 =	smul.u32 $0x300, s7;
	s11 =	smax.u32 s11, $0x1  }
0xe: {  	vm0 =	vmmov $0xffff;
	v1 =	vshrl.u32 v2, $0x3;
	s4 =	sadd.s32 $0x18C00, s6;
	s5 =	sadd.s32 $0x18A00, s6;
	s6 =	sadd.s32 $0x1AE00, s9  }
0xf: {  	v0 =	vand.u32 $0x7, v2;
	v2 =	vor.u32 $0x8, v2;
	v1 =	vmul.u32 $0x8, v1;
	s7 =	sadd.s32 $0x18E00, s9;
	s9 =	sadd.s32 $0xA00, s0;
	s10 =	sadd.s32 s1, s10  }
.LBB2_1:
0x10: {  	[tilespmem:s2], [sflag:$0x2] =	stream.linear.gather [hbm4b:s4+s2], $0x10, $0x38;
	[tilespmem:$0x7100] =	vst v63  }
0x11: {  	_ =	swait.ge [sflag:s12], $0x10  }
0x12: {  	[sflag:s12] =	ssyncset.done $0x0  }
0x13: {  	s0 =	simm.s32 $0x80;
	[sflag:s12] =	ssyncadd.s32 $0xFFFFFFF0  }
0x14: {  	[tilespmem:s0], [sflag:$0x2] =	stream.linear.gather [hbm4b:s5+s2], $0x10, $0x38;
	[tilespmem:$0x7100] =	vst v63  }
0x15: {  	_ =	swait.ge [sflag:s12], $0x10  }
0x16: {  	[sflag:s12] =	ssyncset.done $0x0  }
0x17: {  	s29 =	simm.s32 $0x100;
	[sflag:s12] =	ssyncadd.s32 $0xFFFFFFF0  }
0x18: {  	[tilespmem:s29], [sflag:$0x2] =	stream.linear.gather [hbm4b:s6+s2], $0x800, $0x38;
	[tilespmem:$0x7100] =	vst v63  }
0x19: {  	_ =	swait.ge [sflag:s12], $0x800  }
0x1a: {  	[sflag:s12] =	ssyncset.done $0x0  }
0x1b: {  	s30 =	simm.s32 $0x900;
	[sflag:s12] =	ssyncadd.s32 $0xFFFFF800  }
0x1c: {  	[tilespmem:s30], [sflag:$0x2] =	stream.linear.gather [hbm4b:s7+s2], $0x800, $0x38;
	[tilespmem:$0x7100] =	vst v63  }
0x1d: {  	_ =	swait.ge [sflag:s12], $0x800  }
0x1e: {  	[sflag:s12] =	ssyncset.done $0x0  }
0x1f: {  	[sflag:s12] =	ssyncadd.s32 $0xFFFFF800  }
0x20: {  	v3 =	vld [tilespmem:$0x0];
	_ =	sdelay $0x4  }
0x21: {  	v4 =	vshrl.u32 v3, $0x3  }
0x22: {  	v4 =	vmul.u32 $0x30, v4  }
0x23: {  	v3 =	vand.u32 $0x7, v3  }
0x24: {  	v3 =	vor.u32 v3, v4  }
0x25: {  	v4 =	vperm.xlane v3, v0;
	_ =	sdelay $0x1  }
0x26: {  	v4 =	vadd.s32 v1, v4;
	_ =	sdelay $0x3  }
0x27: {  	v3 =	vperm.xlane v3, v2  }
0x28: {  	[tilespmem:s14], [sflag:$0x1] =	stream.indirect_vreg.gather [hbm4b:s3+s2], $0x80, v4, vm0, $0xb8;
	[tilespmem:$0x7100] =	vst v63  }
0x29: {  	s1 =	simm.s32 $0x1900;
	v3 =	vadd.s32 v1, v3  }
0x2a: {  	[tilespmem:s1], [sflag:$0x1] =	stream.indirect_vreg.gather [hbm4b:s8+s2], $0x80, v4, vm0, $0xb8;
	[tilespmem:$0x7100] =	vst v63  }
0x2b: {  	_ = 	snop  }
0x2c: {  	[tilespmem:s16], [sflag:$0x1] =	stream.indirect_vreg.gather [hbm4b:s9+s2], $0x80, v4, vm0, $0xb8;
	[tilespmem:$0x7100] =	vst v63  }
0x2d: {  	_ = 	snop  }
0x2e: {  	[tilespmem:s17], [sflag:$0x1] =	stream.indirect_vreg.gather [hbm4b:s3+s2], $0x80, v3, vm0, $0xb8;
	[tilespmem:$0x7100] =	vst v63  }
0x2f: {  	_ = 	snop  }
0x30: {  	[tilespmem:s18], [sflag:$0x1] =	stream.indirect_vreg.gather [hbm4b:s8+s2], $0x80, v3, vm0, $0xb8;
	[tilespmem:$0x7100] =	vst v63  }
0x31: {  	_ = 	snop  }
0x32: {  	[tilespmem:s19], [sflag:$0x1] =	stream.indirect_vreg.gather [hbm4b:s9+s2], $0x80, v3, vm0, $0xb8;
	[tilespmem:$0x7100] =	vst v63  }
0x33: {  	_ =	swait.ge [sflag:s20], $0x3000  }
0x34: {  	[sflag:s20] =	ssyncset.done $0x0  }
0x35: {  	[sflag:s20] =	ssyncadd.s32 $0xFFFFD000  }
0x36: {  	v3 =	vld [tilespmem:$0x80];
	_ =	sdelay $0x4  }
0x37: {  	v4 =	vshrl.u32 v3, $0x3  }
0x38: {  	v4 =	vmul.u32 $0x30, v4  }
0x39: {  	v3 =	vand.u32 $0x7, v3  }
0x3a: {  	v3 =	vor.u32 v3, v4  }
0x3b: {  	v4 =	vperm.xlane v3, v0;
	_ =	sdelay $0x1  }
0x3c: {  	v4 =	vadd.s32 v1, v4;
	_ =	sdelay $0x3  }
0x3d: {  	v3 =	vperm.xlane v3, v2  }
0x3e: {  	[tilespmem:s21], [sflag:$0x1] =	stream.indirect_vreg.gather [hbm4b:s3+s2], $0x80, v4, vm0, $0xb8;
	[tilespmem:$0x7100] =	vst v63  }
0x3f: {  	v3 =	vadd.s32 v1, v3  }
0x40: {  	[tilespmem:s22], [sflag:$0x1] =	stream.indirect_vreg.gather [hbm4b:s8+s2], $0x80, v4, vm0, $0xb8;
	[tilespmem:$0x7100] =	vst v63  }
0x41: {  	_ = 	snop  }
0x42: {  	[tilespmem:s23], [sflag:$0x1] =	stream.indirect_vreg.gather [hbm4b:s9+s2], $0x80, v4, vm0, $0xb8;
	[tilespmem:$0x7100] =	vst v63  }
0x43: {  	_ = 	snop  }
0x44: {  	[tilespmem:s24], [sflag:$0x1] =	stream.indirect_vreg.gather [hbm4b:s3+s2], $0x80, v3, vm0, $0xb8;
	[tilespmem:$0x7100] =	vst v63  }
0x45: {  	_ = 	snop  }
0x46: {  	[tilespmem:s25], [sflag:$0x1] =	stream.indirect_vreg.gather [hbm4b:s8+s2], $0x80, v3, vm0, $0xb8;
	[tilespmem:$0x7100] =	vst v63  }
0x47: {  	s13 =	simm.s32 $0x0  }
0x48: {  	[tilespmem:s26], [sflag:$0x1] =	stream.indirect_vreg.gather [hbm4b:s9+s2], $0x80, v3, vm0, $0xb8;
	[tilespmem:$0x7100] =	vst v63  }
0x49: {  	s0 =	smul.u32 $0x1800, s13;
	_ =	swait.ge [sflag:s20], $0x3000  }
0x4a: {  	s1 =	sand.u32 $0x380, s2;
	[sflag:s20] =	ssyncset.done $0x0  }
0x4b: {  	s1 =	sor.u32 s1, s0;
	[sflag:s20] =	ssyncadd.s32 $0xFFFFD000  }
0x4c: {  	v4 =	vld [tilespmem:s1+$0x1110]  }
0x4d: {  	v3 =	vld [tilespmem:s1+$0x4110]  }
0x4e: {  	v6 =	vld [tilespmem:s1+$0x1120]  }
0x4f: {  	v5 =	vld [tilespmem:s1+$0x4120]  }
0x50: {  	v10 =	vld [tilespmem:s1+$0x1130]  }
0x51: {  	v9 =	vld [tilespmem:s1+$0x4130]  }
0x52: {  	v12 =	vld [tilespmem:s1+$0x1140]  }
0x53: {  	v11 =	vld [tilespmem:s1+$0x4140]  }
0x54: {  	v13 =	vld [tilespmem:s1+$0x1160]  }
0x55: {  	v14 =	vld [tilespmem:s1+$0x1170]  }
0x56: {  	v15 =	vld [tilespmem:s1+$0x1500]  }
0x57: {  	v16 =	vld [tilespmem:s1+$0x1510]  }
0x58: {  	v17 =	vld [tilespmem:s1+$0x1520]  }
0x59: {  	v18 =	vld [tilespmem:s1+$0x1530]  }
0x5a: {  	v19 =	vld [tilespmem:s1+$0x1540]  }
0x5b: {  	v20 =	vld [tilespmem:s1+$0x1550]  }
0x5c: {  	v21 =	vld [tilespmem:s1+$0x1560]  }
0x5d: {  	v22 =	vld [tilespmem:s1+$0x1570]  }
0x5e: {  	v23 =	vld [tilespmem:s1+$0x1900]  }
0x5f: {  	v24 =	vld [tilespmem:s1+$0x1910]  }
0x60: {  	v25 =	vld [tilespmem:s1+$0x1920]  }
0x61: {  	v26 =	vld [tilespmem:s1+$0x1930]  }
0x62: {  	v27 =	vld [tilespmem:s1+$0x1940]  }
0x63: {  	v28 =	vld [tilespmem:s1+$0x1950]  }
0x64: {  	v29 =	vld [tilespmem:s1+$0x1960]  }
0x65: {  	v30 =	vld [tilespmem:s1+$0x1970]  }
0x66: {  	v31 =	vld [tilespmem:s1+$0x1D00]  }
0x67: {  	v32 =	vld [tilespmem:s1+$0x1D10]  }
0x68: {  	v33 =	vld [tilespmem:s1+$0x1D20]  }
0x69: {  	v34 =	vld [tilespmem:s1+$0x1D30]  }
0x6a: {  	v35 =	vld [tilespmem:s1+$0x1D40]  }
0x6b: {  	v36 =	vld [tilespmem:s1+$0x1D50]  }
0x6c: {  	v37 =	vld [tilespmem:s1+$0x1D60]  }
0x6d: {  	v38 =	vld [tilespmem:s1+$0x1D70]  }
0x6e: {  	v39 =	vld [tilespmem:s1+$0x2100]  }
0x6f: {  	v40 =	vld [tilespmem:s1+$0x2110]  }
0x70: {  	v41 =	vld [tilespmem:s1+$0x2120]  }
0x71: {  	v42 =	vld [tilespmem:s1+$0x2130]  }
0x72: {  	v43 =	vld [tilespmem:s1+$0x2140]  }
0x73: {  	v44 =	vld [tilespmem:s1+$0x2150]  }
0x74: {  	v45 =	vld [tilespmem:s1+$0x2160]  }
0x75: {  	v46 =	vld [tilespmem:s1+$0x2500]  }
0x76: {  	v47 =	vld [tilespmem:s1+$0x2510]  }
0x77: {  	v48 =	vld [tilespmem:s1+$0x5510]  }
0x78: {  	v49 =	vld [tilespmem:s1+$0x5530]  }
0x79: {  	v50 =	vld [tilespmem:s1+$0x2530]  }
0x7a: {  	v51 =	vld [tilespmem:s1+$0x2520]  }
0x7b: {  	v7 =	vld [tilespmem:s29+$0x0]  }
0x7c: {  	v8 =	vld [tilespmem:s30+$0x0]  }
0x7d: {  	v52 =	vld [tilespmem:s1+$0x5520]  }
0x7e: {  	v53 =	vld [tilespmem:s1+$0x5500]  }
0x7f: {  	v54 =	vld [tilespmem:s1+$0x2170]  }
0x80: {  	v55 =	vld [tilespmem:s1+$0x5170];
	v50 =	vmul.f32 v50, v7  }
0x81: {  	v56 =	vld [tilespmem:s1+$0x5160];
	v49 =	vmul.f32 v49, v8;
	v51 =	vmul.f32 v51, v7  }
0x82: {  	v57 =	vld [tilespmem:s1+$0x5150];
	v52 =	vmul.f32 v52, v8;
	v47 =	vmul.f32 v47, v7  }
0x83: {  	v61 =	vld [tilespmem:s1+$0x5100];
	v48 =	vmul.f32 v48, v8;
	v46 =	vmul.f32 v46, v7  }
0x84: {  	v58 =	vld [tilespmem:s1+$0x5140];
	v62 =	vmul.f32 v53, v8;
	v63 =	vmul.f32 v54, v7;
	v49 =	vadd.f32 v49, v50  }
0x85: {  	v53 =	vld [tilespmem:s1+$0x5130];
	v59 =	vmul.f32 v55, v8;
	v45 =	vmul.f32 v45, v7;
	v51 =	vadd.f32 v52, v51  }
0x86: {  	v60 =	vmul.f32 v56, v8;
	v44 =	vmul.f32 v44, v7;
	v56 =	vld [tilespmem:s1+$0x4D60];
	v47 =	vadd.f32 v48, v47;
	[tilespmem:s1+$0x2530] =	vst v49  }
0x87: {  	v43 =	vmul.f32 v43, v7;
	v39 =	vmul.f32 v39, v7;
	v55 =	vld [tilespmem:s1+$0x4970];
	v46 =	vadd.f32 v62, v46;
	[tilespmem:s1+$0x2520] =	vst v51  }
0x88: {  	v61 =	vmul.f32 v61, v8;
	v12 =	vmul.f32 v12, v7;
	v48 =	vld [tilespmem:s1+$0x5120];
	v52 =	vadd.f32 v59, v63;
	[tilespmem:s1+$0x2510] =	vst v47  }
0x89: {  	v11 =	vmul.f32 v11, v8;
	v63 =	vmul.f32 v58, v8;
	v45 =	vadd.f32 v60, v45;
	v58 =	vld [tilespmem:s1+$0x4D50];
	[tilespmem:s1+$0x2500] =	vst v46  }
0x8a: {  	v42 =	vmul.f32 v42, v7;
	v62 =	vmul.f32 v57, v8;
	v59 =	vld [tilespmem:s1+$0x4D40];
	v39 =	vadd.f32 v61, v39;
	[tilespmem:s1+$0x2170] =	vst v52  }
0x8b: {  	v41 =	vmul.f32 v41, v7;
	v40 =	vmul.f32 v40, v7;
	v60 =	vld [tilespmem:s1+$0x4D30];
	v11 =	vadd.f32 v11, v12;
	[tilespmem:s1+$0x2160] =	vst v45  }
0x8c: {  	v38 =	vmul.f32 v38, v7;
	v61 =	vld [tilespmem:s1+$0x4910];
	v44 =	vadd.f32 v62, v44;
	[tilespmem:s1+$0x2100] =	vst v39;
	v57 =	vmul.f32 v53, v8  }
0x8d: {  	v37 =	vmul.f32 v37, v7;
	v49 =	vld [tilespmem:s1+$0x5110];
	v43 =	vadd.f32 v63, v43;
	[tilespmem:s1+$0x1140] =	vst v11;
	v46 =	vmul.f32 v56, v8  }
0x8e: {  	v36 =	vmul.f32 v36, v7;
	v47 =	vld [tilespmem:s1+$0x4D70];
	[tilespmem:s1+$0x2150] =	vst v44;
	v48 =	vmul.f32 v48, v8;
	v42 =	vadd.f32 v57, v42  }
0x8f: {  	v35 =	vmul.f32 v35, v7;
	v62 =	vld [tilespmem:s1+$0x4D20];
	[tilespmem:s1+$0x2140] =	vst v43;
	v54 =	vmul.f32 v58, v8;
	v37 =	vadd.f32 v46, v37  }
0x90: {  	v34 =	vmul.f32 v34, v7;
	v63 =	vld [tilespmem:s1+$0x4D10];
	v45 =	vmul.f32 v59, v8;
	v41 =	vadd.f32 v48, v41;
	[tilespmem:s1+$0x2130] =	vst v42  }
0x91: {  	v33 =	vmul.f32 v33, v7;
	v56 =	vld [tilespmem:s1+$0x4960];
	v44 =	vmul.f32 v60, v8;
	v36 =	vadd.f32 v54, v36;
	[tilespmem:s1+$0x1D60] =	vst v37  }
0x92: {  	v32 =	vmul.f32 v32, v7;
	v53 =	vld [tilespmem:s1+$0x4D00];
	v49 =	vmul.f32 v49, v8;
	v35 =	vadd.f32 v45, v35;
	[tilespmem:s1+$0x2120] =	vst v41  }
0x93: {  	v6 =	vmul.f32 v6, v7;
	v12 =	vld [tilespmem:s1+$0x2560];
	v47 =	vmul.f32 v47, v8;
	v34 =	vadd.f32 v44, v34;
	[tilespmem:s1+$0x1D50] =	vst v36  }
0x94: {  	v5 =	vmul.f32 v5, v8;
	v58 =	vld [tilespmem:s1+$0x4940];
	v43 =	vmul.f32 v62, v8;
	v40 =	vadd.f32 v49, v40;
	[tilespmem:s1+$0x1D40] =	vst v35  }
0x95: {  	v29 =	vmul.f32 v29, v7;
	v59 =	vld [tilespmem:s1+$0x4930];
	v42 =	vmul.f32 v63, v8;
	v38 =	vadd.f32 v47, v38;
	[tilespmem:s1+$0x1D30] =	vst v34  }
0x96: {  	v5 =	vadd.f32 v5, v6;
	v6 =	vld [tilespmem:s1+$0x1100];
	v39 =	vmul.f32 v56, v8;
	v33 =	vadd.f32 v43, v33;
	[tilespmem:s1+$0x2110] =	vst v40  }
0x97: {  	v31 =	vmul.f32 v31, v7;
	v60 =	vld [tilespmem:s1+$0x4920];
	v41 =	vmul.f32 v53, v8;
	v32 =	vadd.f32 v42, v32;
	[tilespmem:s1+$0x1D70] =	vst v38  }
0x98: {  	v24 =	vmul.f32 v24, v7;
	v57 =	vld [tilespmem:s1+$0x4950];
	v34 =	vmul.f32 v61, v8;
	v29 =	vadd.f32 v39, v29;
	[tilespmem:s1+$0x1D20] =	vst v33  }
0x99: {  	v27 =	vmul.f32 v27, v7;
	v62 =	vld [tilespmem:s1+$0x4900];
	v37 =	vmul.f32 v58, v8;
	v31 =	vadd.f32 v41, v31;
	[tilespmem:s1+$0x1D10] =	vst v32  }
0x9a: {  	v26 =	vmul.f32 v26, v7;
	v63 =	vld [tilespmem:s1+$0x4570];
	v36 =	vmul.f32 v59, v8;
	v24 =	vadd.f32 v34, v24;
	[tilespmem:s1+$0x1960] =	vst v29  }
0x9b: {  	v30 =	vmul.f32 v30, v7;
	v40 =	vmul.f32 v55, v8;
	v27 =	vadd.f32 v37, v27;
	v29 =	vld [tilespmem:s1+$0x4540];
	[tilespmem:s1+$0x1D00] =	vst v31  }
0x9c: {  	v25 =	vmul.f32 v25, v7;
	v35 =	vmul.f32 v60, v8;
	v26 =	vadd.f32 v36, v26;
	v31 =	vld [tilespmem:s1+$0x4560];
	[tilespmem:s1+$0x1910] =	vst v24  }
0x9d: {  	v28 =	vmul.f32 v28, v7;
	v38 =	vmul.f32 v57, v8;
	v30 =	vadd.f32 v40, v30;
	v24 =	vld [tilespmem:s1+$0x4170];
	[tilespmem:s1+$0x1940] =	vst v27  }
0x9e: {  	v23 =	vmul.f32 v23, v7;
	v33 =	vmul.f32 v62, v8;
	v25 =	vadd.f32 v35, v25;
	v27 =	vld [tilespmem:s1+$0x4520];
	[tilespmem:s1+$0x1930] =	vst v26  }
0x9f: {  	v22 =	vmul.f32 v22, v7;
	v32 =	vmul.f32 v63, v8;
	v28 =	vadd.f32 v38, v28;
	[tilespmem:s1+$0x1970] =	vst v30;
	v30 =	vld [tilespmem:s1+$0x4550]  }
0xa0: {  	v19 =	vmul.f32 v19, v7;
	v23 =	vadd.f32 v33, v23;
	[tilespmem:s1+$0x1920] =	vst v25;
	v25 =	vld [tilespmem:s1+$0x4500];
	v29 =	vmul.f32 v29, v8  }
0xa1: {  	v21 =	vmul.f32 v21, v7;
	v22 =	vadd.f32 v32, v22;
	[tilespmem:s1+$0x1950] =	vst v28;
	v28 =	vld [tilespmem:s1+$0x4530];
	v31 =	vmul.f32 v31, v8  }
0xa2: {  	v14 =	vmul.f32 v14, v7;
	[tilespmem:s1+$0x1900] =	vst v23;
	v23 =	vld [tilespmem:s1+$0x4160];
	v24 =	vmul.f32 v24, v8;
	v19 =	vadd.f32 v29, v19  }
0xa3: {  	v17 =	vmul.f32 v17, v7;
	v26 =	vld [tilespmem:s1+$0x4510];
	[tilespmem:s1+$0x1570] =	vst v22;
	v27 =	vmul.f32 v27, v8;
	v21 =	vadd.f32 v31, v21  }
0xa4: {  	v20 =	vmul.f32 v20, v7;
	v22 =	vld [tilespmem:s1+$0x1150];
	v30 =	vmul.f32 v30, v8;
	v14 =	vadd.f32 v24, v14;
	[tilespmem:s1+$0x1540] =	vst v19  }
0xa5: {  	v15 =	vmul.f32 v15, v7;
	v25 =	vmul.f32 v25, v8;
	v17 =	vadd.f32 v27, v17;
	v19 =	vld [tilespmem:s1+$0x5550];
	[tilespmem:s1+$0x1560] =	vst v21  }
0xa6: {  	v18 =	vmul.f32 v18, v7;
	v28 =	vmul.f32 v28, v8;
	v20 =	vadd.f32 v30, v20;
	v21 =	vld [tilespmem:s1+$0x4150];
	[tilespmem:s1+$0x1170] =	vst v14  }
0xa7: {  	v13 =	vmul.f32 v13, v7;
	v23 =	vmul.f32 v23, v8;
	v15 =	vadd.f32 v25, v15;
	[tilespmem:s1+$0x1520] =	vst v17;
	v17 =	vld [tilespmem:s1+$0x2540]  }
0xa8: {  	v16 =	vmul.f32 v16, v7;
	v26 =	vmul.f32 v26, v8;
	v18 =	vadd.f32 v28, v18;
	[tilespmem:s1+$0x1550] =	vst v20;
	v20 =	vld [tilespmem:s1+$0x5540]  }
0xa9: {  	v10 =	vmul.f32 v10, v7;
	v9 =	vmul.f32 v9, v8;
	v13 =	vadd.f32 v23, v13;
	[tilespmem:s1+$0x1500] =	vst v15;
	v15 =	vld [tilespmem:s1+$0x2550]  }
0xaa: {  	v4 =	vmul.f32 v4, v7;
	v3 =	vmul.f32 v3, v8;
	v16 =	vadd.f32 v26, v16;
	[tilespmem:s1+$0x1530] =	vst v18;
	v18 =	vld [tilespmem:s1+$0x5560]  }
0xab: {  	v9 =	vadd.f32 v9, v10;
	v10 =	vmul.f32 v22, v7;
	v14 =	vld [tilespmem:s1+$0x2570];
	[tilespmem:s1+$0x1160] =	vst v13;
	v13 =	vmul.f32 v21, v8  }
0xac: {  	v3 =	vadd.f32 v3, v4;
	[tilespmem:s1+$0x1510] =	vst v16;
	v16 =	vld [tilespmem:s1+$0x5570]  }
0xad: {  	s15 =	simm.s32 $0x0;
	[tilespmem:s1+$0x1130] =	vst v9;
	v9 =	vld [tilespmem:s1+$0x4100];
	v11 =	vmul.f32 v17, v7;
	v17 =	vmul.f32 v20, v8;
	v4 =	vadd.f32 v13, v10  }
0xae: {  	s31 =	smul.u32 $0x1800, s15;
	s0 =	simm.s32 $0x80;
	[tilespmem:s1+$0x1120] =	vst v5;
	v5 =	vmul.f32 v15, v7;
	v10 =	vmul.f32 v19, v8  }
0xaf: {  	s13 =	sand.u32 $0x380, s0;
	v11 =	vadd.f32 v17, v11;
	[tilespmem:s1+$0x1150] =	vst v4;
	v4 =	vmul.f32 v12, v7;
	v12 =	vmul.f32 v18, v8  }
0xb0: {  	s31 =	sor.u32 s13, s31;
	[tilespmem:s1+$0x1110] =	vst v3;
	v5 =	vadd.f32 v10, v5  }
0xb1: {  	v3 =	vld [tilespmem:s31+$0x1110];
	v10 =	vmul.f32 v14, v7;
	[tilespmem:s1+$0x2540] =	vst v11;
	v11 =	vmul.f32 v16, v8;
	v12 =	vadd.f32 v12, v4  }
0xb2: {  	v7 =	vmul.f32 v6, v7;
	v8 =	vmul.f32 v9, v8;
	v4 =	vld [tilespmem:s31+$0x4110];
	[tilespmem:s1+$0x2550] =	vst v5  }
0xb3: {  	v9 =	vadd.f32 v11, v10;
	v6 =	vld [tilespmem:s31+$0x1120];
	[tilespmem:s1+$0x2560] =	vst v12  }
0xb4: {  	v7 =	vadd.f32 v8, v7;
	v5 =	vld [tilespmem:s31+$0x4120]  }
0xb5: {  	v8 =	vld [tilespmem:s31+$0x1130];
	[tilespmem:s1+$0x2570] =	vst v9  }
0xb6: {  	v18 =	vld [tilespmem:s31+$0x1530];
	[tilespmem:s1+$0x1100] =	vst v7  }
0xb7: {  	v7 =	vld [tilespmem:s31+$0x4130]  }
0xb8: {  	v10 =	vld [tilespmem:s31+$0x1140]  }
0xb9: {  	v9 =	vld [tilespmem:s31+$0x4140]  }
0xba: {  	v12 =	vld [tilespmem:s31+$0x1150]  }
0xbb: {  	v11 =	vld [tilespmem:s31+$0x4150]  }
0xbc: {  	v13 =	vld [tilespmem:s31+$0x1160]  }
0xbd: {  	v14 =	vld [tilespmem:s31+$0x1170]  }
0xbe: {  	v15 =	vld [tilespmem:s31+$0x1500]  }
0xbf: {  	v16 =	vld [tilespmem:s31+$0x1510]  }
0xc0: {  	v17 =	vld [tilespmem:s31+$0x1520]  }
0xc1: {  	v19 =	vld [tilespmem:s31+$0x1540]  }
0xc2: {  	v20 =	vld [tilespmem:s31+$0x1550]  }
0xc3: {  	v21 =	vld [tilespmem:s31+$0x1560]  }
0xc4: {  	v22 =	vld [tilespmem:s31+$0x1570]  }
0xc5: {  	v23 =	vld [tilespmem:s31+$0x1900]  }
0xc6: {  	v24 =	vld [tilespmem:s31+$0x1910]  }
0xc7: {  	v25 =	vld [tilespmem:s31+$0x1920]  }
0xc8: {  	v26 =	vld [tilespmem:s31+$0x1930]  }
0xc9: {  	v27 =	vld [tilespmem:s31+$0x1940]  }
0xca: {  	v28 =	vld [tilespmem:s31+$0x1950]  }
0xcb: {  	v29 =	vld [tilespmem:s31+$0x1960]  }
0xcc: {  	v30 =	vld [tilespmem:s31+$0x1970]  }
0xcd: {  	v31 =	vld [tilespmem:s31+$0x1D00]  }
0xce: {  	v34 =	vld [tilespmem:s31+$0x1D10]  }
0xcf: {  	v35 =	vld [tilespmem:s31+$0x1D20]  }
0xd0: {  	v36 =	vld [tilespmem:s31+$0x1D30]  }
0xd1: {  	v37 =	vld [tilespmem:s31+$0x1D40]  }
0xd2: {  	v38 =	vld [tilespmem:s31+$0x1D50]  }
0xd3: {  	v39 =	vld [tilespmem:s31+$0x1D60]  }
0xd4: {  	v40 =	vld [tilespmem:s31+$0x1D70]  }
0xd5: {  	v41 =	vld [tilespmem:s31+$0x2100]  }
0xd6: {  	v42 =	vld [tilespmem:s31+$0x2110]  }
0xd7: {  	v43 =	vld [tilespmem:s31+$0x2120]  }
0xd8: {  	v44 =	vld [tilespmem:s31+$0x2130]  }
0xd9: {  	v45 =	vld [tilespmem:s31+$0x2140]  }
0xda: {  	v46 =	vld [tilespmem:s31+$0x2150]  }
0xdb: {  	v47 =	vld [tilespmem:s31+$0x2160]  }
0xdc: {  	v48 =	vld [tilespmem:s31+$0x2500]  }
0xdd: {  	v50 =	vld [tilespmem:s31+$0x2510]  }
0xde: {  	v49 =	vld [tilespmem:s31+$0x5510]  }
0xdf: {  	s1 =	simm.s32 $0x2;
	v51 =	vld [tilespmem:s31+$0x5530]  }
.LBB2_2:
0xe0: {  	p0 =	sne.s32 s1, $0xF;
	v52 =	vld [tilespmem:s31+$0x2530]  }
0xe1: {  	s29 =	sadd.s32 $0x80, s29;
	v53 =	vld [tilespmem:s31+$0x2520]  }
0xe2: {  	s30 =	sadd.s32 $0x80, s30;
	v33 =	vld [tilespmem:s29+$0x0]  }
0xe3: {  	v32 =	vld [tilespmem:s30+$0x0]  }
0xe4: {  	v54 =	vld [tilespmem:s31+$0x5520]  }
0xe5: {  	v55 =	vld [tilespmem:s31+$0x5500]  }
0xe6: {  	v56 =	vld [tilespmem:s31+$0x2170]  }
0xe7: {  	v57 =	vld [tilespmem:s31+$0x5170];
	v50 =	vmul.f32 v50, v33;
	v53 =	vmul.f32 v53, v33  }
0xe8: {  	v52 =	vmul.f32 v52, v33;
	v58 =	vld [tilespmem:s31+$0x5160];
	v51 =	vmul.f32 v51, v32  }
0xe9: {  	v49 =	vmul.f32 v49, v32;
	v59 =	vld [tilespmem:s31+$0x5150];
	v54 =	vmul.f32 v54, v32  }
0xea: {  	v48 =	vmul.f32 v48, v33;
	v60 =	vld [tilespmem:s31+$0x5140];
	v55 =	vmul.f32 v55, v32;
	v51 =	vadd.f32 v51, v52  }
0xeb: {  	v49 =	vadd.f32 v49, v50;
	v52 =	vld [tilespmem:s31+$0x5130];
	v56 =	vmul.f32 v56, v33;
	v50 =	vadd.f32 v54, v53  }
0xec: {  	v47 =	vmul.f32 v47, v33;
	v53 =	vld [tilespmem:s31+$0x5120];
	v54 =	vmul.f32 v57, v32;
	v48 =	vadd.f32 v55, v48;
	[tilespmem:s31+$0x2530] =	vst v51  }
0xed: {  	v46 =	vmul.f32 v46, v33;
	v51 =	vld [tilespmem:s31+$0x5110];
	v55 =	vmul.f32 v58, v32;
	[tilespmem:s31+$0x2520] =	vst v50  }
0xee: {  	v45 =	vmul.f32 v45, v33;
	v50 =	vld [tilespmem:s31+$0x5100];
	v57 =	vmul.f32 v59, v32;
	v54 =	vadd.f32 v54, v56;
	[tilespmem:s31+$0x2510] =	vst v49  }
0xef: {  	v44 =	vmul.f32 v44, v33;
	v49 =	vld [tilespmem:s31+$0x4D70];
	v56 =	vmul.f32 v60, v32;
	v47 =	vadd.f32 v55, v47;
	[tilespmem:s31+$0x2500] =	vst v48  }
0xf0: {  	v43 =	vmul.f32 v43, v33;
	v48 =	vld [tilespmem:s31+$0x4D60];
	v52 =	vmul.f32 v52, v32;
	v46 =	vadd.f32 v57, v46;
	[tilespmem:s31+$0x2170] =	vst v54  }
0xf1: {  	v42 =	vmul.f32 v42, v33;
	v54 =	vld [tilespmem:s31+$0x4D50];
	v53 =	vmul.f32 v53, v32;
	v45 =	vadd.f32 v56, v45;
	[tilespmem:s31+$0x2160] =	vst v47  }
0xf2: {  	v41 =	vmul.f32 v41, v33;
	v47 =	vld [tilespmem:s31+$0x4D40];
	v51 =	vmul.f32 v51, v32;
	v44 =	vadd.f32 v52, v44;
	[tilespmem:s31+$0x2150] =	vst v46  }
0xf3: {  	v40 =	vmul.f32 v40, v33;
	v46 =	vld [tilespmem:s31+$0x4D30];
	v50 =	vmul.f32 v50, v32;
	v43 =	vadd.f32 v53, v43;
	[tilespmem:s31+$0x2140] =	vst v45  }
0xf4: {  	v39 =	vmul.f32 v39, v33;
	v45 =	vld [tilespmem:s31+$0x4D20];
	v49 =	vmul.f32 v49, v32;
	v42 =	vadd.f32 v51, v42;
	[tilespmem:s31+$0x2130] =	vst v44  }
0xf5: {  	v38 =	vmul.f32 v38, v33;
	v44 =	vld [tilespmem:s31+$0x4D10];
	v48 =	vmul.f32 v48, v32;
	v41 =	vadd.f32 v50, v41;
	[tilespmem:s31+$0x2120] =	vst v43  }
0xf6: {  	v37 =	vmul.f32 v37, v33;
	v43 =	vld [tilespmem:s31+$0x4D00];
	v50 =	vmul.f32 v54, v32;
	v40 =	vadd.f32 v49, v40;
	[tilespmem:s31+$0x2110] =	vst v42  }
0xf7: {  	v36 =	vmul.f32 v36, v33;
	v42 =	vld [tilespmem:s31+$0x4970];
	v47 =	vmul.f32 v47, v32;
	v39 =	vadd.f32 v48, v39;
	[tilespmem:s31+$0x2100] =	vst v41  }
0xf8: {  	v35 =	vmul.f32 v35, v33;
	v41 =	vld [tilespmem:s31+$0x4960];
	v46 =	vmul.f32 v46, v32;
	v38 =	vadd.f32 v50, v38;
	[tilespmem:s31+$0x1D70] =	vst v40  }
0xf9: {  	v34 =	vmul.f32 v34, v33;
	v40 =	vld [tilespmem:s31+$0x4950];
	v45 =	vmul.f32 v45, v32;
	v37 =	vadd.f32 v47, v37;
	[tilespmem:s31+$0x1D60] =	vst v39  }
0xfa: {  	v31 =	vmul.f32 v31, v33;
	v39 =	vld [tilespmem:s31+$0x4940];
	v44 =	vmul.f32 v44, v32;
	v36 =	vadd.f32 v46, v36;
	[tilespmem:s31+$0x1D50] =	vst v38  }
0xfb: {  	v30 =	vmul.f32 v30, v33;
	v38 =	vld [tilespmem:s31+$0x4930];
	v43 =	vmul.f32 v43, v32;
	v35 =	vadd.f32 v45, v35;
	[tilespmem:s31+$0x1D40] =	vst v37  }
0xfc: {  	v29 =	vmul.f32 v29, v33;
	v37 =	vld [tilespmem:s31+$0x4920];
	v42 =	vmul.f32 v42, v32;
	v34 =	vadd.f32 v44, v34;
	[tilespmem:s31+$0x1D30] =	vst v36  }
0xfd: {  	v28 =	vmul.f32 v28, v33;
	v36 =	vld [tilespmem:s31+$0x4910];
	v41 =	vmul.f32 v41, v32;
	v31 =	vadd.f32 v43, v31;
	[tilespmem:s31+$0x1D20] =	vst v35  }
0xfe: {  	v27 =	vmul.f32 v27, v33;
	v35 =	vld [tilespmem:s31+$0x4900];
	v40 =	vmul.f32 v40, v32;
	v30 =	vadd.f32 v42, v30;
	[tilespmem:s31+$0x1D10] =	vst v34  }
0xff: {  	v26 =	vmul.f32 v26, v33;
	v34 =	vld [tilespmem:s31+$0x4570];
	v39 =	vmul.f32 v39, v32;
	v29 =	vadd.f32 v41, v29;
	[tilespmem:s31+$0x1D00] =	vst v31  }
0x100: {  	v25 =	vmul.f32 v25, v33;
	v31 =	vld [tilespmem:s31+$0x4560];
	v38 =	vmul.f32 v38, v32;
	v28 =	vadd.f32 v40, v28;
	[tilespmem:s31+$0x1970] =	vst v30  }
0x101: {  	v24 =	vmul.f32 v24, v33;
	v30 =	vld [tilespmem:s31+$0x4550];
	v37 =	vmul.f32 v37, v32;
	v27 =	vadd.f32 v39, v27;
	[tilespmem:s31+$0x1960] =	vst v29  }
0x102: {  	v23 =	vmul.f32 v23, v33;
	v29 =	vld [tilespmem:s31+$0x4540];
	v36 =	vmul.f32 v36, v32;
	v26 =	vadd.f32 v38, v26;
	[tilespmem:s31+$0x1950] =	vst v28  }
0x103: {  	v22 =	vmul.f32 v22, v33;
	v28 =	vld [tilespmem:s31+$0x4530];
	v35 =	vmul.f32 v35, v32;
	v25 =	vadd.f32 v37, v25;
	[tilespmem:s31+$0x1940] =	vst v27  }
0x104: {  	v21 =	vmul.f32 v21, v33;
	v27 =	vld [tilespmem:s31+$0x4520];
	v34 =	vmul.f32 v34, v32;
	v24 =	vadd.f32 v36, v24;
	[tilespmem:s31+$0x1930] =	vst v26  }
0x105: {  	v20 =	vmul.f32 v20, v33;
	v26 =	vld [tilespmem:s31+$0x4510];
	v31 =	vmul.f32 v31, v32;
	v23 =	vadd.f32 v35, v23;
	[tilespmem:s31+$0x1920] =	vst v25  }
0x106: {  	v19 =	vmul.f32 v19, v33;
	v25 =	vld [tilespmem:s31+$0x4500];
	v30 =	vmul.f32 v30, v32;
	v22 =	vadd.f32 v34, v22;
	[tilespmem:s31+$0x1910] =	vst v24  }
0x107: {  	v18 =	vmul.f32 v18, v33;
	v24 =	vld [tilespmem:s31+$0x4170];
	v29 =	vmul.f32 v29, v32;
	v21 =	vadd.f32 v31, v21;
	[tilespmem:s31+$0x1900] =	vst v23  }
0x108: {  	v17 =	vmul.f32 v17, v33;
	v23 =	vld [tilespmem:s31+$0x4160];
	v28 =	vmul.f32 v28, v32;
	v20 =	vadd.f32 v30, v20;
	[tilespmem:s31+$0x1570] =	vst v22  }
0x109: {  	v16 =	vmul.f32 v16, v33;
	v22 =	vmul.f32 v27, v32;
	v19 =	vadd.f32 v29, v19;
	[tilespmem:s31+$0x1560] =	vst v21;
	v21 =	vld [tilespmem:s31+$0x5540]  }
0x10a: {  	v15 =	vmul.f32 v15, v33;
	v26 =	vmul.f32 v26, v32;
	v18 =	vadd.f32 v28, v18;
	[tilespmem:s31+$0x1550] =	vst v20;
	v20 =	vld [tilespmem:s31+$0x5550]  }
0x10b: {  	v14 =	vmul.f32 v14, v33;
	v25 =	vmul.f32 v25, v32;
	v17 =	vadd.f32 v22, v17;
	[tilespmem:s31+$0x1540] =	vst v19;
	v19 =	vld [tilespmem:s31+$0x5560]  }
0x10c: {  	v13 =	vmul.f32 v13, v33;
	v22 =	vmul.f32 v24, v32;
	v16 =	vadd.f32 v26, v16;
	[tilespmem:s31+$0x1530] =	vst v18;
	v18 =	vld [tilespmem:s31+$0x5570]  }
0x10d: {  	v12 =	vmul.f32 v12, v33;
	v23 =	vmul.f32 v23, v32;
	v15 =	vadd.f32 v25, v15;
	[tilespmem:s31+$0x1520] =	vst v17;
	v17 =	vld [tilespmem:s31+$0x2540]  }
0x10e: {  	v10 =	vmul.f32 v10, v33;
	v11 =	vmul.f32 v11, v32;
	v14 =	vadd.f32 v22, v14;
	[tilespmem:s31+$0x1510] =	vst v16;
	v16 =	vld [tilespmem:s31+$0x2550]  }
0x10f: {  	v8 =	vmul.f32 v8, v33;
	v9 =	vmul.f32 v9, v32;
	v13 =	vadd.f32 v23, v13;
	[tilespmem:s31+$0x1500] =	vst v15;
	v15 =	vld [tilespmem:s31+$0x2560]  }
0x110: {  	v6 =	vmul.f32 v6, v33;
	v7 =	vmul.f32 v7, v32;
	v11 =	vadd.f32 v11, v12;
	[tilespmem:s31+$0x1170] =	vst v14;
	v12 =	vld [tilespmem:s31+$0x2570]  }
0x111: {  	v3 =	vmul.f32 v3, v33;
	v5 =	vmul.f32 v5, v32;
	v9 =	vadd.f32 v9, v10;
	v14 =	vld [tilespmem:s31+$0x1100];
	[tilespmem:s31+$0x1160] =	vst v13  }
0x112: {  	v4 =	vmul.f32 v4, v32;
	v7 =	vadd.f32 v7, v8;
	v10 =	vld [tilespmem:s31+$0x4100];
	[tilespmem:s31+$0x1150] =	vst v11;
	v8 =	vmul.f32 v17, v33  }
0x113: {  	s13 =	sshrl.u32 s1, $0x3;
	v5 =	vadd.f32 v5, v6;
	v6 =	vmul.f32 v21, v32;
	[tilespmem:s31+$0x1140] =	vst v9;
	v9 =	vmul.f32 v16, v33  }
0x114: {  	s0 =	sadd.s32 $0x80, s0;
	s13 =	smul.u32 $0x1800, s13;
	v3 =	vadd.f32 v4, v3;
	v4 =	vmul.f32 v20, v32;
	[tilespmem:s31+$0x1130] =	vst v7;
	v7 =	vmul.f32 v15, v33  }
0x115: {  	s15 =	sand.u32 $0x380, s0;
	[tilespmem:s31+$0x1120] =	vst v5;
	v5 =	vadd.f32 v6, v8;
	v6 =	vmul.f32 v19, v32;
	v8 =	vmul.f32 v12, v33  }
0x116: {  	s13 =	sor.u32 s15, s13;
	v9 =	vadd.f32 v4, v9;
	v12 =	vmul.f32 v18, v32;
	v11 =	vmul.f32 v14, v33;
	[tilespmem:s31+$0x1110] =	vst v3  }
0x117: {  	v3 =	vld [tilespmem:s13+$0x1110];
	v10 =	vmul.f32 v10, v32;
	[tilespmem:s31+$0x2540] =	vst v5;
	v5 =	vadd.f32 v6, v7  }
0x118: {  	v7 =	vadd.f32 v12, v8;
	v4 =	vld [tilespmem:s13+$0x4110];
	[tilespmem:s31+$0x2550] =	vst v9  }
0x119: {  	v6 =	vld [tilespmem:s13+$0x1120];
	v9 =	vadd.f32 v10, v11;
	[tilespmem:s31+$0x2560] =	vst v5  }
0x11a: {  	v5 =	vld [tilespmem:s13+$0x4120];
	[tilespmem:s31+$0x2570] =	vst v7  }
0x11b: {  	v8 =	vld [tilespmem:s13+$0x1130];
	[tilespmem:s31+$0x1100] =	vst v9;
	s31 =	smov.u32 s13  }
0x11c: {  	v7 =	vld [tilespmem:s31+$0x4130]  }
0x11d: {  	v10 =	vld [tilespmem:s31+$0x1140]  }
0x11e: {  	v9 =	vld [tilespmem:s31+$0x4140]  }
0x11f: {  	v12 =	vld [tilespmem:s31+$0x1150]  }
0x120: {  	v11 =	vld [tilespmem:s31+$0x4150]  }
0x121: {  	v13 =	vld [tilespmem:s31+$0x1160]  }
0x122: {  	v14 =	vld [tilespmem:s31+$0x1170]  }
0x123: {  	v15 =	vld [tilespmem:s31+$0x1500]  }
0x124: {  	v16 =	vld [tilespmem:s31+$0x1510]  }
0x125: {  	v17 =	vld [tilespmem:s31+$0x1520]  }
0x126: {  	v18 =	vld [tilespmem:s31+$0x1530]  }
0x127: {  	v19 =	vld [tilespmem:s31+$0x1540]  }
0x128: {  	v20 =	vld [tilespmem:s31+$0x1550]  }
0x129: {  	v21 =	vld [tilespmem:s31+$0x1560]  }
0x12a: {  	v22 =	vld [tilespmem:s31+$0x1570]  }
0x12b: {  	v23 =	vld [tilespmem:s31+$0x1900]  }
0x12c: {  	v24 =	vld [tilespmem:s31+$0x1910]  }
0x12d: {  	v25 =	vld [tilespmem:s31+$0x1920]  }
0x12e: {  	v26 =	vld [tilespmem:s31+$0x1930]  }
0x12f: {  	v27 =	vld [tilespmem:s31+$0x1940]  }
0x130: {  	v28 =	vld [tilespmem:s31+$0x1950]  }
0x131: {  	v29 =	vld [tilespmem:s31+$0x1960]  }
0x132: {  	v30 =	vld [tilespmem:s31+$0x1970]  }
0x133: {  	v31 =	vld [tilespmem:s31+$0x1D00]  }
0x134: {  	v34 =	vld [tilespmem:s31+$0x1D10]  }
0x135: {  	v35 =	vld [tilespmem:s31+$0x1D20]  }
0x136: {  	v36 =	vld [tilespmem:s31+$0x1D30]  }
0x137: {  	v37 =	vld [tilespmem:s31+$0x1D40]  }
0x138: {  	v38 =	vld [tilespmem:s31+$0x1D50]  }
0x139: {  	v39 =	vld [tilespmem:s31+$0x1D60]  }
0x13a: {  	v40 =	vld [tilespmem:s31+$0x1D70]  }
0x13b: {  	v41 =	vld [tilespmem:s31+$0x2100]  }
0x13c: {  	v42 =	vld [tilespmem:s31+$0x2110]  }
0x13d: {  	v43 =	vld [tilespmem:s31+$0x2120]  }
0x13e: {  	v44 =	vld [tilespmem:s31+$0x2130]  }
0x13f: {  	v45 =	vld [tilespmem:s31+$0x2140]  }
0x140: {  	v46 =	vld [tilespmem:s31+$0x2150]  }
.Ltmp0:
0x141: {  	v47 =	vld [tilespmem:s31+$0x2160];
	(pc) =	sbr.rel @p0 .LBB2_2-.Ltmp0, $4  }
0x142: {  	v48 =	vld [tilespmem:s31+$0x2500]  }
0x143: {  	v50 =	vld [tilespmem:s31+$0x2510]  }
0x144: {  	v49 =	vld [tilespmem:s31+$0x5510]  }
0x145: {  	s1 =	sadd.s32 $0x1, s1;
	v51 =	vld [tilespmem:s31+$0x5530]  }
0x146: {  	v52 =	vld [tilespmem:s31+$0x2530]  }
0x147: {  	v53 =	vld [tilespmem:s31+$0x2520];
	s0 =	sadd.s32 $0x80, s29  }
0x148: {  	s30 =	sadd.s32 $0x80, s30;
	v32 =	vld [tilespmem:s0+$0x0]  }
0x149: {  	v33 =	vld [tilespmem:s30+$0x0]  }
0x14a: {  	v54 =	vld [tilespmem:s31+$0x5520];
	_ =	sdelay $0x1  }
0x14b: {  	v55 =	vld [tilespmem:s31+$0x5500]  }
0x14c: {  	v56 =	vld [tilespmem:s31+$0x2170]  }
0x14d: {  	v58 =	vld [tilespmem:s31+$0x5160];
	v52 =	vmul.f32 v52, v32;
	v51 =	vmul.f32 v51, v33  }
0x14e: {  	v57 =	vld [tilespmem:s31+$0x5170];
	v53 =	vmul.f32 v53, v32;
	v54 =	vmul.f32 v54, v33  }
0x14f: {  	v59 =	vld [tilespmem:s31+$0x5150];
	v50 =	vmul.f32 v50, v32;
	v49 =	vmul.f32 v49, v33  }
0x150: {  	v60 =	vld [tilespmem:s31+$0x5140];
	v48 =	vmul.f32 v48, v32;
	v62 =	vmul.f32 v55, v33;
	v51 =	vadd.f32 v51, v52  }
0x151: {  	v61 =	vld [tilespmem:s31+$0x5120];
	v63 =	vmul.f32 v56, v32;
	v47 =	vmul.f32 v47, v32;
	v53 =	vadd.f32 v54, v53  }
0x152: {  	v58 =	vmul.f32 v58, v33;
	v55 =	vld [tilespmem:s31+$0x4560];
	v12 =	vmul.f32 v12, v32;
	v49 =	vadd.f32 v49, v50;
	[tilespmem:s31+$0x2530] =	vst v51  }
0x153: {  	v56 =	vld [tilespmem:s31+$0x4550];
	v11 =	vmul.f32 v11, v33;
	v10 =	vmul.f32 v10, v32;
	v48 =	vadd.f32 v62, v48;
	[tilespmem:s31+$0x2520] =	vst v53  }
0x154: {  	v9 =	vmul.f32 v9, v33;
	v8 =	vmul.f32 v8, v32;
	v52 =	vld [tilespmem:s31+$0x5130];
	v47 =	vadd.f32 v58, v47;
	[tilespmem:s31+$0x2510] =	vst v49  }
0x155: {  	v7 =	vmul.f32 v7, v33;
	v6 =	vmul.f32 v6, v32;
	v50 =	vld [tilespmem:s31+$0x5100];
	v11 =	vadd.f32 v11, v12;
	[tilespmem:s31+$0x2500] =	vst v48  }
0x156: {  	v5 =	vmul.f32 v5, v33;
	v3 =	vmul.f32 v3, v32;
	v58 =	vld [tilespmem:s31+$0x4D20];
	v9 =	vadd.f32 v9, v10;
	[tilespmem:s31+$0x2160] =	vst v47  }
0x157: {  	v4 =	vmul.f32 v4, v33;
	v62 =	vmul.f32 v59, v33;
	v59 =	vld [tilespmem:s31+$0x4D10];
	v7 =	vadd.f32 v7, v8;
	[tilespmem:s31+$0x1150] =	vst v11  }
0x158: {  	v57 =	vmul.f32 v57, v33;
	v54 =	vld [tilespmem:s31+$0x4570];
	v5 =	vadd.f32 v5, v6;
	[tilespmem:s31+$0x1140] =	vst v9  }
0x159: {  	v46 =	vmul.f32 v46, v32;
	v3 =	vadd.f32 v4, v3;
	v51 =	vld [tilespmem:s31+$0x5110];
	[tilespmem:s31+$0x1130] =	vst v7  }
0x15a: {  	v45 =	vmul.f32 v45, v32;
	v49 =	vld [tilespmem:s31+$0x4D70];
	v53 =	vadd.f32 v57, v63;
	v63 =	vmul.f32 v60, v33;
	[tilespmem:s31+$0x1120] =	vst v5  }
0x15b: {  	v43 =	vmul.f32 v43, v32;
	v48 =	vld [tilespmem:s31+$0x4D60];
	v46 =	vadd.f32 v62, v46;
	v57 =	vmul.f32 v61, v33;
	[tilespmem:s31+$0x1110] =	vst v3  }
0x15c: {  	v44 =	vmul.f32 v44, v32;
	v47 =	vld [tilespmem:s31+$0x4D40];
	[tilespmem:s31+$0x2170] =	vst v53;
	v45 =	vadd.f32 v63, v45;
	v52 =	vmul.f32 v52, v33  }
0x15d: {  	v41 =	vmul.f32 v41, v32;
	v60 =	vld [tilespmem:s31+$0x4D00];
	[tilespmem:s31+$0x2150] =	vst v46;
	v43 =	vadd.f32 v57, v43;
	v50 =	vmul.f32 v50, v33  }
0x15e: {  	v35 =	vmul.f32 v35, v32;
	v61 =	vld [tilespmem:s31+$0x4970];
	[tilespmem:s31+$0x2140] =	vst v45;
	v45 =	vmul.f32 v58, v33;
	v44 =	vadd.f32 v52, v44  }
0x15f: {  	v42 =	vmul.f32 v42, v32;
	v53 =	vld [tilespmem:s31+$0x4D50];
	[tilespmem:s31+$0x2120] =	vst v43;
	v51 =	vmul.f32 v51, v33;
	v41 =	vadd.f32 v50, v41  }
0x160: {  	v40 =	vmul.f32 v40, v32;
	v46 =	vld [tilespmem:s31+$0x4D30];
	v49 =	vmul.f32 v49, v33;
	v35 =	vadd.f32 v45, v35;
	[tilespmem:s31+$0x2130] =	vst v44  }
0x161: {  	v39 =	vmul.f32 v39, v32;
	v62 =	vld [tilespmem:s31+$0x4960];
	v48 =	vmul.f32 v48, v33;
	v42 =	vadd.f32 v51, v42;
	[tilespmem:s31+$0x2100] =	vst v41  }
0x162: {  	v37 =	vmul.f32 v37, v32;
	v57 =	vld [tilespmem:s31+$0x4540];
	v47 =	vmul.f32 v47, v33;
	v40 =	vadd.f32 v49, v40;
	[tilespmem:s31+$0x1D20] =	vst v35  }
0x163: {  	v31 =	vmul.f32 v31, v32;
	v58 =	vld [tilespmem:s31+$0x4530];
	v43 =	vmul.f32 v60, v33;
	v39 =	vadd.f32 v48, v39;
	[tilespmem:s31+$0x2110] =	vst v42  }
0x164: {  	v38 =	vmul.f32 v38, v32;
	v50 =	vld [tilespmem:s31+$0x4930];
	v63 =	vmul.f32 v53, v33;
	v37 =	vadd.f32 v47, v37;
	[tilespmem:s31+$0x1D70] =	vst v40  }
0x165: {  	v36 =	vmul.f32 v36, v32;
	v60 =	vld [tilespmem:s31+$0x4510];
	v46 =	vmul.f32 v46, v33;
	v31 =	vadd.f32 v43, v31;
	[tilespmem:s31+$0x1D60] =	vst v39  }
0x166: {  	v34 =	vmul.f32 v34, v32;
	v52 =	vld [tilespmem:s31+$0x4910];
	v44 =	vmul.f32 v59, v33;
	v38 =	vadd.f32 v63, v38;
	[tilespmem:s31+$0x1D40] =	vst v37  }
0x167: {  	v29 =	vmul.f32 v29, v32;
	v45 =	vld [tilespmem:s31+$0x2540];
	v41 =	vmul.f32 v62, v33;
	v36 =	vadd.f32 v46, v36;
	[tilespmem:s31+$0x1D00] =	vst v31  }
0x168: {  	v21 =	vmul.f32 v21, v32;
	v48 =	vld [tilespmem:s31+$0x4950];
	v62 =	vmul.f32 v55, v33;
	v34 =	vadd.f32 v44, v34;
	[tilespmem:s31+$0x1D50] =	vst v38  }
0x169: {  	v30 =	vmul.f32 v30, v32;
	v49 =	vld [tilespmem:s31+$0x4940];
	v42 =	vmul.f32 v61, v33;
	v29 =	vadd.f32 v41, v29;
	[tilespmem:s31+$0x1D30] =	vst v36  }
0x16a: {  	v16 =	vmul.f32 v16, v32;
	v51 =	vld [tilespmem:s31+$0x4920];
	v21 =	vadd.f32 v62, v21;
	v41 =	vmul.f32 v60, v33;
	[tilespmem:s31+$0x1D10] =	vst v34  }
0x16b: {  	v26 =	vmul.f32 v26, v32;
	v53 =	vld [tilespmem:s31+$0x4900];
	v30 =	vadd.f32 v42, v30;
	[tilespmem:s31+$0x1960] =	vst v29;
	v38 =	vmul.f32 v50, v33  }
0x16c: {  	v24 =	vmul.f32 v24, v32;
	v59 =	vld [tilespmem:s31+$0x4520];
	v36 =	vmul.f32 v52, v33;
	[tilespmem:s31+$0x1560] =	vst v21;
	v16 =	vadd.f32 v41, v16  }
0x16d: {  	v22 =	vmul.f32 v22, v32;
	v43 =	vld [tilespmem:s31+$0x5570];
	v34 =	vmul.f32 v54, v33;
	[tilespmem:s31+$0x1970] =	vst v30;
	v26 =	vadd.f32 v38, v26  }
0x16e: {  	v28 =	vmul.f32 v28, v32;
	v61 =	vld [tilespmem:s31+$0x4500];
	v40 =	vmul.f32 v48, v33;
	v24 =	vadd.f32 v36, v24;
	[tilespmem:s31+$0x1510] =	vst v16  }
0x16f: {  	v27 =	vmul.f32 v27, v32;
	v63 =	vld [tilespmem:s31+$0x4170];
	v39 =	vmul.f32 v49, v33;
	v22 =	vadd.f32 v34, v22;
	[tilespmem:s31+$0x1930] =	vst v26  }
0x170: {  	v25 =	vmul.f32 v25, v32;
	v46 =	vld [tilespmem:s31+$0x2550];
	v37 =	vmul.f32 v51, v33;
	v28 =	vadd.f32 v40, v28;
	[tilespmem:s31+$0x1910] =	vst v24  }
0x171: {  	v23 =	vmul.f32 v23, v32;
	v50 =	vld [tilespmem:s31+$0x4100];
	v35 =	vmul.f32 v53, v33;
	v27 =	vadd.f32 v39, v27;
	[tilespmem:s31+$0x1570] =	vst v22  }
0x172: {  	v20 =	vmul.f32 v20, v32;
	v48 =	vld [tilespmem:s31+$0x2560];
	v30 =	vmul.f32 v56, v33;
	v25 =	vadd.f32 v37, v25;
	[tilespmem:s31+$0x1950] =	vst v28  }
0x173: {  	v19 =	vmul.f32 v19, v32;
	v51 =	vld [tilespmem:s31+$0x1100];
	v23 =	vadd.f32 v35, v23;
	v35 =	vmul.f32 v57, v33;
	[tilespmem:s31+$0x1940] =	vst v27  }
0x174: {  	v18 =	vmul.f32 v18, v32;
	v34 =	vld [tilespmem:s31+$0x4160];
	v37 =	vmul.f32 v58, v33;
	v20 =	vadd.f32 v30, v20;
	[tilespmem:s31+$0x1920] =	vst v25  }
0x175: {  	v17 =	vmul.f32 v17, v32;
	v36 =	vld [tilespmem:s31+$0x5540];
	v39 =	vmul.f32 v59, v33;
	[tilespmem:s31+$0x1900] =	vst v23;
	v19 =	vadd.f32 v35, v19  }
0x176: {  	v15 =	vmul.f32 v15, v32;
	v38 =	vld [tilespmem:s31+$0x5550];
	v42 =	vmul.f32 v61, v33;
	v18 =	vadd.f32 v37, v18;
	[tilespmem:s31+$0x1550] =	vst v20  }
0x177: {  	v14 =	vmul.f32 v14, v32;
	v40 =	vld [tilespmem:s31+$0x5560];
	v44 =	vmul.f32 v63, v33;
	v17 =	vadd.f32 v39, v17;
	[tilespmem:s31+$0x1540] =	vst v19  }
0x178: {  	v49 =	vld [tilespmem:s31+$0x2570];
	v15 =	vadd.f32 v42, v15;
	v10 =	vmul.f32 v50, v33;
	v61 =	vmul.f32 v51, v32;
	[tilespmem:s31+$0x1530] =	vst v18  }
0x179: {  	v13 =	vmul.f32 v13, v32;
	v14 =	vadd.f32 v44, v14;
	[tilespmem:s31+$0x1520] =	vst v17;
	v47 =	vmul.f32 v34, v33  }
0x17a: {  	v52 =	vmul.f32 v45, v32;
	[tilespmem:s31+$0x1500] =	vst v15;
	v53 =	vmul.f32 v36, v33;
	v63 =	vadd.f32 v10, v61  }
0x17b: {  	v54 =	vmul.f32 v46, v32;
	[tilespmem:s31+$0x1170] =	vst v14;
	v55 =	vmul.f32 v38, v33;
	v13 =	vadd.f32 v47, v13  }
0x17c: {  	v56 =	vmul.f32 v48, v32;
	v58 =	vmul.f32 v40, v33;
	v57 =	vadd.f32 v53, v52;
	[tilespmem:s31+$0x1100] =	vst v63  }
0x17d: {  	v60 =	vmul.f32 v43, v33;
	v59 =	vmul.f32 v49, v32;
	v3 =	vadd.f32 v55, v54;
	[tilespmem:s31+$0x1160] =	vst v13  }
0x17e: {  	v62 =	vadd.f32 v58, v56;
	[tilespmem:s31+$0x2540] =	vst v57  }
0x17f: {  	s28 =	sadd.s32 $0x1, s28;
	[tilespmem:s31+$0x2550] =	vst v3;
	v3 =	vadd.f32 v60, v59  }
0x180: {  	p0 =	sne.s32 s28, s11;
	[tilespmem:s31+$0x2560] =	vst v62  }
.Ltmp1:
0x181: {  	[tilespmem:s31+$0x2570] =	vst v3;
	(pc) =	sbr.rel @p0 .LBB2_1-.Ltmp1, $4  }
0x182: {  	[hbm4b:s10+s2] =	stream.linear.scatter [tilespmem:s14], [sflag:$0x2], $0x3000, $0x38;
	[tilespmem:$0x7100] =	vst v63  }
0x183: {  	_ =	swait.ge [sflag:s12], $0x3000  }
0x184: {  	[sflag:s12] =	ssyncset.done $0x0  }
0x185: {  	[sflag:s12] =	ssyncadd.s32 $0xFFFFD000  }
0x186: {  	_ =	sfence.sel $0x180000  }
0x187: {  	[bflag:$0x0] =	sbarrier.arrive $0xFFFF  }
0x188: {  	_ =	strace $0x9000004A  }
0x189: {  	s0 =	stileid.u32;
	[bflag:$0x2] =	sbarrier.arrive $0xFFFF  }
0x18a: {  	p0 =	sne.s32 s0, $0x0;
	s0 =	rddreg [dreg:$0x2]  }
0x18b: {  	s0 =	sadd.s32 @!p0 $0x100000, s0  }
0x18c: {  	[sflag:s0] =	ssyncadd.tile.s32 @!p0 $0x1;
	_ =	shalt  }
.Lfunc_end2:
_tile_overlayer_lowered:
.L_overlay_start_2:
0x18d: {  	(tag) =	ssettag $0x2  }
0x18e: {  	s0 =	rddreg [dreg:$0x0];
	s2 =	stileid.u32  }
0x18f: {  	s1 =	rddreg [dreg:$0x1];
	p0 =	sne.s32 s2, $0x0  }
0x190: {  	s3 =	rddreg [dreg:$0x2];
	[bflag:$0x3] =	sbarrier.arrive $0xFFFF;
	s2 =	simm.s32 @!p0 $0x1C02  }
0x191: {  	[timem:s3], [sflag:s2] =	dma.local @!p0 [hbm:s0], s1  }
0x192: {  	s0 =	simm.s32 @!p0 $0x2  }
0x193: {  	_ =	swait.ge @!p0 [sflag:s0], s1  }
0x194: {  	s1 =	ssub.s32 @!p0 $0x0, s1;
	[sflag:s0] =	ssyncset.done @!p0 $0x0  }
0x195: {  	[sflag:s0] =	ssyncadd.s32 @!p0 s1  }
0x196: {  	[bflag:$0x3] =	sbarrier.arrive $0xFFFF  }
0x197: {  	_ =	shalt  }

</sc_bundles>
